<compile_context>
chip_gen: v7x
topology: tpu7x:2x2x1
jax: 0.10.2.dev20260603
libtpu: 0.0.44.dev20260713+nightly
codegen_flags: <defaults>
</compile_context>

<pallas_src>
import jax
import jax.numpy as jnp
from jax import lax
from jax.experimental import pallas as pl
from jax.experimental.pallas import tpu as pltpu
from jax.experimental.pallas import tpu_sc as plsc

N = 10000
E = 320000
H = 128
HH = H // 2

NC, NS = 2, 16
CH = 128
NCHUNK = 162
EPT = NCHUNK * CH
EPAD = NS * EPT
NPAD = 10240
RPT = NPAD // NS
CNTW = 8
NBUF = 3

BLK = 1024
GRID = NPAD // BLK

_f32 = jnp.float32
_bf16 = jnp.bfloat16


def _seg_body(src_hbm, dst_hbm, h_hbm, ones_hbm, zrow_hbm, zcnt_hbm,
              flag_hbm, acc_hbm, cnt_hbm,
              src_v, dst_v, rows_v, ones_v, zbuf, cbuf, flag_sm,
              acc_sh, cnt_sh, gsem, ssem):
    cid = lax.axis_index("c")
    sid = lax.axis_index("s")
    pltpu.sync_copy(flag_hbm, flag_sm)
    do_cnt = jnp.max(flag_sm[...]) == 1

    pltpu.sync_copy(zrow_hbm, zbuf)
    row0 = sid * RPT
    for k in range(RPT // 128):
        pltpu.async_copy(zbuf, acc_sh.at[pl.ds(row0 + k * 128, 128)], ssem)

    @pl.when(do_cnt)
    def _():
        pltpu.sync_copy(ones_hbm, ones_v)
        pltpu.sync_copy(zcnt_hbm, cbuf)
        pltpu.sync_copy(cbuf, cnt_sh.at[pl.ds(row0, RPT)])

    pltpu.async_copy(src_hbm.at[pl.ds(sid * NCHUNK, NCHUNK)], src_v, gsem)
    pltpu.async_copy(dst_hbm.at[pl.ds(sid * NCHUNK, NCHUNK)], dst_v, gsem)
    for k in range(RPT // 128):
        pltpu.make_async_copy(zbuf, acc_sh.at[pl.ds(row0 + k * 128, 128)],
                              ssem).wait()
    pltpu.make_async_copy(src_hbm.at[pl.ds(sid * NCHUNK, NCHUNK)], src_v,
                          gsem).wait()
    pltpu.make_async_copy(dst_hbm.at[pl.ds(sid * NCHUNK, NCHUNK)], dst_v,
                          gsem).wait()
    plsc.subcore_barrier()

    htab = h_hbm.at[cid]

    for pb in range(NBUF - 1):
        pltpu.async_copy(htab.at[src_v.at[pb]], rows_v.at[pb], gsem)

    def gbody(g, carry):
        for b in range(NBUF):
            j = g * NBUF + b
            pltpu.make_async_copy(htab.at[src_v.at[j]], rows_v.at[b],
                                  gsem).wait()

            @pl.when(j + NBUF - 1 < NCHUNK)
            def _():
                pltpu.async_copy(htab.at[src_v.at[j + NBUF - 1]],
                                 rows_v.at[(b + NBUF - 1) % NBUF], gsem)

            pltpu.sync_copy(rows_v.at[b], acc_sh.at[dst_v.at[j]], add=True)

            @pl.when(do_cnt & ((j < NCHUNK // 2) == (cid == 0)))
            def _():
                pltpu.sync_copy(ones_v, cnt_sh.at[dst_v.at[j]], add=True)
        return carry

    lax.fori_loop(0, NCHUNK // NBUF, gbody, 0)
    plsc.subcore_barrier()

    for k in range(RPT // 128):
        b = k % NBUF
        r = row0 + k * 128
        if k >= NBUF:
            rp = row0 + (k - NBUF) * 128
            pltpu.make_async_copy(rows_v.at[b],
                                  acc_hbm.at[cid].at[pl.ds(rp, 128)],
                                  ssem).wait()
        pltpu.sync_copy(acc_sh.at[pl.ds(r, 128)], rows_v.at[b])
        pltpu.async_copy(rows_v.at[b], acc_hbm.at[cid].at[pl.ds(r, 128)],
                         ssem)
    for k in range(RPT // 128 - NBUF, RPT // 128):
        r = row0 + k * 128
        pltpu.make_async_copy(rows_v.at[k % NBUF],
                              acc_hbm.at[cid].at[pl.ds(r, 128)], ssem).wait()

    @pl.when(do_cnt)
    def _():
        pltpu.sync_copy(cnt_sh.at[pl.ds(row0, RPT)], cbuf)
        pltpu.sync_copy(cbuf, cnt_hbm.at[cid].at[pl.ds(row0, RPT)])


_seg_kernel = pl.kernel(
    _seg_body,
    out_type=(
        pltpu.HBM((NC, NPAD, HH), _bf16),
        pltpu.HBM((NC, NPAD, CNTW), _f32),
    ),
    mesh=plsc.VectorSubcoreMesh(core_axis_name="c", subcore_axis_name="s"),
    compiler_params=pltpu.CompilerParams(use_tc_tiling_on_sc=False,
                                         needs_layout_passes=False),
    scratch_types=[
        pltpu.VMEM((NCHUNK, CH), jnp.int32),
        pltpu.VMEM((NCHUNK, CH), jnp.int32),
        pltpu.VMEM((NBUF, CH, HH), _bf16),
        pltpu.VMEM((CH, CNTW), _f32),
        pltpu.VMEM((128, HH), _bf16),
        pltpu.VMEM((RPT, CNTW), _f32),
        pltpu.VMEM((16,), jnp.int32),
        pltpu.VMEM_SHARED((NPAD, HH), _bf16),
        pltpu.VMEM_SHARED((NPAD, CNTW), _f32),
        pltpu.SemaphoreType.DMA,
        pltpu.SemaphoreType.DMA,
    ],
)


def _mm_h_body(x_ref, W_ref, h_ref):
    hfull = jnp.dot(x_ref[...], W_ref[...], preferred_element_type=_f32)
    h_ref[0] = hfull[:, :HH].astype(_bf16)
    h_ref[1] = hfull[:, HH:].astype(_bf16)


def _mm_xc_body(x_ref, lW_ref, lb_ref, xc_ref):
    xc_ref[...] = lax.dot_general(
        x_ref[...], lW_ref[...], (((1,), (1,)), ((), ())),
        preferred_element_type=_f32) + lb_ref[...]


def _combine(p_ref, c_ref, h_ref, xc_ref):
    s = jnp.concatenate(
        [p_ref[0].astype(_f32) + h_ref[0].astype(_f32),
         p_ref[1].astype(_f32) + h_ref[1].astype(_f32)], axis=-1)
    cnt = c_ref[0, :, 0:1] + c_ref[1, :, 0:1] + 1.0
    return jnp.maximum(s / jnp.maximum(cnt, 1.0) + xc_ref[...], 0.0)


def _comb_body(p_ref, c_ref, h_ref, xc_ref, W_ref, h2_ref, x1_ref):
    x1 = _combine(p_ref, c_ref, h_ref, xc_ref)
    x1_ref[...] = x1
    hfull = jnp.dot(x1, W_ref[...], preferred_element_type=_f32)
    h2_ref[0] = hfull[:, :HH].astype(_bf16)
    h2_ref[1] = hfull[:, HH:].astype(_bf16)


def _final_body(p_ref, c_ref, h_ref, xc_ref, W3_ref, b3_ref, out_ref):
    x2 = _combine(p_ref, c_ref, h_ref, xc_ref)
    logits = lax.dot_general(
        x2, W3_ref[...], (((1,), (1,)), ((), ())),
        preferred_element_type=_f32) + b3_ref[...]
    m = jnp.max(logits, axis=-1, keepdims=True)
    lse = jnp.log(jnp.sum(jnp.exp(logits - m), axis=-1, keepdims=True)) + m
    out_ref[...] = logits - lse


def _row_spec(width=H):
    return pl.BlockSpec((BLK, width), lambda i: (i, 0))


def _split_spec(width=HH):
    return pl.BlockSpec((NC, BLK, width), lambda i: (0, i, 0))


_w_spec = pl.BlockSpec((H, H), lambda i: (0, 0))
_b_spec = pl.BlockSpec((1, H), lambda i: (0, 0))

_split_shape = jax.ShapeDtypeStruct((NC, NPAD, HH), _bf16)
_full_shape = jax.ShapeDtypeStruct((NPAD, H), _f32)

_x_spec = pl.BlockSpec((BLK, H), lambda i: (i, 0))

_mm_h = pl.pallas_call(
    _mm_h_body,
    grid=(GRID,),
    in_specs=[_x_spec, _w_spec],
    out_specs=_split_spec(),
    out_shape=_split_shape,
)

_mm_xc = pl.pallas_call(
    _mm_xc_body,
    grid=(GRID,),
    in_specs=[_x_spec, _w_spec, _b_spec],
    out_specs=_row_spec(),
    out_shape=_full_shape,
)

_comb = pl.pallas_call(
    _comb_body,
    grid=(GRID,),
    in_specs=[_split_spec(), _split_spec(CNTW), _split_spec(), _row_spec(),
              _w_spec],
    out_specs=[_split_spec(), _row_spec()],
    out_shape=[_split_shape, _full_shape],
)

_final = pl.pallas_call(
    _final_body,
    grid=(GRID,),
    in_specs=[_split_spec(), _split_spec(CNTW), _split_spec(), _row_spec(),
              _w_spec, _b_spec],
    out_specs=_row_spec(),
    out_shape=jax.ShapeDtypeStruct((NPAD, H), _f32),
)


def kernel(x0, edge_index, W1, linW1, linb1, W2, linW2, linb2, W3, b3):
    pad_e = EPAD - E
    srcp = jnp.concatenate(
        [edge_index[0], jnp.zeros((pad_e,), jnp.int32)]).reshape(-1, CH)
    dstp = jnp.concatenate(
        [edge_index[1],
         N + jnp.arange(pad_e, dtype=jnp.int32) % (NPAD - N)]).reshape(-1, CH)
    ones = jnp.ones((CH, CNTW), _f32)
    zrow = jnp.zeros((128, HH), _bf16)
    zcnt = jnp.zeros((RPT, CNTW), _f32)
    lb1 = linb1.reshape(1, H)
    lb2 = linb2.reshape(1, H)
    b3r = b3.reshape(1, H)

    f1 = jnp.ones((16,), jnp.int32)
    f0 = jnp.zeros((16,), jnp.int32)

    x0p = jnp.pad(x0, ((0, NPAD - N), (0, 0)))
    h1 = _mm_h(x0p, W1)
    p1, c1 = _seg_kernel(srcp, dstp, h1, ones, zrow, zcnt, f1)
    xc1 = _mm_xc(x0p, linW1, lb1)
    h2, x1 = _comb(p1, c1, h1, xc1, W2)
    p2, _ = _seg_kernel(srcp, dstp, h2, ones, zrow, zcnt, f0)
    xc2 = _mm_xc(x1, linW2, lb2)
    return _final(p2, c1, h2, xc2, W3, b3r)[:N]

# --- scband reference (transcript-rebuilt; emitter-appended) ---
"""Pipeline reference for scband-gcn-10161892623037 (READ-ONLY COPY).

The authoritative reference and input builder live on the scoring server;
editing this copy changes nothing except your own understanding.
"""

import jax, jax.numpy as jnp
import numpy as np

N = 10000
E = 320000
D = 128
H = 128
O = 128


def setup_inputs(seed: int = 0) -> dict:
    key = jax.random.key(seed)
    ks = jax.random.split(key, 12)
    x0 = jax.random.normal(ks[0], (N, D), dtype=jnp.float32)
    edge_index = jax.random.randint(ks[1], (2, E), 0, N, dtype=jnp.int32)
    s = 0.05
    W1 = jax.random.normal(ks[2], (D, H), dtype=jnp.float32) * s
    linW1 = jax.random.normal(ks[3], (H, D), dtype=jnp.float32) * s
    linb1 = jax.random.normal(ks[4], (H,), dtype=jnp.float32) * s
    W2 = jax.random.normal(ks[5], (H, H), dtype=jnp.float32) * s
    linW2 = jax.random.normal(ks[6], (H, H), dtype=jnp.float32) * s
    linb2 = jax.random.normal(ks[7], (H,), dtype=jnp.float32) * s
    W3 = jax.random.normal(ks[8], (O, H), dtype=jnp.float32) * s
    b3 = jax.random.normal(ks[9], (O,), dtype=jnp.float32) * s
    return {"x0": x0, "edge_index": edge_index, "W1": W1, "linW1": linW1,
            "linb1": linb1, "W2": W2, "linW2": linW2, "linb2": linb2,
            "W3": W3, "b3": b3}


def _graph_conv(x, edge_index, W, linW, linb):
    # add self loops
    n = x.shape[0]
    loops = jnp.arange(n, dtype=edge_index.dtype)
    src = jnp.concatenate([edge_index[0], loops])
    dst = jnp.concatenate([edge_index[1], loops])
    # x_cen = lin(x_cen); here x_cen == x
    x_cen = x @ linW.T + linb
    # h = x @ weight
    h = x @ W
    # mean aggregation of messages h_j (gathered at source) into dst nodes
    msgs = jnp.take(h, src, axis=0)
    summed = jax.ops.segment_sum(msgs, dst, num_segments=n)
    cnt = jax.ops.segment_sum(jnp.ones((src.shape[0],), dtype=h.dtype), dst,
                              num_segments=n)
    aggr_out = summed / jnp.maximum(cnt, 1.0)[:, None]
    return aggr_out + x_cen


def reference(x0, edge_index, W1, linW1, linb1, W2, linW2, linb2, W3, b3):
    # eval mode: dropout is identity
    x1 = jax.nn.relu(_graph_conv(x0, edge_index, W1, linW1, linb1))
    x2 = jax.nn.relu(_graph_conv(x1, edge_index, W2, linW2, linb2))
    out = x2 @ W3.T + b3
    return jax.nn.log_softmax(out, axis=-1)

if __name__ == "__main__":
    import jax
    _d = setup_inputs()
    print(jax.jit(kernel)(*tuple(_d.values())))

</pallas_src>

<mosaic_0001>
#map = affine_map<(d0, d1) -> (0, 0)>
#map1 = affine_map<(d0, d1) -> (0, 0, 0)>
#map2 = affine_map<(d0, d1) -> (0)>
module attributes {stable_mosaic.version = 14 : i64} {
  func.func @_seg_body(%arg0: i32, %arg1: i32, %arg2: memref<2592x128xi32, #tpu.memory_space<hbm>>, %arg3: memref<2592x128xi32, #tpu.memory_space<hbm>>, %arg4: memref<2x10240x64xbf16, #tpu.memory_space<hbm>>, %arg5: memref<128x8xf32, #tpu.memory_space<hbm>>, %arg6: memref<128x64xbf16, #tpu.memory_space<hbm>>, %arg7: memref<640x8xf32, #tpu.memory_space<hbm>>, %arg8: memref<16xi32, #tpu.memory_space<hbm>>, %arg9: memref<2x10240x64xbf16, #tpu.memory_space<hbm>>, %arg10: memref<2x10240x8xf32, #tpu.memory_space<hbm>>, %arg11: memref<162x128xi32, #tpu.memory_space<vmem>>, %arg12: memref<162x128xi32, #tpu.memory_space<vmem>>, %arg13: memref<3x128x64xbf16, #tpu.memory_space<vmem>>, %arg14: memref<128x8xf32, #tpu.memory_space<vmem>>, %arg15: memref<128x64xbf16, #tpu.memory_space<vmem>>, %arg16: memref<640x8xf32, #tpu.memory_space<vmem>>, %arg17: memref<16xi32, #tpu.memory_space<vmem>>, %arg18: memref<10240x64xbf16, #tpu.memory_space<vmem_shared>>, %arg19: memref<10240x8xf32, #tpu.memory_space<vmem_shared>>, %arg20: memref<!tpu.dma_semaphore, #tpu.memory_space<semaphore_mem>>, %arg21: memref<!tpu.dma_semaphore, #tpu.memory_space<semaphore_mem>>) attributes {dimension_semantics = [#tpu.dimension_semantics<core_parallel>, #tpu.dimension_semantics<subcore_parallel>], iteration_bounds = array<i64: 2, 16>, scalar_prefetch = 0 : i64, scratch_operands = 11 : i64, tpu.core_type = #tpu.core_type<sc_vector_subcore>, window_params = [{transform_indices = #map}, {transform_indices = #map}, {transform_indices = #map1}, {transform_indices = #map}, {transform_indices = #map}, {transform_indices = #map}, {transform_indices = #map2}, {transform_indices = #map1}, {transform_indices = #map1}]} {
    "tpu.region"() ({
      %run_scoped3A_367 = tpu.sem_alloc : memref<!tpu.dma_semaphore, #tpu.memory_space<semaphore_mem>>
      tpu.enqueue_dma source(%arg8 : memref<16xi32, #tpu.memory_space<hbm>>) target(%arg17 : memref<16xi32, #tpu.memory_space<vmem>>) target_semaphore(%run_scoped3A_367 : memref<!tpu.dma_semaphore, #tpu.memory_space<semaphore_mem>>)
      tpu.wait_dma2 semaphore(%run_scoped3A_367 : memref<!tpu.dma_semaphore, #tpu.memory_space<semaphore_mem>>) src(%arg8 : memref<16xi32, #tpu.memory_space<hbm>>) dst(%arg17 : memref<16xi32, #tpu.memory_space<vmem>>)
      tpu.yield
    }) : () -> ()
    %get3A = arith.constant 0 : index
    %get3A_0 = tpu.vector_load %arg17[%get3A] {strides = array<i32>} : memref<16xi32, #tpu.memory_space<vmem>>, vector<16xi32>,
    %reduce_max3A = arith.constant true
    %reduce_max3A_1 = vector.broadcast %reduce_max3A : i1 to vector<16xi1>
    %reduce_max3A_2 = arith.constant -2147483648 : i32
    %reduce_max3A_3 = vector.broadcast %reduce_max3A_2 : i32 to vector<16xi32>
    %reduce_max3A_4 = arith.xori %get3A_0, %reduce_max3A_3 : vector<16xi32>
    %reduce_max3A_5 = tpu.scan <max>, %reduce_max3A_4 masked %reduce_max3A_1 : vector<16xi32>, vector<16xi1> -> vector<16xi32>
    %reduce_max3A_6 = arith.xori %reduce_max3A_5, %reduce_max3A_3 : vector<16xi32>
    %reduce_max3A_7 = vector.extract %reduce_max3A_6[15] : i32 from vector<16xi32>
    %eq3A = arith.constant 1 : i32
    %eq3A_8 = arith.cmpi eq, %reduce_max3A_7, %eq3A : i32
    "tpu.region"() ({
      %run_scoped3A_367 = tpu.sem_alloc : memref<!tpu.dma_semaphore, #tpu.memory_space<semaphore_mem>>
      tpu.enqueue_dma source(%arg6 : memref<128x64xbf16, #tpu.memory_space<hbm>>) target(%arg15 : memref<128x64xbf16, #tpu.memory_space<vmem>>) target_semaphore(%run_scoped3A_367 : memref<!tpu.dma_semaphore, #tpu.memory_space<semaphore_mem>>)
      tpu.wait_dma2 semaphore(%run_scoped3A_367 : memref<!tpu.dma_semaphore, #tpu.memory_space<semaphore_mem>>) src(%arg6 : memref<128x64xbf16, #tpu.memory_space<hbm>>) dst(%arg15 : memref<128x64xbf16, #tpu.memory_space<vmem>>)
      tpu.yield
    }) : () -> ()
    %mul3A = arith.constant 640 : i32
    %mul3A_9 = arith.muli %arg1, %mul3A : i32
    %add3A = arith.constant 0 : i32
    %add3A_10 = arith.addi %mul3A_9, %add3A : i32
    %dma_start3A = arith.constant 0 : i32
    %dma_start3A_11 = tpu.memref_slice %arg18[%add3A_10, %dma_start3A] : memref<10240x64xbf16, #tpu.memory_space<vmem_shared>> -> memref<128x64xbf16, #tpu.memory_space<vmem_shared>>
    %dma_start3A_12 = arith.constant 0 : i32
    %dma_start3A_13 = tpu.memref_slice %arg18[%add3A_10, %dma_start3A_12] : memref<10240x64xbf16, #tpu.memory_space<vmem_shared>> -> memref<128x64xbf16, #tpu.memory_space<vmem_shared>>
    tpu.enqueue_dma source(%arg15 : memref<128x64xbf16, #tpu.memory_space<vmem>>) target(%dma_start3A_13 : memref<128x64xbf16, #tpu.memory_space<vmem_shared>>) target_semaphore(%arg21 : memref<!tpu.dma_semaphore, #tpu.memory_space<semaphore_mem>>)
    %add3A_14 = arith.constant 128 : i32
    %add3A_15 = arith.addi %mul3A_9, %add3A_14 : i32
    %dma_start3A_16 = arith.constant 0 : i32
    %dma_start3A_17 = tpu.memref_slice %arg18[%add3A_15, %dma_start3A_16] : memref<10240x64xbf16, #tpu.memory_space<vmem_shared>> -> memref<128x64xbf16, #tpu.memory_space<vmem_shared>>
    %dma_start3A_18 = arith.constant 0 : i32
    %dma_start3A_19 = tpu.memref_slice %arg18[%add3A_15, %dma_start3A_18] : memref<10240x64xbf16, #tpu.memory_space<vmem_shared>> -> memref<128x64xbf16, #tpu.memory_space<vmem_shared>>
    tpu.enqueue_dma source(%arg15 : memref<128x64xbf16, #tpu.memory_space<vmem>>) target(%dma_start3A_19 : memref<128x64xbf16, #tpu.memory_space<vmem_shared>>) target_semaphore(%arg21 : memref<!tpu.dma_semaphore, #tpu.memory_space<semaphore_mem>>)
    %add3A_20 = arith.constant 256 : i32
    %add3A_21 = arith.addi %mul3A_9, %add3A_20 : i32
    %dma_start3A_22 = arith.constant 0 : i32
    %dma_start3A_23 = tpu.memref_slice %arg18[%add3A_21, %dma_start3A_22] : memref<10240x64xbf16, #tpu.memory_space<vmem_shared>> -> memref<128x64xbf16, #tpu.memory_space<vmem_shared>>
    %dma_start3A_24 = arith.constant 0 : i32
    %dma_start3A_25 = tpu.memref_slice %arg18[%add3A_21, %dma_start3A_24] : memref<10240x64xbf16, #tpu.memory_space<vmem_shared>> -> memref<128x64xbf16, #tpu.memory_space<vmem_shared>>
    tpu.enqueue_dma source(%arg15 : memref<128x64xbf16, #tpu.memory_space<vmem>>) target(%dma_start3A_25 : memref<128x64xbf16, #tpu.memory_space<vmem_shared>>) target_semaphore(%arg21 : memref<!tpu.dma_semaphore, #tpu.memory_space<semaphore_mem>>)
    %add3A_26 = arith.constant 384 : i32
    %add3A_27 = arith.addi %mul3A_9, %add3A_26 : i32
    %dma_start3A_28 = arith.constant 0 : i32
    %dma_start3A_29 = tpu.memref_slice %arg18[%add3A_27, %dma_start3A_28] : memref<10240x64xbf16, #tpu.memory_space<vmem_shared>> -> memref<128x64xbf16, #tpu.memory_space<vmem_shared>>
    %dma_start3A_30 = arith.constant 0 : i32
    %dma_start3A_31 = tpu.memref_slice %arg18[%add3A_27, %dma_start3A_30] : memref<10240x64xbf16, #tpu.memory_space<vmem_shared>> -> memref<128x64xbf16, #tpu.memory_space<vmem_shared>>
    tpu.enqueue_dma source(%arg15 : memref<128x64xbf16, #tpu.memory_space<vmem>>) target(%dma_start3A_31 : memref<128x64xbf16, #tpu.memory_space<vmem_shared>>) target_semaphore(%arg21 : memref<!tpu.dma_semaphore, #tpu.memory_space<semaphore_mem>>)
    %add3A_32 = arith.constant 512 : i32
    %add3A_33 = arith.addi %mul3A_9, %add3A_32 : i32
    %dma_start3A_34 = arith.constant 0 : i32
    %dma_start3A_35 = tpu.memref_slice %arg18[%add3A_33, %dma_start3A_34] : memref<10240x64xbf16, #tpu.memory_space<vmem_shared>> -> memref<128x64xbf16, #tpu.memory_space<vmem_shared>>
    %dma_start3A_36 = arith.constant 0 : i32
    %dma_start3A_37 = tpu.memref_slice %arg18[%add3A_33, %dma_start3A_36] : memref<10240x64xbf16, #tpu.memory_space<vmem_shared>> -> memref<128x64xbf16, #tpu.memory_space<vmem_shared>>
    tpu.enqueue_dma source(%arg15 : memref<128x64xbf16, #tpu.memory_space<vmem>>) target(%dma_start3A_37 : memref<128x64xbf16, #tpu.memory_space<vmem_shared>>) target_semaphore(%arg21 : memref<!tpu.dma_semaphore, #tpu.memory_space<semaphore_mem>>)
    %convert_element_type3A = arith.extui %eq3A_8 : i1 to i32
    %cond3A = arith.constant 0 : i32
    %cond3A_38 = arith.cmpi ne, %convert_element_type3A, %cond3A : i32
    scf.if %cond3A_38 {
      "tpu.region"() ({
        %run_scoped3A_367 = tpu.sem_alloc : memref<!tpu.dma_semaphore, #tpu.memory_space<semaphore_mem>>
        tpu.enqueue_dma source(%arg5 : memref<128x8xf32, #tpu.memory_space<hbm>>) target(%arg14 : memref<128x8xf32, #tpu.memory_space<vmem>>) target_semaphore(%run_scoped3A_367 : memref<!tpu.dma_semaphore, #tpu.memory_space<semaphore_mem>>)
        tpu.wait_dma2 semaphore(%run_scoped3A_367 : memref<!tpu.dma_semaphore, #tpu.memory_space<semaphore_mem>>) src(%arg5 : memref<128x8xf32, #tpu.memory_space<hbm>>) dst(%arg14 : memref<128x8xf32, #tpu.memory_space<vmem>>)
        tpu.yield
      }) : () -> ()
      "tpu.region"() ({
        %run_scoped3A_367 = tpu.sem_alloc : memref<!tpu.dma_semaphore, #tpu.memory_space<semaphore_mem>>
        tpu.enqueue_dma source(%arg7 : memref<640x8xf32, #tpu.memory_space<hbm>>) target(%arg16 : memref<640x8xf32, #tpu.memory_space<vmem>>) target_semaphore(%run_scoped3A_367 : memref<!tpu.dma_semaphore, #tpu.memory_space<semaphore_mem>>)
        tpu.wait_dma2 semaphore(%run_scoped3A_367 : memref<!tpu.dma_semaphore, #tpu.memory_space<semaphore_mem>>) src(%arg7 : memref<640x8xf32, #tpu.memory_space<hbm>>) dst(%arg16 : memref<640x8xf32, #tpu.memory_space<vmem>>)
        tpu.yield
      }) : () -> ()
      "tpu.region"() ({
        %run_scoped3A_367 = tpu.sem_alloc : memref<!tpu.dma_semaphore, #tpu.memory_space<semaphore_mem>>
        %dma_start3A_368 = arith.constant 0 : i32
        %dma_start3A_369 = tpu.memref_slice %arg19[%mul3A_9, %dma_start3A_368] : memref<10240x8xf32, #tpu.memory_space<vmem_shared>> -> memref<640x8xf32, #tpu.memory_space<vmem_shared>>
        %dma_start3A_370 = arith.constant 0 : i32
        %dma_start3A_371 = tpu.memref_slice %arg19[%mul3A_9, %dma_start3A_370] : memref<10240x8xf32, #tpu.memory_space<vmem_shared>> -> memref<640x8xf32, #tpu.memory_space<vmem_shared>>
        tpu.enqueue_dma source(%arg16 : memref<640x8xf32, #tpu.memory_space<vmem>>) target(%dma_start3A_371 : memref<640x8xf32, #tpu.memory_space<vmem_shared>>) target_semaphore(%run_scoped3A_367 : memref<!tpu.dma_semaphore, #tpu.memory_space<semaphore_mem>>)
        %dma_wait3A_372 = arith.constant 0 : i32
        %dma_wait3A_373 = tpu.memref_slice %arg19[%mul3A_9, %dma_wait3A_372] : memref<10240x8xf32, #tpu.memory_space<vmem_shared>> -> memref<640x8xf32, #tpu.memory_space<vmem_shared>>
        %dma_wait3A_374 = arith.constant 0 : i32
        %dma_wait3A_375 = tpu.memref_slice %arg19[%mul3A_9, %dma_wait3A_374] : memref<10240x8xf32, #tpu.memory_space<vmem_shared>> -> memref<640x8xf32, #tpu.memory_space<vmem_shared>>
        tpu.wait_dma2 semaphore(%run_scoped3A_367 : memref<!tpu.dma_semaphore, #tpu.memory_space<semaphore_mem>>) src(%arg16 : memref<640x8xf32, #tpu.memory_space<vmem>>) dst(%dma_wait3A_375 : memref<640x8xf32, #tpu.memory_space<vmem_shared>>)
        tpu.yield
      }) : () -> ()
    } else {
    }
    %mul3A_39 = arith.constant 162 : i32
    %mul3A_40 = arith.muli %arg1, %mul3A_39 : i32
    %dma_start3A_41 = arith.constant 0 : i32
    %dma_start3A_42 = tpu.memref_slice %arg2[%mul3A_40, %dma_start3A_41] : memref<2592x128xi32, #tpu.memory_space<hbm>> -> memref<162x128xi32, #tpu.memory_space<hbm>>
    %dma_start3A_43 = arith.constant 0 : i32
    %dma_start3A_44 = tpu.memref_slice %arg2[%mul3A_40, %dma_start3A_43] : memref<2592x128xi32, #tpu.memory_space<hbm>> -> memref<162x128xi32, #tpu.memory_space<hbm>>
    tpu.enqueue_dma source(%dma_start3A_44 : memref<162x128xi32, #tpu.memory_space<hbm>>) target(%arg11 : memref<162x128xi32, #tpu.memory_space<vmem>>) target_semaphore(%arg20 : memref<!tpu.dma_semaphore, #tpu.memory_space<semaphore_mem>>)
    %mul3A_45 = arith.constant 162 : i32
    %mul3A_46 = arith.muli %arg1, %mul3A_45 : i32
    %dma_start3A_47 = arith.constant 0 : i32
    %dma_start3A_48 = tpu.memref_slice %arg3[%mul3A_46, %dma_start3A_47] : memref<2592x128xi32, #tpu.memory_space<hbm>> -> memref<162x128xi32, #tpu.memory_space<hbm>>
    %dma_start3A_49 = arith.constant 0 : i32
    %dma_start3A_50 = tpu.memref_slice %arg3[%mul3A_46, %dma_start3A_49] : memref<2592x128xi32, #tpu.memory_space<hbm>> -> memref<162x128xi32, #tpu.memory_space<hbm>>
    tpu.enqueue_dma source(%dma_start3A_50 : memref<162x128xi32, #tpu.memory_space<hbm>>) target(%arg12 : memref<162x128xi32, #tpu.memory_space<vmem>>) target_semaphore(%arg20 : memref<!tpu.dma_semaphore, #tpu.memory_space<semaphore_mem>>)
    %add3A_51 = arith.constant 0 : i32
    %add3A_52 = arith.addi %mul3A_9, %add3A_51 : i32
    %dma_wait3A = arith.constant 0 : i32
    %dma_wait3A_53 = tpu.memref_slice %arg18[%add3A_52, %dma_wait3A] : memref<10240x64xbf16, #tpu.memory_space<vmem_shared>> -> memref<128x64xbf16, #tpu.memory_space<vmem_shared>>
    %dma_wait3A_54 = arith.constant 0 : i32
    %dma_wait3A_55 = tpu.memref_slice %arg18[%add3A_52, %dma_wait3A_54] : memref<10240x64xbf16, #tpu.memory_space<vmem_shared>> -> memref<128x64xbf16, #tpu.memory_space<vmem_shared>>
    tpu.wait_dma2 semaphore(%arg21 : memref<!tpu.dma_semaphore, #tpu.memory_space<semaphore_mem>>) src(%arg15 : memref<128x64xbf16, #tpu.memory_space<vmem>>) dst(%dma_wait3A_55 : memref<128x64xbf16, #tpu.memory_space<vmem_shared>>)
    %add3A_56 = arith.constant 128 : i32
    %add3A_57 = arith.addi %mul3A_9, %add3A_56 : i32
    %dma_wait3A_58 = arith.constant 0 : i32
    %dma_wait3A_59 = tpu.memref_slice %arg18[%add3A_57, %dma_wait3A_58] : memref<10240x64xbf16, #tpu.memory_space<vmem_shared>> -> memref<128x64xbf16, #tpu.memory_space<vmem_shared>>
    %dma_wait3A_60 = arith.constant 0 : i32
    %dma_wait3A_61 = tpu.memref_slice %arg18[%add3A_57, %dma_wait3A_60] : memref<10240x64xbf16, #tpu.memory_space<vmem_shared>> -> memref<128x64xbf16, #tpu.memory_space<vmem_shared>>
    tpu.wait_dma2 semaphore(%arg21 : memref<!tpu.dma_semaphore, #tpu.memory_space<semaphore_mem>>) src(%arg15 : memref<128x64xbf16, #tpu.memory_space<vmem>>) dst(%dma_wait3A_61 : memref<128x64xbf16, #tpu.memory_space<vmem_shared>>)
    %add3A_62 = arith.constant 256 : i32
    %add3A_63 = arith.addi %mul3A_9, %add3A_62 : i32
    %dma_wait3A_64 = arith.constant 0 : i32
    %dma_wait3A_65 = tpu.memref_slice %arg18[%add3A_63, %dma_wait3A_64] : memref<10240x64xbf16, #tpu.memory_space<vmem_shared>> -> memref<128x64xbf16, #tpu.memory_space<vmem_shared>>
    %dma_wait3A_66 = arith.constant 0 : i32
    %dma_wait3A_67 = tpu.memref_slice %arg18[%add3A_63, %dma_wait3A_66] : memref<10240x64xbf16, #tpu.memory_space<vmem_shared>> -> memref<128x64xbf16, #tpu.memory_space<vmem_shared>>
    tpu.wait_dma2 semaphore(%arg21 : memref<!tpu.dma_semaphore, #tpu.memory_space<semaphore_mem>>) src(%arg15 : memref<128x64xbf16, #tpu.memory_space<vmem>>) dst(%dma_wait3A_67 : memref<128x64xbf16, #tpu.memory_space<vmem_shared>>)
    %add3A_68 = arith.constant 384 : i32
    %add3A_69 = arith.addi %mul3A_9, %add3A_68 : i32
    %dma_wait3A_70 = arith.constant 0 : i32
    %dma_wait3A_71 = tpu.memref_slice %arg18[%add3A_69, %dma_wait3A_70] : memref<10240x64xbf16, #tpu.memory_space<vmem_shared>> -> memref<128x64xbf16, #tpu.memory_space<vmem_shared>>
    %dma_wait3A_72 = arith.constant 0 : i32
    %dma_wait3A_73 = tpu.memref_slice %arg18[%add3A_69, %dma_wait3A_72] : memref<10240x64xbf16, #tpu.memory_space<vmem_shared>> -> memref<128x64xbf16, #tpu.memory_space<vmem_shared>>
    tpu.wait_dma2 semaphore(%arg21 : memref<!tpu.dma_semaphore, #tpu.memory_space<semaphore_mem>>) src(%arg15 : memref<128x64xbf16, #tpu.memory_space<vmem>>) dst(%dma_wait3A_73 : memref<128x64xbf16, #tpu.memory_space<vmem_shared>>)
    %add3A_74 = arith.constant 512 : i32
    %add3A_75 = arith.addi %mul3A_9, %add3A_74 : i32
    %dma_wait3A_76 = arith.constant 0 : i32
    %dma_wait3A_77 = tpu.memref_slice %arg18[%add3A_75, %dma_wait3A_76] : memref<10240x64xbf16, #tpu.memory_space<vmem_shared>> -> memref<128x64xbf16, #tpu.memory_space<vmem_shared>>
    %dma_wait3A_78 = arith.constant 0 : i32
    %dma_wait3A_79 = tpu.memref_slice %arg18[%add3A_75, %dma_wait3A_78] : memref<10240x64xbf16, #tpu.memory_space<vmem_shared>> -> memref<128x64xbf16, #tpu.memory_space<vmem_shared>>
    tpu.wait_dma2 semaphore(%arg21 : memref<!tpu.dma_semaphore, #tpu.memory_space<semaphore_mem>>) src(%arg15 : memref<128x64xbf16, #tpu.memory_space<vmem>>) dst(%dma_wait3A_79 : memref<128x64xbf16, #tpu.memory_space<vmem_shared>>)
    %mul3A_80 = arith.constant 162 : i32
    %mul3A_81 = arith.muli %arg1, %mul3A_80 : i32
    %dma_wait3A_82 = arith.constant 0 : i32
    %dma_wait3A_83 = tpu.memref_slice %arg2[%mul3A_81, %dma_wait3A_82] : memref<2592x128xi32, #tpu.memory_space<hbm>> -> memref<162x128xi32, #tpu.memory_space<hbm>>
    %dma_wait3A_84 = arith.constant 0 : i32
    %dma_wait3A_85 = tpu.memref_slice %arg2[%mul3A_81, %dma_wait3A_84] : memref<2592x128xi32, #tpu.memory_space<hbm>> -> memref<162x128xi32, #tpu.memory_space<hbm>>
    tpu.wait_dma2 semaphore(%arg20 : memref<!tpu.dma_semaphore, #tpu.memory_space<semaphore_mem>>) src(%dma_wait3A_85 : memref<162x128xi32, #tpu.memory_space<hbm>>) dst(%arg11 : memref<162x128xi32, #tpu.memory_space<vmem>>)
    %mul3A_86 = arith.constant 162 : i32
    %mul3A_87 = arith.muli %arg1, %mul3A_86 : i32
    %dma_wait3A_88 = arith.constant 0 : i32
    %dma_wait3A_89 = tpu.memref_slice %arg3[%mul3A_87, %dma_wait3A_88] : memref<2592x128xi32, #tpu.memory_space<hbm>> -> memref<162x128xi32, #tpu.memory_space<hbm>>
    %dma_wait3A_90 = arith.constant 0 : i32
    %dma_wait3A_91 = tpu.memref_slice %arg3[%mul3A_87, %dma_wait3A_90] : memref<2592x128xi32, #tpu.memory_space<hbm>> -> memref<162x128xi32, #tpu.memory_space<hbm>>
    tpu.wait_dma2 semaphore(%arg20 : memref<!tpu.dma_semaphore, #tpu.memory_space<semaphore_mem>>) src(%dma_wait3A_91 : memref<162x128xi32, #tpu.memory_space<hbm>>) dst(%arg12 : memref<162x128xi32, #tpu.memory_space<vmem>>)
    %barrier3A = arith.constant 0 : index
    tpu.barrier barrier_id(%barrier3A)
    %dma_start3A_92 = arith.constant 0 : i32
    %dma_start3A_93 = arith.constant 0 : i32
    %dma_start3A_94 = arith.constant 0 : i32
    %dma_start3A_95 = arith.constant 0 : i32
    %dma_start3A_96 = tpu.memref_slice %arg13[%dma_start3A_93, %dma_start3A_94, %dma_start3A_95] : memref<3x128x64xbf16, #tpu.memory_space<vmem>> -> memref<1x128x64xbf16, #tpu.memory_space<vmem>>
    %dma_start3A_97 = tpu.memref_squeeze %dma_start3A_96 : memref<1x128x64xbf16, #tpu.memory_space<vmem>> -> memref<128x64xbf16, #tpu.memory_space<vmem>>
    %dma_start3A_98 = arith.constant 0 : i32
    %dma_start3A_99 = tpu.memref_slice %arg11[%dma_start3A_92, %dma_start3A_98] : memref<162x128xi32, #tpu.memory_space<vmem>> -> memref<1x128xi32, #tpu.memory_space<vmem>>
    %dma_start3A_100 = tpu.memref_squeeze %dma_start3A_99 : memref<1x128xi32, #tpu.memory_space<vmem>> -> memref<128xi32, #tpu.memory_space<vmem>>
    %dma_start3A_101 = arith.constant 0 : i32
    %dma_start3A_102 = arith.constant 0 : i32
    %dma_start3A_103 = tpu.memref_slice %arg4[%arg0, %dma_start3A_101, %dma_start3A_102] : memref<2x10240x64xbf16, #tpu.memory_space<hbm>> -> memref<1x10240x64xbf16, #tpu.memory_space<hbm>>
    %dma_start3A_104 = tpu.memref_squeeze %dma_start3A_103 : memref<1x10240x64xbf16, #tpu.memory_space<hbm>> -> memref<10240x64xbf16, #tpu.memory_space<hbm>>
    %dma_start3A_105 = arith.constant 0 : i32
    %dma_start3A_106 = arith.constant 0 : i32
    %dma_start3A_107 = tpu.memref_slice %dma_start3A_104[%dma_start3A_105, %dma_start3A_106] : memref<10240x64xbf16, #tpu.memory_space<hbm>> -> memref<10240x64xbf16, #tpu.memory_space<hbm>>
    tpu.enqueue_indirect_dma source(%dma_start3A_107 : memref<10240x64xbf16, #tpu.memory_space<hbm>>) target(%dma_start3A_97 : memref<128x64xbf16, #tpu.memory_space<vmem>>) offsets(%dma_start3A_100 : memref<128xi32, #tpu.memory_space<vmem>>) semaphore(%arg20 : memref<!tpu.dma_semaphore, #tpu.memory_space<semaphore_mem>>)
    %dma_start3A_108 = arith.constant 1 : i32
    %dma_start3A_109 = arith.constant 1 : i32
    %dma_start3A_110 = arith.constant 0 : i32
    %dma_start3A_111 = arith.constant 0 : i32
    %dma_start3A_112 = tpu.memref_slice %arg13[%dma_start3A_109, %dma_start3A_110, %dma_start3A_111] : memref<3x128x64xbf16, #tpu.memory_space<vmem>> -> memref<1x128x64xbf16, #tpu.memory_space<vmem>>
    %dma_start3A_113 = tpu.memref_squeeze %dma_start3A_112 : memref<1x128x64xbf16, #tpu.memory_space<vmem>> -> memref<128x64xbf16, #tpu.memory_space<vmem>>
    %dma_start3A_114 = arith.constant 0 : i32
    %dma_start3A_115 = tpu.memref_slice %arg11[%dma_start3A_108, %dma_start3A_114] : memref<162x128xi32, #tpu.memory_space<vmem>> -> memref<1x128xi32, #tpu.memory_space<vmem>>
    %dma_start3A_116 = tpu.memref_squeeze %dma_start3A_115 : memref<1x128xi32, #tpu.memory_space<vmem>> -> memref<128xi32, #tpu.memory_space<vmem>>
    %dma_start3A_117 = arith.constant 0 : i32
    %dma_start3A_118 = arith.constant 0 : i32
    %dma_start3A_119 = tpu.memref_slice %arg4[%arg0, %dma_start3A_117, %dma_start3A_118] : memref<2x10240x64xbf16, #tpu.memory_space<hbm>> -> memref<1x10240x64xbf16, #tpu.memory_space<hbm>>
    %dma_start3A_120 = tpu.memref_squeeze %dma_start3A_119 : memref<1x10240x64xbf16, #tpu.memory_space<hbm>> -> memref<10240x64xbf16, #tpu.memory_space<hbm>>
    %dma_start3A_121 = arith.constant 0 : i32
    %dma_start3A_122 = arith.constant 0 : i32
    %dma_start3A_123 = tpu.memref_slice %dma_start3A_120[%dma_start3A_121, %dma_start3A_122] : memref<10240x64xbf16, #tpu.memory_space<hbm>> -> memref<10240x64xbf16, #tpu.memory_space<hbm>>
    tpu.enqueue_indirect_dma source(%dma_start3A_123 : memref<10240x64xbf16, #tpu.memory_space<hbm>>) target(%dma_start3A_113 : memref<128x64xbf16, #tpu.memory_space<vmem>>) offsets(%dma_start3A_116 : memref<128xi32, #tpu.memory_space<vmem>>) semaphore(%arg20 : memref<!tpu.dma_semaphore, #tpu.memory_space<semaphore_mem>>)
    %scan3A = arith.constant 0 : i32
    %scan3A_124 = arith.constant 0 : i32
    %scan3A_125 = arith.constant 54 : i32
    %scan3A_126 = arith.addi %scan3A_124, %scan3A_125 : i32
    %scan3A_127 = arith.constant 1 : i32
    scf.for %scan3A_367 = %scan3A_124 to %scan3A_126 step %scan3A_127  : i32 {
      %mul3A_368 = arith.constant 3 : i32
      %mul3A_369 = arith.muli %scan3A_367, %mul3A_368 : i32
      %add3A_370 = arith.constant 0 : i32
      %add3A_371 = arith.addi %mul3A_369, %add3A_370 : i32
      %dma_wait3A_372 = arith.constant 0 : i32
      %dma_wait3A_373 = arith.constant 0 : i32
      %dma_wait3A_374 = arith.constant 0 : i32
      %dma_wait3A_375 = tpu.memref_slice %arg13[%dma_wait3A_372, %dma_wait3A_373, %dma_wait3A_374] : memref<3x128x64xbf16, #tpu.memory_space<vmem>> -> memref<1x128x64xbf16, #tpu.memory_space<vmem>>
      %dma_wait3A_376 = tpu.memref_squeeze %dma_wait3A_375 : memref<1x128x64xbf16, #tpu.memory_space<vmem>> -> memref<128x64xbf16, #tpu.memory_space<vmem>>
      %dma_wait3A_377 = arith.constant 0 : i32
      %dma_wait3A_378 = tpu.memref_slice %arg11[%add3A_371, %dma_wait3A_377] : memref<162x128xi32, #tpu.memory_space<vmem>> -> memref<1x128xi32, #tpu.memory_space<vmem>>
      %dma_wait3A_379 = tpu.memref_squeeze %dma_wait3A_378 : memref<1x128xi32, #tpu.memory_space<vmem>> -> memref<128xi32, #tpu.memory_space<vmem>>
      %dma_wait3A_380 = arith.constant 0 : i32
      %dma_wait3A_381 = arith.constant 0 : i32
      %dma_wait3A_382 = tpu.memref_slice %arg4[%arg0, %dma_wait3A_380, %dma_wait3A_381] : memref<2x10240x64xbf16, #tpu.memory_space<hbm>> -> memref<1x10240x64xbf16, #tpu.memory_space<hbm>>
      %dma_wait3A_383 = tpu.memref_squeeze %dma_wait3A_382 : memref<1x10240x64xbf16, #tpu.memory_space<hbm>> -> memref<10240x64xbf16, #tpu.memory_space<hbm>>
      %dma_wait3A_384 = arith.constant 0 : i32
      %dma_wait3A_385 = arith.constant 0 : i32
      %dma_wait3A_386 = tpu.memref_slice %dma_wait3A_383[%dma_wait3A_384, %dma_wait3A_385] : memref<10240x64xbf16, #tpu.memory_space<hbm>> -> memref<10240x64xbf16, #tpu.memory_space<hbm>>
      tpu.wait_indirect_dma semaphore(%arg20 : memref<!tpu.dma_semaphore, #tpu.memory_space<semaphore_mem>>) src(%dma_wait3A_386 : memref<10240x64xbf16, #tpu.memory_space<hbm>>) dst(%dma_wait3A_376 : memref<128x64xbf16, #tpu.memory_space<vmem>>)
      %add3A_387 = arith.constant 3 : i32
      %add3A_388 = arith.addi %add3A_371, %add3A_387 : i32
      %sub3A = arith.constant 1 : i32
      %sub3A_389 = arith.subi %add3A_388, %sub3A : i32
      %lt3A = arith.constant 162 : i32
      %lt3A_390 = arith.cmpi slt, %sub3A_389, %lt3A : i32
      %convert_element_type3A_391 = arith.extui %lt3A_390 : i1 to i32
      %cond3A_392 = arith.constant 0 : i32
      %cond3A_393 = arith.cmpi ne, %convert_element_type3A_391, %cond3A_392 : i32
      scf.if %cond3A_393 {
        %add3A_485 = arith.constant 3 : i32
        %add3A_486 = arith.addi %add3A_371, %add3A_485 : i32
        %sub3A_487 = arith.constant 1 : i32
        %sub3A_488 = arith.subi %add3A_486, %sub3A_487 : i32
        %dma_start3A_489 = arith.constant 2 : i32
        %dma_start3A_490 = arith.constant 0 : i32
        %dma_start3A_491 = arith.constant 0 : i32
        %dma_start3A_492 = tpu.memref_slice %arg13[%dma_start3A_489, %dma_start3A_490, %dma_start3A_491] : memref<3x128x64xbf16, #tpu.memory_space<vmem>> -> memref<1x128x64xbf16, #tpu.memory_space<vmem>>
        %dma_start3A_493 = tpu.memref_squeeze %dma_start3A_492 : memref<1x128x64xbf16, #tpu.memory_space<vmem>> -> memref<128x64xbf16, #tpu.memory_space<vmem>>
        %dma_start3A_494 = arith.constant 0 : i32
        %dma_start3A_495 = tpu.memref_slice %arg11[%sub3A_488, %dma_start3A_494] : memref<162x128xi32, #tpu.memory_space<vmem>> -> memref<1x128xi32, #tpu.memory_space<vmem>>
        %dma_start3A_496 = tpu.memref_squeeze %dma_start3A_495 : memref<1x128xi32, #tpu.memory_space<vmem>> -> memref<128xi32, #tpu.memory_space<vmem>>
        %dma_start3A_497 = arith.constant 0 : i32
        %dma_start3A_498 = arith.constant 0 : i32
        %dma_start3A_499 = tpu.memref_slice %arg4[%arg0, %dma_start3A_497, %dma_start3A_498] : memref<2x10240x64xbf16, #tpu.memory_space<hbm>> -> memref<1x10240x64xbf16, #tpu.memory_space<hbm>>
        %dma_start3A_500 = tpu.memref_squeeze %dma_start3A_499 : memref<1x10240x64xbf16, #tpu.memory_space<hbm>> -> memref<10240x64xbf16, #tpu.memory_space<hbm>>
        %dma_start3A_501 = arith.constant 0 : i32
        %dma_start3A_502 = arith.constant 0 : i32
        %dma_start3A_503 = tpu.memref_slice %dma_start3A_500[%dma_start3A_501, %dma_start3A_502] : memref<10240x64xbf16, #tpu.memory_space<hbm>> -> memref<10240x64xbf16, #tpu.memory_space<hbm>>
        tpu.enqueue_indirect_dma source(%dma_start3A_503 : memref<10240x64xbf16, #tpu.memory_space<hbm>>) target(%dma_start3A_493 : memref<128x64xbf16, #tpu.memory_space<vmem>>) offsets(%dma_start3A_496 : memref<128xi32, #tpu.memory_space<vmem>>) semaphore(%arg20 : memref<!tpu.dma_semaphore, #tpu.memory_space<semaphore_mem>>)
      } else {
      }
      %run_scoped3A_394 = arith.constant 0 : i32
      "tpu.region"() ({
        %run_scoped3A_485 = tpu.sem_alloc : memref<!tpu.dma_semaphore, #tpu.memory_space<semaphore_mem>>
        %dma_start3A_486 = arith.constant 0 : i32
        %dma_start3A_487 = arith.constant 0 : i32
        %dma_start3A_488 = tpu.memref_slice %arg13[%run_scoped3A_394, %dma_start3A_486, %dma_start3A_487] : memref<3x128x64xbf16, #tpu.memory_space<vmem>> -> memref<1x128x64xbf16, #tpu.memory_space<vmem>>
        %dma_start3A_489 = tpu.memref_squeeze %dma_start3A_488 : memref<1x128x64xbf16, #tpu.memory_space<vmem>> -> memref<128x64xbf16, #tpu.memory_space<vmem>>
        %dma_start3A_490 = arith.constant 0 : i32
        %dma_start3A_491 = tpu.memref_slice %arg12[%add3A_371, %dma_start3A_490] : memref<162x128xi32, #tpu.memory_space<vmem>> -> memref<1x128xi32, #tpu.memory_space<vmem>>
        %dma_start3A_492 = tpu.memref_squeeze %dma_start3A_491 : memref<1x128xi32, #tpu.memory_space<vmem>> -> memref<128xi32, #tpu.memory_space<vmem>>
        %dma_start3A_493 = arith.constant 0 : i32
        %dma_start3A_494 = arith.constant 0 : i32
        %dma_start3A_495 = tpu.memref_slice %arg18[%dma_start3A_493, %dma_start3A_494] : memref<10240x64xbf16, #tpu.memory_space<vmem_shared>> -> memref<10240x64xbf16, #tpu.memory_space<vmem_shared>>
        tpu.enqueue_indirect_dma source(%dma_start3A_489 : memref<128x64xbf16, #tpu.memory_space<vmem>>) target(%dma_start3A_495 : memref<10240x64xbf16, #tpu.memory_space<vmem_shared>>) offsets(%dma_start3A_492 : memref<128xi32, #tpu.memory_space<vmem>>) semaphore(%run_scoped3A_485 : memref<!tpu.dma_semaphore, #tpu.memory_space<semaphore_mem>>) {add = true}
        %dma_wait3A_496 = arith.constant 0 : i32
        %dma_wait3A_497 = arith.constant 0 : i32
        %dma_wait3A_498 = tpu.memref_slice %arg13[%run_scoped3A_394, %dma_wait3A_496, %dma_wait3A_497] : memref<3x128x64xbf16, #tpu.memory_space<vmem>> -> memref<1x128x64xbf16, #tpu.memory_space<vmem>>
        %dma_wait3A_499 = tpu.memref_squeeze %dma_wait3A_498 : memref<1x128x64xbf16, #tpu.memory_space<vmem>> -> memref<128x64xbf16, #tpu.memory_space<vmem>>
        %dma_wait3A_500 = arith.constant 0 : i32
        %dma_wait3A_501 = tpu.memref_slice %arg12[%add3A_371, %dma_wait3A_500] : memref<162x128xi32, #tpu.memory_space<vmem>> -> memref<1x128xi32, #tpu.memory_space<vmem>>
        %dma_wait3A_502 = tpu.memref_squeeze %dma_wait3A_501 : memref<1x128xi32, #tpu.memory_space<vmem>> -> memref<128xi32, #tpu.memory_space<vmem>>
        %dma_wait3A_503 = arith.constant 0 : i32
        %dma_wait3A_504 = arith.constant 0 : i32
        %dma_wait3A_505 = tpu.memref_slice %arg18[%dma_wait3A_503, %dma_wait3A_504] : memref<10240x64xbf16, #tpu.memory_space<vmem_shared>> -> memref<10240x64xbf16, #tpu.memory_space<vmem_shared>>
        tpu.wait_indirect_dma semaphore(%run_scoped3A_485 : memref<!tpu.dma_semaphore, #tpu.memory_space<semaphore_mem>>) src(%dma_wait3A_499 : memref<128x64xbf16, #tpu.memory_space<vmem>>) dst(%dma_wait3A_505 : memref<10240x64xbf16, #tpu.memory_space<vmem_shared>>)
        tpu.yield
      }) : () -> ()
      %lt3A_395 = arith.constant 81 : i32
      %lt3A_396 = arith.cmpi slt, %add3A_371, %lt3A_395 : i32
      %eq3A_397 = arith.constant 0 : i32
      %eq3A_398 = arith.cmpi eq, %arg0, %eq3A_397 : i32
      %eq3A_399 = arith.xori %lt3A_396, %eq3A_398 : i1
      %eq3A_400 = arith.constant true
      %eq3A_401 = arith.xori %eq3A_399, %eq3A_400 : i1
      %and3A = arith.andi %eq3A_8, %eq3A_401 : i1
      %convert_element_type3A_402 = arith.extui %and3A : i1 to i32
      %cond3A_403 = arith.constant 0 : i32
      %cond3A_404 = arith.cmpi ne, %convert_element_type3A_402, %cond3A_403 : i32
      scf.if %cond3A_404 {
        "tpu.region"() ({
          %run_scoped3A_485 = tpu.sem_alloc : memref<!tpu.dma_semaphore, #tpu.memory_space<semaphore_mem>>
          %dma_start3A_486 = arith.constant 0 : i32
          %dma_start3A_487 = tpu.memref_slice %arg12[%add3A_371, %dma_start3A_486] : memref<162x128xi32, #tpu.memory_space<vmem>> -> memref<1x128xi32, #tpu.memory_space<vmem>>
          %dma_start3A_488 = tpu.memref_squeeze %dma_start3A_487 : memref<1x128xi32, #tpu.memory_space<vmem>> -> memref<128xi32, #tpu.memory_space<vmem>>
          %dma_start3A_489 = arith.constant 0 : i32
          %dma_start3A_490 = arith.constant 0 : i32
          %dma_start3A_491 = tpu.memref_slice %arg19[%dma_start3A_489, %dma_start3A_490] : memref<10240x8xf32, #tpu.memory_space<vmem_shared>> -> memref<10240x8xf32, #tpu.memory_space<vmem_shared>>
          tpu.enqueue_indirect_dma source(%arg14 : memref<128x8xf32, #tpu.memory_space<vmem>>) target(%dma_start3A_491 : memref<10240x8xf32, #tpu.memory_space<vmem_shared>>) offsets(%dma_start3A_488 : memref<128xi32, #tpu.memory_space<vmem>>) semaphore(%run_scoped3A_485 : memref<!tpu.dma_semaphore, #tpu.memory_space<semaphore_mem>>) {add = true}
          %dma_wait3A_492 = arith.constant 0 : i32
          %dma_wait3A_493 = tpu.memref_slice %arg12[%add3A_371, %dma_wait3A_492] : memref<162x128xi32, #tpu.memory_space<vmem>> -> memref<1x128xi32, #tpu.memory_space<vmem>>
          %dma_wait3A_494 = tpu.memref_squeeze %dma_wait3A_493 : memref<1x128xi32, #tpu.memory_space<vmem>> -> memref<128xi32, #tpu.memory_space<vmem>>
          %dma_wait3A_495 = arith.constant 0 : i32
          %dma_wait3A_496 = arith.constant 0 : i32
          %dma_wait3A_497 = tpu.memref_slice %arg19[%dma_wait3A_495, %dma_wait3A_496] : memref<10240x8xf32, #tpu.memory_space<vmem_shared>> -> memref<10240x8xf32, #tpu.memory_space<vmem_shared>>
          tpu.wait_indirect_dma semaphore(%run_scoped3A_485 : memref<!tpu.dma_semaphore, #tpu.memory_space<semaphore_mem>>) src(%arg14 : memref<128x8xf32, #tpu.memory_space<vmem>>) dst(%dma_wait3A_497 : memref<10240x8xf32, #tpu.memory_space<vmem_shared>>)
          tpu.yield
        }) : () -> ()
      } else {
      }
      %mul3A_405 = arith.constant 3 : i32
      %mul3A_406 = arith.muli %scan3A_367, %mul3A_405 : i32
      %add3A_407 = arith.constant 1 : i32
      %add3A_408 = arith.addi %mul3A_406, %add3A_407 : i32
      %dma_wait3A_409 = arith.constant 1 : i32
      %dma_wait3A_410 = arith.constant 0 : i32
      %dma_wait3A_411 = arith.constant 0 : i32
      %dma_wait3A_412 = tpu.memref_slice %arg13[%dma_wait3A_409, %dma_wait3A_410, %dma_wait3A_411] : memref<3x128x64xbf16, #tpu.memory_space<vmem>> -> memref<1x128x64xbf16, #tpu.memory_space<vmem>>
      %dma_wait3A_413 = tpu.memref_squeeze %dma_wait3A_412 : memref<1x128x64xbf16, #tpu.memory_space<vmem>> -> memref<128x64xbf16, #tpu.memory_space<vmem>>
      %dma_wait3A_414 = arith.constant 0 : i32
      %dma_wait3A_415 = tpu.memref_slice %arg11[%add3A_408, %dma_wait3A_414] : memref<162x128xi32, #tpu.memory_space<vmem>> -> memref<1x128xi32, #tpu.memory_space<vmem>>
      %dma_wait3A_416 = tpu.memref_squeeze %dma_wait3A_415 : memref<1x128xi32, #tpu.memory_space<vmem>> -> memref<128xi32, #tpu.memory_space<vmem>>
      %dma_wait3A_417 = arith.constant 0 : i32
      %dma_wait3A_418 = arith.constant 0 : i32
      %dma_wait3A_419 = tpu.memref_slice %arg4[%arg0, %dma_wait3A_417, %dma_wait3A_418] : memref<2x10240x64xbf16, #tpu.memory_space<hbm>> -> memref<1x10240x64xbf16, #tpu.memory_space<hbm>>
      %dma_wait3A_420 = tpu.memref_squeeze %dma_wait3A_419 : memref<1x10240x64xbf16, #tpu.memory_space<hbm>> -> memref<10240x64xbf16, #tpu.memory_space<hbm>>
      %dma_wait3A_421 = arith.constant 0 : i32
      %dma_wait3A_422 = arith.constant 0 : i32
      %dma_wait3A_423 = tpu.memref_slice %dma_wait3A_420[%dma_wait3A_421, %dma_wait3A_422] : memref<10240x64xbf16, #tpu.memory_space<hbm>> -> memref<10240x64xbf16, #tpu.memory_space<hbm>>
      tpu.wait_indirect_dma semaphore(%arg20 : memref<!tpu.dma_semaphore, #tpu.memory_space<semaphore_mem>>) src(%dma_wait3A_423 : memref<10240x64xbf16, #tpu.memory_space<hbm>>) dst(%dma_wait3A_413 : memref<128x64xbf16, #tpu.memory_space<vmem>>)
      %add3A_424 = arith.constant 3 : i32
      %add3A_425 = arith.addi %add3A_408, %add3A_424 : i32
      %sub3A_426 = arith.constant 1 : i32
      %sub3A_427 = arith.subi %add3A_425, %sub3A_426 : i32
      %lt3A_428 = arith.constant 162 : i32
      %lt3A_429 = arith.cmpi slt, %sub3A_427, %lt3A_428 : i32
      %convert_element_type3A_430 = arith.extui %lt3A_429 : i1 to i32
      %cond3A_431 = arith.constant 0 : i32
      %cond3A_432 = arith.cmpi ne, %convert_element_type3A_430, %cond3A_431 : i32
      scf.if %cond3A_432 {
        %add3A_485 = arith.constant 3 : i32
        %add3A_486 = arith.addi %add3A_408, %add3A_485 : i32
        %sub3A_487 = arith.constant 1 : i32
        %sub3A_488 = arith.subi %add3A_486, %sub3A_487 : i32
        %dma_start3A_489 = arith.constant 0 : i32
        %dma_start3A_490 = arith.constant 0 : i32
        %dma_start3A_491 = arith.constant 0 : i32
        %dma_start3A_492 = tpu.memref_slice %arg13[%dma_start3A_489, %dma_start3A_490, %dma_start3A_491] : memref<3x128x64xbf16, #tpu.memory_space<vmem>> -> memref<1x128x64xbf16, #tpu.memory_space<vmem>>
        %dma_start3A_493 = tpu.memref_squeeze %dma_start3A_492 : memref<1x128x64xbf16, #tpu.memory_space<vmem>> -> memref<128x64xbf16, #tpu.memory_space<vmem>>
        %dma_start3A_494 = arith.constant 0 : i32
        %dma_start3A_495 = tpu.memref_slice %arg11[%sub3A_488, %dma_start3A_494] : memref<162x128xi32, #tpu.memory_space<vmem>> -> memref<1x128xi32, #tpu.memory_space<vmem>>
        %dma_start3A_496 = tpu.memref_squeeze %dma_start3A_495 : memref<1x128xi32, #tpu.memory_space<vmem>> -> memref<128xi32, #tpu.memory_space<vmem>>
        %dma_start3A_497 = arith.constant 0 : i32
        %dma_start3A_498 = arith.constant 0 : i32
        %dma_start3A_499 = tpu.memref_slice %arg4[%arg0, %dma_start3A_497, %dma_start3A_498] : memref<2x10240x64xbf16, #tpu.memory_space<hbm>> -> memref<1x10240x64xbf16, #tpu.memory_space<hbm>>
        %dma_start3A_500 = tpu.memref_squeeze %dma_start3A_499 : memref<1x10240x64xbf16, #tpu.memory_space<hbm>> -> memref<10240x64xbf16, #tpu.memory_space<hbm>>
        %dma_start3A_501 = arith.constant 0 : i32
        %dma_start3A_502 = arith.constant 0 : i32
        %dma_start3A_503 = tpu.memref_slice %dma_start3A_500[%dma_start3A_501, %dma_start3A_502] : memref<10240x64xbf16, #tpu.memory_space<hbm>> -> memref<10240x64xbf16, #tpu.memory_space<hbm>>
        tpu.enqueue_indirect_dma source(%dma_start3A_503 : memref<10240x64xbf16, #tpu.memory_space<hbm>>) target(%dma_start3A_493 : memref<128x64xbf16, #tpu.memory_space<vmem>>) offsets(%dma_start3A_496 : memref<128xi32, #tpu.memory_space<vmem>>) semaphore(%arg20 : memref<!tpu.dma_semaphore, #tpu.memory_space<semaphore_mem>>)
      } else {
      }
      %run_scoped3A_433 = arith.constant 1 : i32
      "tpu.region"() ({
        %run_scoped3A_485 = tpu.sem_alloc : memref<!tpu.dma_semaphore, #tpu.memory_space<semaphore_mem>>
        %dma_start3A_486 = arith.constant 0 : i32
        %dma_start3A_487 = arith.constant 0 : i32
        %dma_start3A_488 = tpu.memref_slice %arg13[%run_scoped3A_433, %dma_start3A_486, %dma_start3A_487] : memref<3x128x64xbf16, #tpu.memory_space<vmem>> -> memref<1x128x64xbf16, #tpu.memory_space<vmem>>
        %dma_start3A_489 = tpu.memref_squeeze %dma_start3A_488 : memref<1x128x64xbf16, #tpu.memory_space<vmem>> -> memref<128x64xbf16, #tpu.memory_space<vmem>>
        %dma_start3A_490 = arith.constant 0 : i32
        %dma_start3A_491 = tpu.memref_slice %arg12[%add3A_408, %dma_start3A_490] : memref<162x128xi32, #tpu.memory_space<vmem>> -> memref<1x128xi32, #tpu.memory_space<vmem>>
        %dma_start3A_492 = tpu.memref_squeeze %dma_start3A_491 : memref<1x128xi32, #tpu.memory_space<vmem>> -> memref<128xi32, #tpu.memory_space<vmem>>
        %dma_start3A_493 = arith.constant 0 : i32
        %dma_start3A_494 = arith.constant 0 : i32
        %dma_start3A_495 = tpu.memref_slice %arg18[%dma_start3A_493, %dma_start3A_494] : memref<10240x64xbf16, #tpu.memory_space<vmem_shared>> -> memref<10240x64xbf16, #tpu.memory_space<vmem_shared>>
        tpu.enqueue_indirect_dma source(%dma_start3A_489 : memref<128x64xbf16, #tpu.memory_space<vmem>>) target(%dma_start3A_495 : memref<10240x64xbf16, #tpu.memory_space<vmem_shared>>) offsets(%dma_start3A_492 : memref<128xi32, #tpu.memory_space<vmem>>) semaphore(%run_scoped3A_485 : memref<!tpu.dma_semaphore, #tpu.memory_space<semaphore_mem>>) {add = true}
        %dma_wait3A_496 = arith.constant 0 : i32
        %dma_wait3A_497 = arith.constant 0 : i32
        %dma_wait3A_498 = tpu.memref_slice %arg13[%run_scoped3A_433, %dma_wait3A_496, %dma_wait3A_497] : memref<3x128x64xbf16, #tpu.memory_space<vmem>> -> memref<1x128x64xbf16, #tpu.memory_space<vmem>>
        %dma_wait3A_499 = tpu.memref_squeeze %dma_wait3A_498 : memref<1x128x64xbf16, #tpu.memory_space<vmem>> -> memref<128x64xbf16, #tpu.memory_space<vmem>>
        %dma_wait3A_500 = arith.constant 0 : i32
        %dma_wait3A_501 = tpu.memref_slice %arg12[%add3A_408, %dma_wait3A_500] : memref<162x128xi32, #tpu.memory_space<vmem>> -> memref<1x128xi32, #tpu.memory_space<vmem>>
        %dma_wait3A_502 = tpu.memref_squeeze %dma_wait3A_501 : memref<1x128xi32, #tpu.memory_space<vmem>> -> memref<128xi32, #tpu.memory_space<vmem>>
        %dma_wait3A_503 = arith.constant 0 : i32
        %dma_wait3A_504 = arith.constant 0 : i32
        %dma_wait3A_505 = tpu.memref_slice %arg18[%dma_wait3A_503, %dma_wait3A_504] : memref<10240x64xbf16, #tpu.memory_space<vmem_shared>> -> memref<10240x64xbf16, #tpu.memory_space<vmem_shared>>
        tpu.wait_indirect_dma semaphore(%run_scoped3A_485 : memref<!tpu.dma_semaphore, #tpu.memory_space<semaphore_mem>>) src(%dma_wait3A_499 : memref<128x64xbf16, #tpu.memory_space<vmem>>) dst(%dma_wait3A_505 : memref<10240x64xbf16, #tpu.memory_space<vmem_shared>>)
        tpu.yield
      }) : () -> ()
      %lt3A_434 = arith.constant 81 : i32
      %lt3A_435 = arith.cmpi slt, %add3A_408, %lt3A_434 : i32
      %eq3A_436 = arith.constant 0 : i32
      %eq3A_437 = arith.cmpi eq, %arg0, %eq3A_436 : i32
      %eq3A_438 = arith.xori %lt3A_435, %eq3A_437 : i1
      %eq3A_439 = arith.constant true
      %eq3A_440 = arith.xori %eq3A_438, %eq3A_439 : i1
      %and3A_441 = arith.andi %eq3A_8, %eq3A_440 : i1
      %convert_element_type3A_442 = arith.extui %and3A_441 : i1 to i32
      %cond3A_443 = arith.constant 0 : i32
      %cond3A_444 = arith.cmpi ne, %convert_element_type3A_442, %cond3A_443 : i32
      scf.if %cond3A_444 {
        "tpu.region"() ({
          %run_scoped3A_485 = tpu.sem_alloc : memref<!tpu.dma_semaphore, #tpu.memory_space<semaphore_mem>>
          %dma_start3A_486 = arith.constant 0 : i32
          %dma_start3A_487 = tpu.memref_slice %arg12[%add3A_408, %dma_start3A_486] : memref<162x128xi32, #tpu.memory_space<vmem>> -> memref<1x128xi32, #tpu.memory_space<vmem>>
          %dma_start3A_488 = tpu.memref_squeeze %dma_start3A_487 : memref<1x128xi32, #tpu.memory_space<vmem>> -> memref<128xi32, #tpu.memory_space<vmem>>
          %dma_start3A_489 = arith.constant 0 : i32
          %dma_start3A_490 = arith.constant 0 : i32
          %dma_start3A_491 = tpu.memref_slice %arg19[%dma_start3A_489, %dma_start3A_490] : memref<10240x8xf32, #tpu.memory_space<vmem_shared>> -> memref<10240x8xf32, #tpu.memory_space<vmem_shared>>
          tpu.enqueue_indirect_dma source(%arg14 : memref<128x8xf32, #tpu.memory_space<vmem>>) target(%dma_start3A_491 : memref<10240x8xf32, #tpu.memory_space<vmem_shared>>) offsets(%dma_start3A_488 : memref<128xi32, #tpu.memory_space<vmem>>) semaphore(%run_scoped3A_485 : memref<!tpu.dma_semaphore, #tpu.memory_space<semaphore_mem>>) {add = true}
          %dma_wait3A_492 = arith.constant 0 : i32
          %dma_wait3A_493 = tpu.memref_slice %arg12[%add3A_408, %dma_wait3A_492] : memref<162x128xi32, #tpu.memory_space<vmem>> -> memref<1x128xi32, #tpu.memory_space<vmem>>
          %dma_wait3A_494 = tpu.memref_squeeze %dma_wait3A_493 : memref<1x128xi32, #tpu.memory_space<vmem>> -> memref<128xi32, #tpu.memory_space<vmem>>
          %dma_wait3A_495 = arith.constant 0 : i32
          %dma_wait3A_496 = arith.constant 0 : i32
          %dma_wait3A_497 = tpu.memref_slice %arg19[%dma_wait3A_495, %dma_wait3A_496] : memref<10240x8xf32, #tpu.memory_space<vmem_shared>> -> memref<10240x8xf32, #tpu.memory_space<vmem_shared>>
          tpu.wait_indirect_dma semaphore(%run_scoped3A_485 : memref<!tpu.dma_semaphore, #tpu.memory_space<semaphore_mem>>) src(%arg14 : memref<128x8xf32, #tpu.memory_space<vmem>>) dst(%dma_wait3A_497 : memref<10240x8xf32, #tpu.memory_space<vmem_shared>>)
          tpu.yield
        }) : () -> ()
      } else {
      }
      %mul3A_445 = arith.constant 3 : i32
      %mul3A_446 = arith.muli %scan3A_367, %mul3A_445 : i32
      %add3A_447 = arith.constant 2 : i32
      %add3A_448 = arith.addi %mul3A_446, %add3A_447 : i32
      %dma_wait3A_449 = arith.constant 2 : i32
      %dma_wait3A_450 = arith.constant 0 : i32
      %dma_wait3A_451 = arith.constant 0 : i32
      %dma_wait3A_452 = tpu.memref_slice %arg13[%dma_wait3A_449, %dma_wait3A_450, %dma_wait3A_451] : memref<3x128x64xbf16, #tpu.memory_space<vmem>> -> memref<1x128x64xbf16, #tpu.memory_space<vmem>>
      %dma_wait3A_453 = tpu.memref_squeeze %dma_wait3A_452 : memref<1x128x64xbf16, #tpu.memory_space<vmem>> -> memref<128x64xbf16, #tpu.memory_space<vmem>>
      %dma_wait3A_454 = arith.constant 0 : i32
      %dma_wait3A_455 = tpu.memref_slice %arg11[%add3A_448, %dma_wait3A_454] : memref<162x128xi32, #tpu.memory_space<vmem>> -> memref<1x128xi32, #tpu.memory_space<vmem>>
      %dma_wait3A_456 = tpu.memref_squeeze %dma_wait3A_455 : memref<1x128xi32, #tpu.memory_space<vmem>> -> memref<128xi32, #tpu.memory_space<vmem>>
      %dma_wait3A_457 = arith.constant 0 : i32
      %dma_wait3A_458 = arith.constant 0 : i32
      %dma_wait3A_459 = tpu.memref_slice %arg4[%arg0, %dma_wait3A_457, %dma_wait3A_458] : memref<2x10240x64xbf16, #tpu.memory_space<hbm>> -> memref<1x10240x64xbf16, #tpu.memory_space<hbm>>
      %dma_wait3A_460 = tpu.memref_squeeze %dma_wait3A_459 : memref<1x10240x64xbf16, #tpu.memory_space<hbm>> -> memref<10240x64xbf16, #tpu.memory_space<hbm>>
      %dma_wait3A_461 = arith.constant 0 : i32
      %dma_wait3A_462 = arith.constant 0 : i32
      %dma_wait3A_463 = tpu.memref_slice %dma_wait3A_460[%dma_wait3A_461, %dma_wait3A_462] : memref<10240x64xbf16, #tpu.memory_space<hbm>> -> memref<10240x64xbf16, #tpu.memory_space<hbm>>
      tpu.wait_indirect_dma semaphore(%arg20 : memref<!tpu.dma_semaphore, #tpu.memory_space<semaphore_mem>>) src(%dma_wait3A_463 : memref<10240x64xbf16, #tpu.memory_space<hbm>>) dst(%dma_wait3A_453 : memref<128x64xbf16, #tpu.memory_space<vmem>>)
      %add3A_464 = arith.constant 3 : i32
      %add3A_465 = arith.addi %add3A_448, %add3A_464 : i32
      %sub3A_466 = arith.constant 1 : i32
      %sub3A_467 = arith.subi %add3A_465, %sub3A_466 : i32
      %lt3A_468 = arith.constant 162 : i32
      %lt3A_469 = arith.cmpi slt, %sub3A_467, %lt3A_468 : i32
      %convert_element_type3A_470 = arith.extui %lt3A_469 : i1 to i32
      %cond3A_471 = arith.constant 0 : i32
      %cond3A_472 = arith.cmpi ne, %convert_element_type3A_470, %cond3A_471 : i32
      scf.if %cond3A_472 {
        %add3A_485 = arith.constant 3 : i32
        %add3A_486 = arith.addi %add3A_448, %add3A_485 : i32
        %sub3A_487 = arith.constant 1 : i32
        %sub3A_488 = arith.subi %add3A_486, %sub3A_487 : i32
        %dma_start3A_489 = arith.constant 1 : i32
        %dma_start3A_490 = arith.constant 0 : i32
        %dma_start3A_491 = arith.constant 0 : i32
        %dma_start3A_492 = tpu.memref_slice %arg13[%dma_start3A_489, %dma_start3A_490, %dma_start3A_491] : memref<3x128x64xbf16, #tpu.memory_space<vmem>> -> memref<1x128x64xbf16, #tpu.memory_space<vmem>>
        %dma_start3A_493 = tpu.memref_squeeze %dma_start3A_492 : memref<1x128x64xbf16, #tpu.memory_space<vmem>> -> memref<128x64xbf16, #tpu.memory_space<vmem>>
        %dma_start3A_494 = arith.constant 0 : i32
        %dma_start3A_495 = tpu.memref_slice %arg11[%sub3A_488, %dma_start3A_494] : memref<162x128xi32, #tpu.memory_space<vmem>> -> memref<1x128xi32, #tpu.memory_space<vmem>>
        %dma_start3A_496 = tpu.memref_squeeze %dma_start3A_495 : memref<1x128xi32, #tpu.memory_space<vmem>> -> memref<128xi32, #tpu.memory_space<vmem>>
        %dma_start3A_497 = arith.constant 0 : i32
        %dma_start3A_498 = arith.constant 0 : i32
        %dma_start3A_499 = tpu.memref_slice %arg4[%arg0, %dma_start3A_497, %dma_start3A_498] : memref<2x10240x64xbf16, #tpu.memory_space<hbm>> -> memref<1x10240x64xbf16, #tpu.memory_space<hbm>>
        %dma_start3A_500 = tpu.memref_squeeze %dma_start3A_499 : memref<1x10240x64xbf16, #tpu.memory_space<hbm>> -> memref<10240x64xbf16, #tpu.memory_space<hbm>>
        %dma_start3A_501 = arith.constant 0 : i32
        %dma_start3A_502 = arith.constant 0 : i32
        %dma_start3A_503 = tpu.memref_slice %dma_start3A_500[%dma_start3A_501, %dma_start3A_502] : memref<10240x64xbf16, #tpu.memory_space<hbm>> -> memref<10240x64xbf16, #tpu.memory_space<hbm>>
        tpu.enqueue_indirect_dma source(%dma_start3A_503 : memref<10240x64xbf16, #tpu.memory_space<hbm>>) target(%dma_start3A_493 : memref<128x64xbf16, #tpu.memory_space<vmem>>) offsets(%dma_start3A_496 : memref<128xi32, #tpu.memory_space<vmem>>) semaphore(%arg20 : memref<!tpu.dma_semaphore, #tpu.memory_space<semaphore_mem>>)
      } else {
      }
      %run_scoped3A_473 = arith.constant 2 : i32
      "tpu.region"() ({
        %run_scoped3A_485 = tpu.sem_alloc : memref<!tpu.dma_semaphore, #tpu.memory_space<semaphore_mem>>
        %dma_start3A_486 = arith.constant 0 : i32
        %dma_start3A_487 = arith.constant 0 : i32
        %dma_start3A_488 = tpu.memref_slice %arg13[%run_scoped3A_473, %dma_start3A_486, %dma_start3A_487] : memref<3x128x64xbf16, #tpu.memory_space<vmem>> -> memref<1x128x64xbf16, #tpu.memory_space<vmem>>
        %dma_start3A_489 = tpu.memref_squeeze %dma_start3A_488 : memref<1x128x64xbf16, #tpu.memory_space<vmem>> -> memref<128x64xbf16, #tpu.memory_space<vmem>>
        %dma_start3A_490 = arith.constant 0 : i32
        %dma_start3A_491 = tpu.memref_slice %arg12[%add3A_448, %dma_start3A_490] : memref<162x128xi32, #tpu.memory_space<vmem>> -> memref<1x128xi32, #tpu.memory_space<vmem>>
        %dma_start3A_492 = tpu.memref_squeeze %dma_start3A_491 : memref<1x128xi32, #tpu.memory_space<vmem>> -> memref<128xi32, #tpu.memory_space<vmem>>
        %dma_start3A_493 = arith.constant 0 : i32
        %dma_start3A_494 = arith.constant 0 : i32
        %dma_start3A_495 = tpu.memref_slice %arg18[%dma_start3A_493, %dma_start3A_494] : memref<10240x64xbf16, #tpu.memory_space<vmem_shared>> -> memref<10240x64xbf16, #tpu.memory_space<vmem_shared>>
        tpu.enqueue_indirect_dma source(%dma_start3A_489 : memref<128x64xbf16, #tpu.memory_space<vmem>>) target(%dma_start3A_495 : memref<10240x64xbf16, #tpu.memory_space<vmem_shared>>) offsets(%dma_start3A_492 : memref<128xi32, #tpu.memory_space<vmem>>) semaphore(%run_scoped3A_485 : memref<!tpu.dma_semaphore, #tpu.memory_space<semaphore_mem>>) {add = true}
        %dma_wait3A_496 = arith.constant 0 : i32
        %dma_wait3A_497 = arith.constant 0 : i32
        %dma_wait3A_498 = tpu.memref_slice %arg13[%run_scoped3A_473, %dma_wait3A_496, %dma_wait3A_497] : memref<3x128x64xbf16, #tpu.memory_space<vmem>> -> memref<1x128x64xbf16, #tpu.memory_space<vmem>>
        %dma_wait3A_499 = tpu.memref_squeeze %dma_wait3A_498 : memref<1x128x64xbf16, #tpu.memory_space<vmem>> -> memref<128x64xbf16, #tpu.memory_space<vmem>>
        %dma_wait3A_500 = arith.constant 0 : i32
        %dma_wait3A_501 = tpu.memref_slice %arg12[%add3A_448, %dma_wait3A_500] : memref<162x128xi32, #tpu.memory_space<vmem>> -> memref<1x128xi32, #tpu.memory_space<vmem>>
        %dma_wait3A_502 = tpu.memref_squeeze %dma_wait3A_501 : memref<1x128xi32, #tpu.memory_space<vmem>> -> memref<128xi32, #tpu.memory_space<vmem>>
        %dma_wait3A_503 = arith.constant 0 : i32
        %dma_wait3A_504 = arith.constant 0 : i32
        %dma_wait3A_505 = tpu.memref_slice %arg18[%dma_wait3A_503, %dma_wait3A_504] : memref<10240x64xbf16, #tpu.memory_space<vmem_shared>> -> memref<10240x64xbf16, #tpu.memory_space<vmem_shared>>
        tpu.wait_indirect_dma semaphore(%run_scoped3A_485 : memref<!tpu.dma_semaphore, #tpu.memory_space<semaphore_mem>>) src(%dma_wait3A_499 : memref<128x64xbf16, #tpu.memory_space<vmem>>) dst(%dma_wait3A_505 : memref<10240x64xbf16, #tpu.memory_space<vmem_shared>>)
        tpu.yield
      }) : () -> ()
      %lt3A_474 = arith.constant 81 : i32
      %lt3A_475 = arith.cmpi slt, %add3A_448, %lt3A_474 : i32
      %eq3A_476 = arith.constant 0 : i32
      %eq3A_477 = arith.cmpi eq, %arg0, %eq3A_476 : i32
      %eq3A_478 = arith.xori %lt3A_475, %eq3A_477 : i1
      %eq3A_479 = arith.constant true
      %eq3A_480 = arith.xori %eq3A_478, %eq3A_479 : i1
      %and3A_481 = arith.andi %eq3A_8, %eq3A_480 : i1
      %convert_element_type3A_482 = arith.extui %and3A_481 : i1 to i32
      %cond3A_483 = arith.constant 0 : i32
      %cond3A_484 = arith.cmpi ne, %convert_element_type3A_482, %cond3A_483 : i32
      scf.if %cond3A_484 {
        "tpu.region"() ({
          %run_scoped3A_485 = tpu.sem_alloc : memref<!tpu.dma_semaphore, #tpu.memory_space<semaphore_mem>>
          %dma_start3A_486 = arith.constant 0 : i32
          %dma_start3A_487 = tpu.memref_slice %arg12[%add3A_448, %dma_start3A_486] : memref<162x128xi32, #tpu.memory_space<vmem>> -> memref<1x128xi32, #tpu.memory_space<vmem>>
          %dma_start3A_488 = tpu.memref_squeeze %dma_start3A_487 : memref<1x128xi32, #tpu.memory_space<vmem>> -> memref<128xi32, #tpu.memory_space<vmem>>
          %dma_start3A_489 = arith.constant 0 : i32
          %dma_start3A_490 = arith.constant 0 : i32
          %dma_start3A_491 = tpu.memref_slice %arg19[%dma_start3A_489, %dma_start3A_490] : memref<10240x8xf32, #tpu.memory_space<vmem_shared>> -> memref<10240x8xf32, #tpu.memory_space<vmem_shared>>
          tpu.enqueue_indirect_dma source(%arg14 : memref<128x8xf32, #tpu.memory_space<vmem>>) target(%dma_start3A_491 : memref<10240x8xf32, #tpu.memory_space<vmem_shared>>) offsets(%dma_start3A_488 : memref<128xi32, #tpu.memory_space<vmem>>) semaphore(%run_scoped3A_485 : memref<!tpu.dma_semaphore, #tpu.memory_space<semaphore_mem>>) {add = true}
          %dma_wait3A_492 = arith.constant 0 : i32
          %dma_wait3A_493 = tpu.memref_slice %arg12[%add3A_448, %dma_wait3A_492] : memref<162x128xi32, #tpu.memory_space<vmem>> -> memref<1x128xi32, #tpu.memory_space<vmem>>
          %dma_wait3A_494 = tpu.memref_squeeze %dma_wait3A_493 : memref<1x128xi32, #tpu.memory_space<vmem>> -> memref<128xi32, #tpu.memory_space<vmem>>
          %dma_wait3A_495 = arith.constant 0 : i32
          %dma_wait3A_496 = arith.constant 0 : i32
          %dma_wait3A_497 = tpu.memref_slice %arg19[%dma_wait3A_495, %dma_wait3A_496] : memref<10240x8xf32, #tpu.memory_space<vmem_shared>> -> memref<10240x8xf32, #tpu.memory_space<vmem_shared>>
          tpu.wait_indirect_dma semaphore(%run_scoped3A_485 : memref<!tpu.dma_semaphore, #tpu.memory_space<semaphore_mem>>) src(%arg14 : memref<128x8xf32, #tpu.memory_space<vmem>>) dst(%dma_wait3A_497 : memref<10240x8xf32, #tpu.memory_space<vmem_shared>>)
          tpu.yield
        }) : () -> ()
      } else {
      }
    }
    %scan3A_128 = arith.constant 54 : i32
    %barrier3A_129 = arith.constant 0 : index
    tpu.barrier barrier_id(%barrier3A_129)
    %add3A_130 = arith.constant 0 : i32
    %add3A_131 = arith.addi %mul3A_9, %add3A_130 : i32
    %run_scoped3A = arith.constant 0 : i32
    "tpu.region"() ({
      %run_scoped3A_367 = tpu.sem_alloc : memref<!tpu.dma_semaphore, #tpu.memory_space<semaphore_mem>>
      %dma_start3A_368 = arith.constant 0 : i32
      %dma_start3A_369 = arith.constant 0 : i32
      %dma_start3A_370 = tpu.memref_slice %arg13[%run_scoped3A, %dma_start3A_368, %dma_start3A_369] : memref<3x128x64xbf16, #tpu.memory_space<vmem>> -> memref<1x128x64xbf16, #tpu.memory_space<vmem>>
      %dma_start3A_371 = tpu.memref_squeeze %dma_start3A_370 : memref<1x128x64xbf16, #tpu.memory_space<vmem>> -> memref<128x64xbf16, #tpu.memory_space<vmem>>
      %dma_start3A_372 = arith.constant 0 : i32
      %dma_start3A_373 = tpu.memref_slice %arg18[%add3A_131, %dma_start3A_372] : memref<10240x64xbf16, #tpu.memory_space<vmem_shared>> -> memref<128x64xbf16, #tpu.memory_space<vmem_shared>>
      %dma_start3A_374 = arith.constant 0 : i32
      %dma_start3A_375 = arith.constant 0 : i32
      %dma_start3A_376 = tpu.memref_slice %arg13[%run_scoped3A, %dma_start3A_374, %dma_start3A_375] : memref<3x128x64xbf16, #tpu.memory_space<vmem>> -> memref<1x128x64xbf16, #tpu.memory_space<vmem>>
      %dma_start3A_377 = tpu.memref_squeeze %dma_start3A_376 : memref<1x128x64xbf16, #tpu.memory_space<vmem>> -> memref<128x64xbf16, #tpu.memory_space<vmem>>
      %dma_start3A_378 = arith.constant 0 : i32
      %dma_start3A_379 = tpu.memref_slice %arg18[%add3A_131, %dma_start3A_378] : memref<10240x64xbf16, #tpu.memory_space<vmem_shared>> -> memref<128x64xbf16, #tpu.memory_space<vmem_shared>>
      tpu.enqueue_dma source(%dma_start3A_379 : memref<128x64xbf16, #tpu.memory_space<vmem_shared>>) target(%dma_start3A_377 : memref<128x64xbf16, #tpu.memory_space<vmem>>) target_semaphore(%run_scoped3A_367 : memref<!tpu.dma_semaphore, #tpu.memory_space<semaphore_mem>>)
      %dma_wait3A_380 = arith.constant 0 : i32
      %dma_wait3A_381 = arith.constant 0 : i32
      %dma_wait3A_382 = tpu.memref_slice %arg13[%run_scoped3A, %dma_wait3A_380, %dma_wait3A_381] : memref<3x128x64xbf16, #tpu.memory_space<vmem>> -> memref<1x128x64xbf16, #tpu.memory_space<vmem>>
      %dma_wait3A_383 = tpu.memref_squeeze %dma_wait3A_382 : memref<1x128x64xbf16, #tpu.memory_space<vmem>> -> memref<128x64xbf16, #tpu.memory_space<vmem>>
      %dma_wait3A_384 = arith.constant 0 : i32
      %dma_wait3A_385 = tpu.memref_slice %arg18[%add3A_131, %dma_wait3A_384] : memref<10240x64xbf16, #tpu.memory_space<vmem_shared>> -> memref<128x64xbf16, #tpu.memory_space<vmem_shared>>
      %dma_wait3A_386 = arith.constant 0 : i32
      %dma_wait3A_387 = arith.constant 0 : i32
      %dma_wait3A_388 = tpu.memref_slice %arg13[%run_scoped3A, %dma_wait3A_386, %dma_wait3A_387] : memref<3x128x64xbf16, #tpu.memory_space<vmem>> -> memref<1x128x64xbf16, #tpu.memory_space<vmem>>
      %dma_wait3A_389 = tpu.memref_squeeze %dma_wait3A_388 : memref<1x128x64xbf16, #tpu.memory_space<vmem>> -> memref<128x64xbf16, #tpu.memory_space<vmem>>
      %dma_wait3A_390 = arith.constant 0 : i32
      %dma_wait3A_391 = tpu.memref_slice %arg18[%add3A_131, %dma_wait3A_390] : memref<10240x64xbf16, #tpu.memory_space<vmem_shared>> -> memref<128x64xbf16, #tpu.memory_space<vmem_shared>>
      tpu.wait_dma2 semaphore(%run_scoped3A_367 : memref<!tpu.dma_semaphore, #tpu.memory_space<semaphore_mem>>) src(%dma_wait3A_391 : memref<128x64xbf16, #tpu.memory_space<vmem_shared>>) dst(%dma_wait3A_389 : memref<128x64xbf16, #tpu.memory_space<vmem>>)
      tpu.yield
    }) : () -> ()
    %dma_start3A_132 = arith.constant 0 : i32
    %dma_start3A_133 = arith.constant 0 : i32
    %dma_start3A_134 = arith.constant 0 : i32
    %dma_start3A_135 = tpu.memref_slice %arg13[%dma_start3A_132, %dma_start3A_133, %dma_start3A_134] : memref<3x128x64xbf16, #tpu.memory_space<vmem>> -> memref<1x128x64xbf16, #tpu.memory_space<vmem>>
    %dma_start3A_136 = tpu.memref_squeeze %dma_start3A_135 : memref<1x128x64xbf16, #tpu.memory_space<vmem>> -> memref<128x64xbf16, #tpu.memory_space<vmem>>
    %dma_start3A_137 = arith.constant 0 : i32
    %dma_start3A_138 = arith.constant 0 : i32
    %dma_start3A_139 = tpu.memref_slice %arg9[%arg0, %dma_start3A_137, %dma_start3A_138] : memref<2x10240x64xbf16, #tpu.memory_space<hbm>> -> memref<1x10240x64xbf16, #tpu.memory_space<hbm>>
    %dma_start3A_140 = tpu.memref_squeeze %dma_start3A_139 : memref<1x10240x64xbf16, #tpu.memory_space<hbm>> -> memref<10240x64xbf16, #tpu.memory_space<hbm>>
    %dma_start3A_141 = arith.constant 0 : i32
    %dma_start3A_142 = tpu.memref_slice %dma_start3A_140[%add3A_131, %dma_start3A_141] : memref<10240x64xbf16, #tpu.memory_space<hbm>> -> memref<128x64xbf16, #tpu.memory_space<hbm>>
    %dma_start3A_143 = arith.constant 0 : i32
    %dma_start3A_144 = arith.constant 0 : i32
    %dma_start3A_145 = tpu.memref_slice %arg9[%arg0, %dma_start3A_143, %dma_start3A_144] : memref<2x10240x64xbf16, #tpu.memory_space<hbm>> -> memref<1x10240x64xbf16, #tpu.memory_space<hbm>>
    %dma_start3A_146 = tpu.memref_squeeze %dma_start3A_145 : memref<1x10240x64xbf16, #tpu.memory_space<hbm>> -> memref<10240x64xbf16, #tpu.memory_space<hbm>>
    %dma_start3A_147 = arith.constant 0 : i32
    %dma_start3A_148 = tpu.memref_slice %dma_start3A_146[%add3A_131, %dma_start3A_147] : memref<10240x64xbf16, #tpu.memory_space<hbm>> -> memref<128x64xbf16, #tpu.memory_space<hbm>>
    %dma_start3A_149 = arith.constant 0 : i32
    %dma_start3A_150 = arith.constant 0 : i32
    %dma_start3A_151 = tpu.memref_slice %arg13[%dma_start3A_132, %dma_start3A_149, %dma_start3A_150] : memref<3x128x64xbf16, #tpu.memory_space<vmem>> -> memref<1x128x64xbf16, #tpu.memory_space<vmem>>
    %dma_start3A_152 = tpu.memref_squeeze %dma_start3A_151 : memref<1x128x64xbf16, #tpu.memory_space<vmem>> -> memref<128x64xbf16, #tpu.memory_space<vmem>>
    tpu.enqueue_dma source(%dma_start3A_152 : memref<128x64xbf16, #tpu.memory_space<vmem>>) target(%dma_start3A_148 : memref<128x64xbf16, #tpu.memory_space<hbm>>) target_semaphore(%arg21 : memref<!tpu.dma_semaphore, #tpu.memory_space<semaphore_mem>>)
    %add3A_153 = arith.constant 128 : i32
    %add3A_154 = arith.addi %mul3A_9, %add3A_153 : i32
    %run_scoped3A_155 = arith.constant 1 : i32
    "tpu.region"() ({
      %run_scoped3A_367 = tpu.sem_alloc : memref<!tpu.dma_semaphore, #tpu.memory_space<semaphore_mem>>
      %dma_start3A_368 = arith.constant 0 : i32
      %dma_start3A_369 = arith.constant 0 : i32
      %dma_start3A_370 = tpu.memref_slice %arg13[%run_scoped3A_155, %dma_start3A_368, %dma_start3A_369] : memref<3x128x64xbf16, #tpu.memory_space<vmem>> -> memref<1x128x64xbf16, #tpu.memory_space<vmem>>
      %dma_start3A_371 = tpu.memref_squeeze %dma_start3A_370 : memref<1x128x64xbf16, #tpu.memory_space<vmem>> -> memref<128x64xbf16, #tpu.memory_space<vmem>>
      %dma_start3A_372 = arith.constant 0 : i32
      %dma_start3A_373 = tpu.memref_slice %arg18[%add3A_154, %dma_start3A_372] : memref<10240x64xbf16, #tpu.memory_space<vmem_shared>> -> memref<128x64xbf16, #tpu.memory_space<vmem_shared>>
      %dma_start3A_374 = arith.constant 0 : i32
      %dma_start3A_375 = arith.constant 0 : i32
      %dma_start3A_376 = tpu.memref_slice %arg13[%run_scoped3A_155, %dma_start3A_374, %dma_start3A_375] : memref<3x128x64xbf16, #tpu.memory_space<vmem>> -> memref<1x128x64xbf16, #tpu.memory_space<vmem>>
      %dma_start3A_377 = tpu.memref_squeeze %dma_start3A_376 : memref<1x128x64xbf16, #tpu.memory_space<vmem>> -> memref<128x64xbf16, #tpu.memory_space<vmem>>
      %dma_start3A_378 = arith.constant 0 : i32
      %dma_start3A_379 = tpu.memref_slice %arg18[%add3A_154, %dma_start3A_378] : memref<10240x64xbf16, #tpu.memory_space<vmem_shared>> -> memref<128x64xbf16, #tpu.memory_space<vmem_shared>>
      tpu.enqueue_dma source(%dma_start3A_379 : memref<128x64xbf16, #tpu.memory_space<vmem_shared>>) target(%dma_start3A_377 : memref<128x64xbf16, #tpu.memory_space<vmem>>) target_semaphore(%run_scoped3A_367 : memref<!tpu.dma_semaphore, #tpu.memory_space<semaphore_mem>>)
      %dma_wait3A_380 = arith.constant 0 : i32
      %dma_wait3A_381 = arith.constant 0 : i32
      %dma_wait3A_382 = tpu.memref_slice %arg13[%run_scoped3A_155, %dma_wait3A_380, %dma_wait3A_381] : memref<3x128x64xbf16, #tpu.memory_space<vmem>> -> memref<1x128x64xbf16, #tpu.memory_space<vmem>>
      %dma_wait3A_383 = tpu.memref_squeeze %dma_wait3A_382 : memref<1x128x64xbf16, #tpu.memory_space<vmem>> -> memref<128x64xbf16, #tpu.memory_space<vmem>>
      %dma_wait3A_384 = arith.constant 0 : i32
      %dma_wait3A_385 = tpu.memref_slice %arg18[%add3A_154, %dma_wait3A_384] : memref<10240x64xbf16, #tpu.memory_space<vmem_shared>> -> memref<128x64xbf16, #tpu.memory_space<vmem_shared>>
      %dma_wait3A_386 = arith.constant 0 : i32
      %dma_wait3A_387 = arith.constant 0 : i32
      %dma_wait3A_388 = tpu.memref_slice %arg13[%run_scoped3A_155, %dma_wait3A_386, %dma_wait3A_387] : memref<3x128x64xbf16, #tpu.memory_space<vmem>> -> memref<1x128x64xbf16, #tpu.memory_space<vmem>>
      %dma_wait3A_389 = tpu.memref_squeeze %dma_wait3A_388 : memref<1x128x64xbf16, #tpu.memory_space<vmem>> -> memref<128x64xbf16, #tpu.memory_space<vmem>>
      %dma_wait3A_390 = arith.constant 0 : i32
      %dma_wait3A_391 = tpu.memref_slice %arg18[%add3A_154, %dma_wait3A_390] : memref<10240x64xbf16, #tpu.memory_space<vmem_shared>> -> memref<128x64xbf16, #tpu.memory_space<vmem_shared>>
      tpu.wait_dma2 semaphore(%run_scoped3A_367 : memref<!tpu.dma_semaphore, #tpu.memory_space<semaphore_mem>>) src(%dma_wait3A_391 : memref<128x64xbf16, #tpu.memory_space<vmem_shared>>) dst(%dma_wait3A_389 : memref<128x64xbf16, #tpu.memory_space<vmem>>)
      tpu.yield
    }) : () -> ()
    %dma_start3A_156 = arith.constant 1 : i32
    %dma_start3A_157 = arith.constant 0 : i32
    %dma_start3A_158 = arith.constant 0 : i32
    %dma_start3A_159 = tpu.memref_slice %arg13[%dma_start3A_156, %dma_start3A_157, %dma_start3A_158] : memref<3x128x64xbf16, #tpu.memory_space<vmem>> -> memref<1x128x64xbf16, #tpu.memory_space<vmem>>
    %dma_start3A_160 = tpu.memref_squeeze %dma_start3A_159 : memref<1x128x64xbf16, #tpu.memory_space<vmem>> -> memref<128x64xbf16, #tpu.memory_space<vmem>>
    %dma_start3A_161 = arith.constant 0 : i32
    %dma_start3A_162 = arith.constant 0 : i32
    %dma_start3A_163 = tpu.memref_slice %arg9[%arg0, %dma_start3A_161, %dma_start3A_162] : memref<2x10240x64xbf16, #tpu.memory_space<hbm>> -> memref<1x10240x64xbf16, #tpu.memory_space<hbm>>
    %dma_start3A_164 = tpu.memref_squeeze %dma_start3A_163 : memref<1x10240x64xbf16, #tpu.memory_space<hbm>> -> memref<10240x64xbf16, #tpu.memory_space<hbm>>
    %dma_start3A_165 = arith.constant 0 : i32
    %dma_start3A_166 = tpu.memref_slice %dma_start3A_164[%add3A_154, %dma_start3A_165] : memref<10240x64xbf16, #tpu.memory_space<hbm>> -> memref<128x64xbf16, #tpu.memory_space<hbm>>
    %dma_start3A_167 = arith.constant 0 : i32
    %dma_start3A_168 = arith.constant 0 : i32
    %dma_start3A_169 = tpu.memref_slice %arg9[%arg0, %dma_start3A_167, %dma_start3A_168] : memref<2x10240x64xbf16, #tpu.memory_space<hbm>> -> memref<1x10240x64xbf16, #tpu.memory_space<hbm>>
    %dma_start3A_170 = tpu.memref_squeeze %dma_start3A_169 : memref<1x10240x64xbf16, #tpu.memory_space<hbm>> -> memref<10240x64xbf16, #tpu.memory_space<hbm>>
    %dma_start3A_171 = arith.constant 0 : i32
    %dma_start3A_172 = tpu.memref_slice %dma_start3A_170[%add3A_154, %dma_start3A_171] : memref<10240x64xbf16, #tpu.memory_space<hbm>> -> memref<128x64xbf16, #tpu.memory_space<hbm>>
    %dma_start3A_173 = arith.constant 0 : i32
    %dma_start3A_174 = arith.constant 0 : i32
    %dma_start3A_175 = tpu.memref_slice %arg13[%dma_start3A_156, %dma_start3A_173, %dma_start3A_174] : memref<3x128x64xbf16, #tpu.memory_space<vmem>> -> memref<1x128x64xbf16, #tpu.memory_space<vmem>>
    %dma_start3A_176 = tpu.memref_squeeze %dma_start3A_175 : memref<1x128x64xbf16, #tpu.memory_space<vmem>> -> memref<128x64xbf16, #tpu.memory_space<vmem>>
    tpu.enqueue_dma source(%dma_start3A_176 : memref<128x64xbf16, #tpu.memory_space<vmem>>) target(%dma_start3A_172 : memref<128x64xbf16, #tpu.memory_space<hbm>>) target_semaphore(%arg21 : memref<!tpu.dma_semaphore, #tpu.memory_space<semaphore_mem>>)
    %add3A_177 = arith.constant 256 : i32
    %add3A_178 = arith.addi %mul3A_9, %add3A_177 : i32
    %run_scoped3A_179 = arith.constant 2 : i32
    "tpu.region"() ({
      %run_scoped3A_367 = tpu.sem_alloc : memref<!tpu.dma_semaphore, #tpu.memory_space<semaphore_mem>>
      %dma_start3A_368 = arith.constant 0 : i32
      %dma_start3A_369 = arith.constant 0 : i32
      %dma_start3A_370 = tpu.memref_slice %arg13[%run_scoped3A_179, %dma_start3A_368, %dma_start3A_369] : memref<3x128x64xbf16, #tpu.memory_space<vmem>> -> memref<1x128x64xbf16, #tpu.memory_space<vmem>>
      %dma_start3A_371 = tpu.memref_squeeze %dma_start3A_370 : memref<1x128x64xbf16, #tpu.memory_space<vmem>> -> memref<128x64xbf16, #tpu.memory_space<vmem>>
      %dma_start3A_372 = arith.constant 0 : i32
      %dma_start3A_373 = tpu.memref_slice %arg18[%add3A_178, %dma_start3A_372] : memref<10240x64xbf16, #tpu.memory_space<vmem_shared>> -> memref<128x64xbf16, #tpu.memory_space<vmem_shared>>
      %dma_start3A_374 = arith.constant 0 : i32
      %dma_start3A_375 = arith.constant 0 : i32
      %dma_start3A_376 = tpu.memref_slice %arg13[%run_scoped3A_179, %dma_start3A_374, %dma_start3A_375] : memref<3x128x64xbf16, #tpu.memory_space<vmem>> -> memref<1x128x64xbf16, #tpu.memory_space<vmem>>
      %dma_start3A_377 = tpu.memref_squeeze %dma_start3A_376 : memref<1x128x64xbf16, #tpu.memory_space<vmem>> -> memref<128x64xbf16, #tpu.memory_space<vmem>>
      %dma_start3A_378 = arith.constant 0 : i32
      %dma_start3A_379 = tpu.memref_slice %arg18[%add3A_178, %dma_start3A_378] : memref<10240x64xbf16, #tpu.memory_space<vmem_shared>> -> memref<128x64xbf16, #tpu.memory_space<vmem_shared>>
      tpu.enqueue_dma source(%dma_start3A_379 : memref<128x64xbf16, #tpu.memory_space<vmem_shared>>) target(%dma_start3A_377 : memref<128x64xbf16, #tpu.memory_space<vmem>>) target_semaphore(%run_scoped3A_367 : memref<!tpu.dma_semaphore, #tpu.memory_space<semaphore_mem>>)
      %dma_wait3A_380 = arith.constant 0 : i32
      %dma_wait3A_381 = arith.constant 0 : i32
      %dma_wait3A_382 = tpu.memref_slice %arg13[%run_scoped3A_179, %dma_wait3A_380, %dma_wait3A_381] : memref<3x128x64xbf16, #tpu.memory_space<vmem>> -> memref<1x128x64xbf16, #tpu.memory_space<vmem>>
      %dma_wait3A_383 = tpu.memref_squeeze %dma_wait3A_382 : memref<1x128x64xbf16, #tpu.memory_space<vmem>> -> memref<128x64xbf16, #tpu.memory_space<vmem>>
      %dma_wait3A_384 = arith.constant 0 : i32
      %dma_wait3A_385 = tpu.memref_slice %arg18[%add3A_178, %dma_wait3A_384] : memref<10240x64xbf16, #tpu.memory_space<vmem_shared>> -> memref<128x64xbf16, #tpu.memory_space<vmem_shared>>
      %dma_wait3A_386 = arith.constant 0 : i32
      %dma_wait3A_387 = arith.constant 0 : i32
      %dma_wait3A_388 = tpu.memref_slice %arg13[%run_scoped3A_179, %dma_wait3A_386, %dma_wait3A_387] : memref<3x128x64xbf16, #tpu.memory_space<vmem>> -> memref<1x128x64xbf16, #tpu.memory_space<vmem>>
      %dma_wait3A_389 = tpu.memref_squeeze %dma_wait3A_388 : memref<1x128x64xbf16, #tpu.memory_space<vmem>> -> memref<128x64xbf16, #tpu.memory_space<vmem>>
      %dma_wait3A_390 = arith.constant 0 : i32
      %dma_wait3A_391 = tpu.memref_slice %arg18[%add3A_178, %dma_wait3A_390] : memref<10240x64xbf16, #tpu.memory_space<vmem_shared>> -> memref<128x64xbf16, #tpu.memory_space<vmem_shared>>
      tpu.wait_dma2 semaphore(%run_scoped3A_367 : memref<!tpu.dma_semaphore, #tpu.memory_space<semaphore_mem>>) src(%dma_wait3A_391 : memref<128x64xbf16, #tpu.memory_space<vmem_shared>>) dst(%dma_wait3A_389 : memref<128x64xbf16, #tpu.memory_space<vmem>>)
      tpu.yield
    }) : () -> ()
    %dma_start3A_180 = arith.constant 2 : i32
    %dma_start3A_181 = arith.constant 0 : i32
    %dma_start3A_182 = arith.constant 0 : i32
    %dma_start3A_183 = tpu.memref_slice %arg13[%dma_start3A_180, %dma_start3A_181, %dma_start3A_182] : memref<3x128x64xbf16, #tpu.memory_space<vmem>> -> memref<1x128x64xbf16, #tpu.memory_space<vmem>>
    %dma_start3A_184 = tpu.memref_squeeze %dma_start3A_183 : memref<1x128x64xbf16, #tpu.memory_space<vmem>> -> memref<128x64xbf16, #tpu.memory_space<vmem>>
    %dma_start3A_185 = arith.constant 0 : i32
    %dma_start3A_186 = arith.constant 0 : i32
    %dma_start3A_187 = tpu.memref_slice %arg9[%arg0, %dma_start3A_185, %dma_start3A_186] : memref<2x10240x64xbf16, #tpu.memory_space<hbm>> -> memref<1x10240x64xbf16, #tpu.memory_space<hbm>>
    %dma_start3A_188 = tpu.memref_squeeze %dma_start3A_187 : memref<1x10240x64xbf16, #tpu.memory_space<hbm>> -> memref<10240x64xbf16, #tpu.memory_space<hbm>>
    %dma_start3A_189 = arith.constant 0 : i32
    %dma_start3A_190 = tpu.memref_slice %dma_start3A_188[%add3A_178, %dma_start3A_189] : memref<10240x64xbf16, #tpu.memory_space<hbm>> -> memref<128x64xbf16, #tpu.memory_space<hbm>>
    %dma_start3A_191 = arith.constant 0 : i32
    %dma_start3A_192 = arith.constant 0 : i32
    %dma_start3A_193 = tpu.memref_slice %arg9[%arg0, %dma_start3A_191, %dma_start3A_192] : memref<2x10240x64xbf16, #tpu.memory_space<hbm>> -> memref<1x10240x64xbf16, #tpu.memory_space<hbm>>
    %dma_start3A_194 = tpu.memref_squeeze %dma_start3A_193 : memref<1x10240x64xbf16, #tpu.memory_space<hbm>> -> memref<10240x64xbf16, #tpu.memory_space<hbm>>
    %dma_start3A_195 = arith.constant 0 : i32
    %dma_start3A_196 = tpu.memref_slice %dma_start3A_194[%add3A_178, %dma_start3A_195] : memref<10240x64xbf16, #tpu.memory_space<hbm>> -> memref<128x64xbf16, #tpu.memory_space<hbm>>
    %dma_start3A_197 = arith.constant 0 : i32
    %dma_start3A_198 = arith.constant 0 : i32
    %dma_start3A_199 = tpu.memref_slice %arg13[%dma_start3A_180, %dma_start3A_197, %dma_start3A_198] : memref<3x128x64xbf16, #tpu.memory_space<vmem>> -> memref<1x128x64xbf16, #tpu.memory_space<vmem>>
    %dma_start3A_200 = tpu.memref_squeeze %dma_start3A_199 : memref<1x128x64xbf16, #tpu.memory_space<vmem>> -> memref<128x64xbf16, #tpu.memory_space<vmem>>
    tpu.enqueue_dma source(%dma_start3A_200 : memref<128x64xbf16, #tpu.memory_space<vmem>>) target(%dma_start3A_196 : memref<128x64xbf16, #tpu.memory_space<hbm>>) target_semaphore(%arg21 : memref<!tpu.dma_semaphore, #tpu.memory_space<semaphore_mem>>)
    %add3A_201 = arith.constant 384 : i32
    %add3A_202 = arith.addi %mul3A_9, %add3A_201 : i32
    %add3A_203 = arith.constant 0 : i32
    %add3A_204 = arith.addi %mul3A_9, %add3A_203 : i32
    %dma_wait3A_205 = arith.constant 0 : i32
    %dma_wait3A_206 = arith.constant 0 : i32
    %dma_wait3A_207 = arith.constant 0 : i32
    %dma_wait3A_208 = tpu.memref_slice %arg13[%dma_wait3A_205, %dma_wait3A_206, %dma_wait3A_207] : memref<3x128x64xbf16, #tpu.memory_space<vmem>> -> memref<1x128x64xbf16, #tpu.memory_space<vmem>>
    %dma_wait3A_209 = tpu.memref_squeeze %dma_wait3A_208 : memref<1x128x64xbf16, #tpu.memory_space<vmem>> -> memref<128x64xbf16, #tpu.memory_space<vmem>>
    %dma_wait3A_210 = arith.constant 0 : i32
    %dma_wait3A_211 = arith.constant 0 : i32
    %dma_wait3A_212 = tpu.memref_slice %arg9[%arg0, %dma_wait3A_210, %dma_wait3A_211] : memref<2x10240x64xbf16, #tpu.memory_space<hbm>> -> memref<1x10240x64xbf16, #tpu.memory_space<hbm>>
    %dma_wait3A_213 = tpu.memref_squeeze %dma_wait3A_212 : memref<1x10240x64xbf16, #tpu.memory_space<hbm>> -> memref<10240x64xbf16, #tpu.memory_space<hbm>>
    %dma_wait3A_214 = arith.constant 0 : i32
    %dma_wait3A_215 = tpu.memref_slice %dma_wait3A_213[%add3A_204, %dma_wait3A_214] : memref<10240x64xbf16, #tpu.memory_space<hbm>> -> memref<128x64xbf16, #tpu.memory_space<hbm>>
    %dma_wait3A_216 = arith.constant 0 : i32
    %dma_wait3A_217 = arith.constant 0 : i32
    %dma_wait3A_218 = tpu.memref_slice %arg9[%arg0, %dma_wait3A_216, %dma_wait3A_217] : memref<2x10240x64xbf16, #tpu.memory_space<hbm>> -> memref<1x10240x64xbf16, #tpu.memory_space<hbm>>
    %dma_wait3A_219 = tpu.memref_squeeze %dma_wait3A_218 : memref<1x10240x64xbf16, #tpu.memory_space<hbm>> -> memref<10240x64xbf16, #tpu.memory_space<hbm>>
    %dma_wait3A_220 = arith.constant 0 : i32
    %dma_wait3A_221 = tpu.memref_slice %dma_wait3A_219[%add3A_204, %dma_wait3A_220] : memref<10240x64xbf16, #tpu.memory_space<hbm>> -> memref<128x64xbf16, #tpu.memory_space<hbm>>
    %dma_wait3A_222 = arith.constant 0 : i32
    %dma_wait3A_223 = arith.constant 0 : i32
    %dma_wait3A_224 = tpu.memref_slice %arg13[%dma_wait3A_205, %dma_wait3A_222, %dma_wait3A_223] : memref<3x128x64xbf16, #tpu.memory_space<vmem>> -> memref<1x128x64xbf16, #tpu.memory_space<vmem>>
    %dma_wait3A_225 = tpu.memref_squeeze %dma_wait3A_224 : memref<1x128x64xbf16, #tpu.memory_space<vmem>> -> memref<128x64xbf16, #tpu.memory_space<vmem>>
    tpu.wait_dma2 semaphore(%arg21 : memref<!tpu.dma_semaphore, #tpu.memory_space<semaphore_mem>>) src(%dma_wait3A_225 : memref<128x64xbf16, #tpu.memory_space<vmem>>) dst(%dma_wait3A_221 : memref<128x64xbf16, #tpu.memory_space<hbm>>)
    %run_scoped3A_226 = arith.constant 0 : i32
    "tpu.region"() ({
      %run_scoped3A_367 = tpu.sem_alloc : memref<!tpu.dma_semaphore, #tpu.memory_space<semaphore_mem>>
      %dma_start3A_368 = arith.constant 0 : i32
      %dma_start3A_369 = arith.constant 0 : i32
      %dma_start3A_370 = tpu.memref_slice %arg13[%run_scoped3A_226, %dma_start3A_368, %dma_start3A_369] : memref<3x128x64xbf16, #tpu.memory_space<vmem>> -> memref<1x128x64xbf16, #tpu.memory_space<vmem>>
      %dma_start3A_371 = tpu.memref_squeeze %dma_start3A_370 : memref<1x128x64xbf16, #tpu.memory_space<vmem>> -> memref<128x64xbf16, #tpu.memory_space<vmem>>
      %dma_start3A_372 = arith.constant 0 : i32
      %dma_start3A_373 = tpu.memref_slice %arg18[%add3A_202, %dma_start3A_372] : memref<10240x64xbf16, #tpu.memory_space<vmem_shared>> -> memref<128x64xbf16, #tpu.memory_space<vmem_shared>>
      %dma_start3A_374 = arith.constant 0 : i32
      %dma_start3A_375 = arith.constant 0 : i32
      %dma_start3A_376 = tpu.memref_slice %arg13[%run_scoped3A_226, %dma_start3A_374, %dma_start3A_375] : memref<3x128x64xbf16, #tpu.memory_space<vmem>> -> memref<1x128x64xbf16, #tpu.memory_space<vmem>>
      %dma_start3A_377 = tpu.memref_squeeze %dma_start3A_376 : memref<1x128x64xbf16, #tpu.memory_space<vmem>> -> memref<128x64xbf16, #tpu.memory_space<vmem>>
      %dma_start3A_378 = arith.constant 0 : i32
      %dma_start3A_379 = tpu.memref_slice %arg18[%add3A_202, %dma_start3A_378] : memref<10240x64xbf16, #tpu.memory_space<vmem_shared>> -> memref<128x64xbf16, #tpu.memory_space<vmem_shared>>
      tpu.enqueue_dma source(%dma_start3A_379 : memref<128x64xbf16, #tpu.memory_space<vmem_shared>>) target(%dma_start3A_377 : memref<128x64xbf16, #tpu.memory_space<vmem>>) target_semaphore(%run_scoped3A_367 : memref<!tpu.dma_semaphore, #tpu.memory_space<semaphore_mem>>)
      %dma_wait3A_380 = arith.constant 0 : i32
      %dma_wait3A_381 = arith.constant 0 : i32
      %dma_wait3A_382 = tpu.memref_slice %arg13[%run_scoped3A_226, %dma_wait3A_380, %dma_wait3A_381] : memref<3x128x64xbf16, #tpu.memory_space<vmem>> -> memref<1x128x64xbf16, #tpu.memory_space<vmem>>
      %dma_wait3A_383 = tpu.memref_squeeze %dma_wait3A_382 : memref<1x128x64xbf16, #tpu.memory_space<vmem>> -> memref<128x64xbf16, #tpu.memory_space<vmem>>
      %dma_wait3A_384 = arith.constant 0 : i32
      %dma_wait3A_385 = tpu.memref_slice %arg18[%add3A_202, %dma_wait3A_384] : memref<10240x64xbf16, #tpu.memory_space<vmem_shared>> -> memref<128x64xbf16, #tpu.memory_space<vmem_shared>>
      %dma_wait3A_386 = arith.constant 0 : i32
      %dma_wait3A_387 = arith.constant 0 : i32
      %dma_wait3A_388 = tpu.memref_slice %arg13[%run_scoped3A_226, %dma_wait3A_386, %dma_wait3A_387] : memref<3x128x64xbf16, #tpu.memory_space<vmem>> -> memref<1x128x64xbf16, #tpu.memory_space<vmem>>
      %dma_wait3A_389 = tpu.memref_squeeze %dma_wait3A_388 : memref<1x128x64xbf16, #tpu.memory_space<vmem>> -> memref<128x64xbf16, #tpu.memory_space<vmem>>
      %dma_wait3A_390 = arith.constant 0 : i32
      %dma_wait3A_391 = tpu.memref_slice %arg18[%add3A_202, %dma_wait3A_390] : memref<10240x64xbf16, #tpu.memory_space<vmem_shared>> -> memref<128x64xbf16, #tpu.memory_space<vmem_shared>>
      tpu.wait_dma2 semaphore(%run_scoped3A_367 : memref<!tpu.dma_semaphore, #tpu.memory_space<semaphore_mem>>) src(%dma_wait3A_391 : memref<128x64xbf16, #tpu.memory_space<vmem_shared>>) dst(%dma_wait3A_389 : memref<128x64xbf16, #tpu.memory_space<vmem>>)
      tpu.yield
    }) : () -> ()
    %dma_start3A_227 = arith.constant 0 : i32
    %dma_start3A_228 = arith.constant 0 : i32
    %dma_start3A_229 = arith.constant 0 : i32
    %dma_start3A_230 = tpu.memref_slice %arg13[%dma_start3A_227, %dma_start3A_228, %dma_start3A_229] : memref<3x128x64xbf16, #tpu.memory_space<vmem>> -> memref<1x128x64xbf16, #tpu.memory_space<vmem>>
    %dma_start3A_231 = tpu.memref_squeeze %dma_start3A_230 : memref<1x128x64xbf16, #tpu.memory_space<vmem>> -> memref<128x64xbf16, #tpu.memory_space<vmem>>
    %dma_start3A_232 = arith.constant 0 : i32
    %dma_start3A_233 = arith.constant 0 : i32
    %dma_start3A_234 = tpu.memref_slice %arg9[%arg0, %dma_start3A_232, %dma_start3A_233] : memref<2x10240x64xbf16, #tpu.memory_space<hbm>> -> memref<1x10240x64xbf16, #tpu.memory_space<hbm>>
    %dma_start3A_235 = tpu.memref_squeeze %dma_start3A_234 : memref<1x10240x64xbf16, #tpu.memory_space<hbm>> -> memref<10240x64xbf16, #tpu.memory_space<hbm>>
    %dma_start3A_236 = arith.constant 0 : i32
    %dma_start3A_237 = tpu.memref_slice %dma_start3A_235[%add3A_202, %dma_start3A_236] : memref<10240x64xbf16, #tpu.memory_space<hbm>> -> memref<128x64xbf16, #tpu.memory_space<hbm>>
    %dma_start3A_238 = arith.constant 0 : i32
    %dma_start3A_239 = arith.constant 0 : i32
    %dma_start3A_240 = tpu.memref_slice %arg9[%arg0, %dma_start3A_238, %dma_start3A_239] : memref<2x10240x64xbf16, #tpu.memory_space<hbm>> -> memref<1x10240x64xbf16, #tpu.memory_space<hbm>>
    %dma_start3A_241 = tpu.memref_squeeze %dma_start3A_240 : memref<1x10240x64xbf16, #tpu.memory_space<hbm>> -> memref<10240x64xbf16, #tpu.memory_space<hbm>>
    %dma_start3A_242 = arith.constant 0 : i32
    %dma_start3A_243 = tpu.memref_slice %dma_start3A_241[%add3A_202, %dma_start3A_242] : memref<10240x64xbf16, #tpu.memory_space<hbm>> -> memref<128x64xbf16, #tpu.memory_space<hbm>>
    %dma_start3A_244 = arith.constant 0 : i32
    %dma_start3A_245 = arith.constant 0 : i32
    %dma_start3A_246 = tpu.memref_slice %arg13[%dma_start3A_227, %dma_start3A_244, %dma_start3A_245] : memref<3x128x64xbf16, #tpu.memory_space<vmem>> -> memref<1x128x64xbf16, #tpu.memory_space<vmem>>
    %dma_start3A_247 = tpu.memref_squeeze %dma_start3A_246 : memref<1x128x64xbf16, #tpu.memory_space<vmem>> -> memref<128x64xbf16, #tpu.memory_space<vmem>>
    tpu.enqueue_dma source(%dma_start3A_247 : memref<128x64xbf16, #tpu.memory_space<vmem>>) target(%dma_start3A_243 : memref<128x64xbf16, #tpu.memory_space<hbm>>) target_semaphore(%arg21 : memref<!tpu.dma_semaphore, #tpu.memory_space<semaphore_mem>>)
    %add3A_248 = arith.constant 512 : i32
    %add3A_249 = arith.addi %mul3A_9, %add3A_248 : i32
    %add3A_250 = arith.constant 128 : i32
    %add3A_251 = arith.addi %mul3A_9, %add3A_250 : i32
    %dma_wait3A_252 = arith.constant 1 : i32
    %dma_wait3A_253 = arith.constant 0 : i32
    %dma_wait3A_254 = arith.constant 0 : i32
    %dma_wait3A_255 = tpu.memref_slice %arg13[%dma_wait3A_252, %dma_wait3A_253, %dma_wait3A_254] : memref<3x128x64xbf16, #tpu.memory_space<vmem>> -> memref<1x128x64xbf16, #tpu.memory_space<vmem>>
    %dma_wait3A_256 = tpu.memref_squeeze %dma_wait3A_255 : memref<1x128x64xbf16, #tpu.memory_space<vmem>> -> memref<128x64xbf16, #tpu.memory_space<vmem>>
    %dma_wait3A_257 = arith.constant 0 : i32
    %dma_wait3A_258 = arith.constant 0 : i32
    %dma_wait3A_259 = tpu.memref_slice %arg9[%arg0, %dma_wait3A_257, %dma_wait3A_258] : memref<2x10240x64xbf16, #tpu.memory_space<hbm>> -> memref<1x10240x64xbf16, #tpu.memory_space<hbm>>
    %dma_wait3A_260 = tpu.memref_squeeze %dma_wait3A_259 : memref<1x10240x64xbf16, #tpu.memory_space<hbm>> -> memref<10240x64xbf16, #tpu.memory_space<hbm>>
    %dma_wait3A_261 = arith.constant 0 : i32
    %dma_wait3A_262 = tpu.memref_slice %dma_wait3A_260[%add3A_251, %dma_wait3A_261] : memref<10240x64xbf16, #tpu.memory_space<hbm>> -> memref<128x64xbf16, #tpu.memory_space<hbm>>
    %dma_wait3A_263 = arith.constant 0 : i32
    %dma_wait3A_264 = arith.constant 0 : i32
    %dma_wait3A_265 = tpu.memref_slice %arg9[%arg0, %dma_wait3A_263, %dma_wait3A_264] : memref<2x10240x64xbf16, #tpu.memory_space<hbm>> -> memref<1x10240x64xbf16, #tpu.memory_space<hbm>>
    %dma_wait3A_266 = tpu.memref_squeeze %dma_wait3A_265 : memref<1x10240x64xbf16, #tpu.memory_space<hbm>> -> memref<10240x64xbf16, #tpu.memory_space<hbm>>
    %dma_wait3A_267 = arith.constant 0 : i32
    %dma_wait3A_268 = tpu.memref_slice %dma_wait3A_266[%add3A_251, %dma_wait3A_267] : memref<10240x64xbf16, #tpu.memory_space<hbm>> -> memref<128x64xbf16, #tpu.memory_space<hbm>>
    %dma_wait3A_269 = arith.constant 0 : i32
    %dma_wait3A_270 = arith.constant 0 : i32
    %dma_wait3A_271 = tpu.memref_slice %arg13[%dma_wait3A_252, %dma_wait3A_269, %dma_wait3A_270] : memref<3x128x64xbf16, #tpu.memory_space<vmem>> -> memref<1x128x64xbf16, #tpu.memory_space<vmem>>
    %dma_wait3A_272 = tpu.memref_squeeze %dma_wait3A_271 : memref<1x128x64xbf16, #tpu.memory_space<vmem>> -> memref<128x64xbf16, #tpu.memory_space<vmem>>
    tpu.wait_dma2 semaphore(%arg21 : memref<!tpu.dma_semaphore, #tpu.memory_space<semaphore_mem>>) src(%dma_wait3A_272 : memref<128x64xbf16, #tpu.memory_space<vmem>>) dst(%dma_wait3A_268 : memref<128x64xbf16, #tpu.memory_space<hbm>>)
    %run_scoped3A_273 = arith.constant 1 : i32
    "tpu.region"() ({
      %run_scoped3A_367 = tpu.sem_alloc : memref<!tpu.dma_semaphore, #tpu.memory_space<semaphore_mem>>
      %dma_start3A_368 = arith.constant 0 : i32
      %dma_start3A_369 = arith.constant 0 : i32
      %dma_start3A_370 = tpu.memref_slice %arg13[%run_scoped3A_273, %dma_start3A_368, %dma_start3A_369] : memref<3x128x64xbf16, #tpu.memory_space<vmem>> -> memref<1x128x64xbf16, #tpu.memory_space<vmem>>
      %dma_start3A_371 = tpu.memref_squeeze %dma_start3A_370 : memref<1x128x64xbf16, #tpu.memory_space<vmem>> -> memref<128x64xbf16, #tpu.memory_space<vmem>>
      %dma_start3A_372 = arith.constant 0 : i32
      %dma_start3A_373 = tpu.memref_slice %arg18[%add3A_249, %dma_start3A_372] : memref<10240x64xbf16, #tpu.memory_space<vmem_shared>> -> memref<128x64xbf16, #tpu.memory_space<vmem_shared>>
      %dma_start3A_374 = arith.constant 0 : i32
      %dma_start3A_375 = arith.constant 0 : i32
      %dma_start3A_376 = tpu.memref_slice %arg13[%run_scoped3A_273, %dma_start3A_374, %dma_start3A_375] : memref<3x128x64xbf16, #tpu.memory_space<vmem>> -> memref<1x128x64xbf16, #tpu.memory_space<vmem>>
      %dma_start3A_377 = tpu.memref_squeeze %dma_start3A_376 : memref<1x128x64xbf16, #tpu.memory_space<vmem>> -> memref<128x64xbf16, #tpu.memory_space<vmem>>
      %dma_start3A_378 = arith.constant 0 : i32
      %dma_start3A_379 = tpu.memref_slice %arg18[%add3A_249, %dma_start3A_378] : memref<10240x64xbf16, #tpu.memory_space<vmem_shared>> -> memref<128x64xbf16, #tpu.memory_space<vmem_shared>>
      tpu.enqueue_dma source(%dma_start3A_379 : memref<128x64xbf16, #tpu.memory_space<vmem_shared>>) target(%dma_start3A_377 : memref<128x64xbf16, #tpu.memory_space<vmem>>) target_semaphore(%run_scoped3A_367 : memref<!tpu.dma_semaphore, #tpu.memory_space<semaphore_mem>>)
      %dma_wait3A_380 = arith.constant 0 : i32
      %dma_wait3A_381 = arith.constant 0 : i32
      %dma_wait3A_382 = tpu.memref_slice %arg13[%run_scoped3A_273, %dma_wait3A_380, %dma_wait3A_381] : memref<3x128x64xbf16, #tpu.memory_space<vmem>> -> memref<1x128x64xbf16, #tpu.memory_space<vmem>>
      %dma_wait3A_383 = tpu.memref_squeeze %dma_wait3A_382 : memref<1x128x64xbf16, #tpu.memory_space<vmem>> -> memref<128x64xbf16, #tpu.memory_space<vmem>>
      %dma_wait3A_384 = arith.constant 0 : i32
      %dma_wait3A_385 = tpu.memref_slice %arg18[%add3A_249, %dma_wait3A_384] : memref<10240x64xbf16, #tpu.memory_space<vmem_shared>> -> memref<128x64xbf16, #tpu.memory_space<vmem_shared>>
      %dma_wait3A_386 = arith.constant 0 : i32
      %dma_wait3A_387 = arith.constant 0 : i32
      %dma_wait3A_388 = tpu.memref_slice %arg13[%run_scoped3A_273, %dma_wait3A_386, %dma_wait3A_387] : memref<3x128x64xbf16, #tpu.memory_space<vmem>> -> memref<1x128x64xbf16, #tpu.memory_space<vmem>>
      %dma_wait3A_389 = tpu.memref_squeeze %dma_wait3A_388 : memref<1x128x64xbf16, #tpu.memory_space<vmem>> -> memref<128x64xbf16, #tpu.memory_space<vmem>>
      %dma_wait3A_390 = arith.constant 0 : i32
      %dma_wait3A_391 = tpu.memref_slice %arg18[%add3A_249, %dma_wait3A_390] : memref<10240x64xbf16, #tpu.memory_space<vmem_shared>> -> memref<128x64xbf16, #tpu.memory_space<vmem_shared>>
      tpu.wait_dma2 semaphore(%run_scoped3A_367 : memref<!tpu.dma_semaphore, #tpu.memory_space<semaphore_mem>>) src(%dma_wait3A_391 : memref<128x64xbf16, #tpu.memory_space<vmem_shared>>) dst(%dma_wait3A_389 : memref<128x64xbf16, #tpu.memory_space<vmem>>)
      tpu.yield
    }) : () -> ()
    %dma_start3A_274 = arith.constant 1 : i32
    %dma_start3A_275 = arith.constant 0 : i32
    %dma_start3A_276 = arith.constant 0 : i32
    %dma_start3A_277 = tpu.memref_slice %arg13[%dma_start3A_274, %dma_start3A_275, %dma_start3A_276] : memref<3x128x64xbf16, #tpu.memory_space<vmem>> -> memref<1x128x64xbf16, #tpu.memory_space<vmem>>
    %dma_start3A_278 = tpu.memref_squeeze %dma_start3A_277 : memref<1x128x64xbf16, #tpu.memory_space<vmem>> -> memref<128x64xbf16, #tpu.memory_space<vmem>>
    %dma_start3A_279 = arith.constant 0 : i32
    %dma_start3A_280 = arith.constant 0 : i32
    %dma_start3A_281 = tpu.memref_slice %arg9[%arg0, %dma_start3A_279, %dma_start3A_280] : memref<2x10240x64xbf16, #tpu.memory_space<hbm>> -> memref<1x10240x64xbf16, #tpu.memory_space<hbm>>
    %dma_start3A_282 = tpu.memref_squeeze %dma_start3A_281 : memref<1x10240x64xbf16, #tpu.memory_space<hbm>> -> memref<10240x64xbf16, #tpu.memory_space<hbm>>
    %dma_start3A_283 = arith.constant 0 : i32
    %dma_start3A_284 = tpu.memref_slice %dma_start3A_282[%add3A_249, %dma_start3A_283] : memref<10240x64xbf16, #tpu.memory_space<hbm>> -> memref<128x64xbf16, #tpu.memory_space<hbm>>
    %dma_start3A_285 = arith.constant 0 : i32
    %dma_start3A_286 = arith.constant 0 : i32
    %dma_start3A_287 = tpu.memref_slice %arg9[%arg0, %dma_start3A_285, %dma_start3A_286] : memref<2x10240x64xbf16, #tpu.memory_space<hbm>> -> memref<1x10240x64xbf16, #tpu.memory_space<hbm>>
    %dma_start3A_288 = tpu.memref_squeeze %dma_start3A_287 : memref<1x10240x64xbf16, #tpu.memory_space<hbm>> -> memref<10240x64xbf16, #tpu.memory_space<hbm>>
    %dma_start3A_289 = arith.constant 0 : i32
    %dma_start3A_290 = tpu.memref_slice %dma_start3A_288[%add3A_249, %dma_start3A_289] : memref<10240x64xbf16, #tpu.memory_space<hbm>> -> memref<128x64xbf16, #tpu.memory_space<hbm>>
    %dma_start3A_291 = arith.constant 0 : i32
    %dma_start3A_292 = arith.constant 0 : i32
    %dma_start3A_293 = tpu.memref_slice %arg13[%dma_start3A_274, %dma_start3A_291, %dma_start3A_292] : memref<3x128x64xbf16, #tpu.memory_space<vmem>> -> memref<1x128x64xbf16, #tpu.memory_space<vmem>>
    %dma_start3A_294 = tpu.memref_squeeze %dma_start3A_293 : memref<1x128x64xbf16, #tpu.memory_space<vmem>> -> memref<128x64xbf16, #tpu.memory_space<vmem>>
    tpu.enqueue_dma source(%dma_start3A_294 : memref<128x64xbf16, #tpu.memory_space<vmem>>) target(%dma_start3A_290 : memref<128x64xbf16, #tpu.memory_space<hbm>>) target_semaphore(%arg21 : memref<!tpu.dma_semaphore, #tpu.memory_space<semaphore_mem>>)
    %add3A_295 = arith.constant 256 : i32
    %add3A_296 = arith.addi %mul3A_9, %add3A_295 : i32
    %dma_wait3A_297 = arith.constant 2 : i32
    %dma_wait3A_298 = arith.constant 0 : i32
    %dma_wait3A_299 = arith.constant 0 : i32
    %dma_wait3A_300 = tpu.memref_slice %arg13[%dma_wait3A_297, %dma_wait3A_298, %dma_wait3A_299] : memref<3x128x64xbf16, #tpu.memory_space<vmem>> -> memref<1x128x64xbf16, #tpu.memory_space<vmem>>
    %dma_wait3A_301 = tpu.memref_squeeze %dma_wait3A_300 : memref<1x128x64xbf16, #tpu.memory_space<vmem>> -> memref<128x64xbf16, #tpu.memory_space<vmem>>
    %dma_wait3A_302 = arith.constant 0 : i32
    %dma_wait3A_303 = arith.constant 0 : i32
    %dma_wait3A_304 = tpu.memref_slice %arg9[%arg0, %dma_wait3A_302, %dma_wait3A_303] : memref<2x10240x64xbf16, #tpu.memory_space<hbm>> -> memref<1x10240x64xbf16, #tpu.memory_space<hbm>>
    %dma_wait3A_305 = tpu.memref_squeeze %dma_wait3A_304 : memref<1x10240x64xbf16, #tpu.memory_space<hbm>> -> memref<10240x64xbf16, #tpu.memory_space<hbm>>
    %dma_wait3A_306 = arith.constant 0 : i32
    %dma_wait3A_307 = tpu.memref_slice %dma_wait3A_305[%add3A_296, %dma_wait3A_306] : memref<10240x64xbf16, #tpu.memory_space<hbm>> -> memref<128x64xbf16, #tpu.memory_space<hbm>>
    %dma_wait3A_308 = arith.constant 0 : i32
    %dma_wait3A_309 = arith.constant 0 : i32
    %dma_wait3A_310 = tpu.memref_slice %arg9[%arg0, %dma_wait3A_308, %dma_wait3A_309] : memref<2x10240x64xbf16, #tpu.memory_space<hbm>> -> memref<1x10240x64xbf16, #tpu.memory_space<hbm>>
    %dma_wait3A_311 = tpu.memref_squeeze %dma_wait3A_310 : memref<1x10240x64xbf16, #tpu.memory_space<hbm>> -> memref<10240x64xbf16, #tpu.memory_space<hbm>>
    %dma_wait3A_312 = arith.constant 0 : i32
    %dma_wait3A_313 = tpu.memref_slice %dma_wait3A_311[%add3A_296, %dma_wait3A_312] : memref<10240x64xbf16, #tpu.memory_space<hbm>> -> memref<128x64xbf16, #tpu.memory_space<hbm>>
    %dma_wait3A_314 = arith.constant 0 : i32
    %dma_wait3A_315 = arith.constant 0 : i32
    %dma_wait3A_316 = tpu.memref_slice %arg13[%dma_wait3A_297, %dma_wait3A_314, %dma_wait3A_315] : memref<3x128x64xbf16, #tpu.memory_space<vmem>> -> memref<1x128x64xbf16, #tpu.memory_space<vmem>>
    %dma_wait3A_317 = tpu.memref_squeeze %dma_wait3A_316 : memref<1x128x64xbf16, #tpu.memory_space<vmem>> -> memref<128x64xbf16, #tpu.memory_space<vmem>>
    tpu.wait_dma2 semaphore(%arg21 : memref<!tpu.dma_semaphore, #tpu.memory_space<semaphore_mem>>) src(%dma_wait3A_317 : memref<128x64xbf16, #tpu.memory_space<vmem>>) dst(%dma_wait3A_313 : memref<128x64xbf16, #tpu.memory_space<hbm>>)
    %add3A_318 = arith.constant 384 : i32
    %add3A_319 = arith.addi %mul3A_9, %add3A_318 : i32
    %dma_wait3A_320 = arith.constant 0 : i32
    %dma_wait3A_321 = arith.constant 0 : i32
    %dma_wait3A_322 = arith.constant 0 : i32
    %dma_wait3A_323 = tpu.memref_slice %arg13[%dma_wait3A_320, %dma_wait3A_321, %dma_wait3A_322] : memref<3x128x64xbf16, #tpu.memory_space<vmem>> -> memref<1x128x64xbf16, #tpu.memory_space<vmem>>
    %dma_wait3A_324 = tpu.memref_squeeze %dma_wait3A_323 : memref<1x128x64xbf16, #tpu.memory_space<vmem>> -> memref<128x64xbf16, #tpu.memory_space<vmem>>
    %dma_wait3A_325 = arith.constant 0 : i32
    %dma_wait3A_326 = arith.constant 0 : i32
    %dma_wait3A_327 = tpu.memref_slice %arg9[%arg0, %dma_wait3A_325, %dma_wait3A_326] : memref<2x10240x64xbf16, #tpu.memory_space<hbm>> -> memref<1x10240x64xbf16, #tpu.memory_space<hbm>>
    %dma_wait3A_328 = tpu.memref_squeeze %dma_wait3A_327 : memref<1x10240x64xbf16, #tpu.memory_space<hbm>> -> memref<10240x64xbf16, #tpu.memory_space<hbm>>
    %dma_wait3A_329 = arith.constant 0 : i32
    %dma_wait3A_330 = tpu.memref_slice %dma_wait3A_328[%add3A_319, %dma_wait3A_329] : memref<10240x64xbf16, #tpu.memory_space<hbm>> -> memref<128x64xbf16, #tpu.memory_space<hbm>>
    %dma_wait3A_331 = arith.constant 0 : i32
    %dma_wait3A_332 = arith.constant 0 : i32
    %dma_wait3A_333 = tpu.memref_slice %arg9[%arg0, %dma_wait3A_331, %dma_wait3A_332] : memref<2x10240x64xbf16, #tpu.memory_space<hbm>> -> memref<1x10240x64xbf16, #tpu.memory_space<hbm>>
    %dma_wait3A_334 = tpu.memref_squeeze %dma_wait3A_333 : memref<1x10240x64xbf16, #tpu.memory_space<hbm>> -> memref<10240x64xbf16, #tpu.memory_space<hbm>>
    %dma_wait3A_335 = arith.constant 0 : i32
    %dma_wait3A_336 = tpu.memref_slice %dma_wait3A_334[%add3A_319, %dma_wait3A_335] : memref<10240x64xbf16, #tpu.memory_space<hbm>> -> memref<128x64xbf16, #tpu.memory_space<hbm>>
    %dma_wait3A_337 = arith.constant 0 : i32
    %dma_wait3A_338 = arith.constant 0 : i32
    %dma_wait3A_339 = tpu.memref_slice %arg13[%dma_wait3A_320, %dma_wait3A_337, %dma_wait3A_338] : memref<3x128x64xbf16, #tpu.memory_space<vmem>> -> memref<1x128x64xbf16, #tpu.memory_space<vmem>>
    %dma_wait3A_340 = tpu.memref_squeeze %dma_wait3A_339 : memref<1x128x64xbf16, #tpu.memory_space<vmem>> -> memref<128x64xbf16, #tpu.memory_space<vmem>>
    tpu.wait_dma2 semaphore(%arg21 : memref<!tpu.dma_semaphore, #tpu.memory_space<semaphore_mem>>) src(%dma_wait3A_340 : memref<128x64xbf16, #tpu.memory_space<vmem>>) dst(%dma_wait3A_336 : memref<128x64xbf16, #tpu.memory_space<hbm>>)
    %add3A_341 = arith.constant 512 : i32
    %add3A_342 = arith.addi %mul3A_9, %add3A_341 : i32
    %dma_wait3A_343 = arith.constant 1 : i32
    %dma_wait3A_344 = arith.constant 0 : i32
    %dma_wait3A_345 = arith.constant 0 : i32
    %dma_wait3A_346 = tpu.memref_slice %arg13[%dma_wait3A_343, %dma_wait3A_344, %dma_wait3A_345] : memref<3x128x64xbf16, #tpu.memory_space<vmem>> -> memref<1x128x64xbf16, #tpu.memory_space<vmem>>
    %dma_wait3A_347 = tpu.memref_squeeze %dma_wait3A_346 : memref<1x128x64xbf16, #tpu.memory_space<vmem>> -> memref<128x64xbf16, #tpu.memory_space<vmem>>
    %dma_wait3A_348 = arith.constant 0 : i32
    %dma_wait3A_349 = arith.constant 0 : i32
    %dma_wait3A_350 = tpu.memref_slice %arg9[%arg0, %dma_wait3A_348, %dma_wait3A_349] : memref<2x10240x64xbf16, #tpu.memory_space<hbm>> -> memref<1x10240x64xbf16, #tpu.memory_space<hbm>>
    %dma_wait3A_351 = tpu.memref_squeeze %dma_wait3A_350 : memref<1x10240x64xbf16, #tpu.memory_space<hbm>> -> memref<10240x64xbf16, #tpu.memory_space<hbm>>
    %dma_wait3A_352 = arith.constant 0 : i32
    %dma_wait3A_353 = tpu.memref_slice %dma_wait3A_351[%add3A_342, %dma_wait3A_352] : memref<10240x64xbf16, #tpu.memory_space<hbm>> -> memref<128x64xbf16, #tpu.memory_space<hbm>>
    %dma_wait3A_354 = arith.constant 0 : i32
    %dma_wait3A_355 = arith.constant 0 : i32
    %dma_wait3A_356 = tpu.memref_slice %arg9[%arg0, %dma_wait3A_354, %dma_wait3A_355] : memref<2x10240x64xbf16, #tpu.memory_space<hbm>> -> memref<1x10240x64xbf16, #tpu.memory_space<hbm>>
    %dma_wait3A_357 = tpu.memref_squeeze %dma_wait3A_356 : memref<1x10240x64xbf16, #tpu.memory_space<hbm>> -> memref<10240x64xbf16, #tpu.memory_space<hbm>>
    %dma_wait3A_358 = arith.constant 0 : i32
    %dma_wait3A_359 = tpu.memref_slice %dma_wait3A_357[%add3A_342, %dma_wait3A_358] : memref<10240x64xbf16, #tpu.memory_space<hbm>> -> memref<128x64xbf16, #tpu.memory_space<hbm>>
    %dma_wait3A_360 = arith.constant 0 : i32
    %dma_wait3A_361 = arith.constant 0 : i32
    %dma_wait3A_362 = tpu.memref_slice %arg13[%dma_wait3A_343, %dma_wait3A_360, %dma_wait3A_361] : memref<3x128x64xbf16, #tpu.memory_space<vmem>> -> memref<1x128x64xbf16, #tpu.memory_space<vmem>>
    %dma_wait3A_363 = tpu.memref_squeeze %dma_wait3A_362 : memref<1x128x64xbf16, #tpu.memory_space<vmem>> -> memref<128x64xbf16, #tpu.memory_space<vmem>>
    tpu.wait_dma2 semaphore(%arg21 : memref<!tpu.dma_semaphore, #tpu.memory_space<semaphore_mem>>) src(%dma_wait3A_363 : memref<128x64xbf16, #tpu.memory_space<vmem>>) dst(%dma_wait3A_359 : memref<128x64xbf16, #tpu.memory_space<hbm>>)
    %convert_element_type3A_364 = arith.extui %eq3A_8 : i1 to i32
    %cond3A_365 = arith.constant 0 : i32
    %cond3A_366 = arith.cmpi ne, %convert_element_type3A_364, %cond3A_365 : i32
    scf.if %cond3A_366 {
      "tpu.region"() ({
        %run_scoped3A_367 = tpu.sem_alloc : memref<!tpu.dma_semaphore, #tpu.memory_space<semaphore_mem>>
        %dma_start3A_368 = arith.constant 0 : i32
        %dma_start3A_369 = tpu.memref_slice %arg19[%mul3A_9, %dma_start3A_368] : memref<10240x8xf32, #tpu.memory_space<vmem_shared>> -> memref<640x8xf32, #tpu.memory_space<vmem_shared>>
        %dma_start3A_370 = arith.constant 0 : i32
        %dma_start3A_371 = tpu.memref_slice %arg19[%mul3A_9, %dma_start3A_370] : memref<10240x8xf32, #tpu.memory_space<vmem_shared>> -> memref<640x8xf32, #tpu.memory_space<vmem_shared>>
        tpu.enqueue_dma source(%dma_start3A_371 : memref<640x8xf32, #tpu.memory_space<vmem_shared>>) target(%arg16 : memref<640x8xf32, #tpu.memory_space<vmem>>) target_semaphore(%run_scoped3A_367 : memref<!tpu.dma_semaphore, #tpu.memory_space<semaphore_mem>>)
        %dma_wait3A_372 = arith.constant 0 : i32
        %dma_wait3A_373 = tpu.memref_slice %arg19[%mul3A_9, %dma_wait3A_372] : memref<10240x8xf32, #tpu.memory_space<vmem_shared>> -> memref<640x8xf32, #tpu.memory_space<vmem_shared>>
        %dma_wait3A_374 = arith.constant 0 : i32
        %dma_wait3A_375 = tpu.memref_slice %arg19[%mul3A_9, %dma_wait3A_374] : memref<10240x8xf32, #tpu.memory_space<vmem_shared>> -> memref<640x8xf32, #tpu.memory_space<vmem_shared>>
        tpu.wait_dma2 semaphore(%run_scoped3A_367 : memref<!tpu.dma_semaphore, #tpu.memory_space<semaphore_mem>>) src(%dma_wait3A_375 : memref<640x8xf32, #tpu.memory_space<vmem_shared>>) dst(%arg16 : memref<640x8xf32, #tpu.memory_space<vmem>>)
        tpu.yield
      }) : () -> ()
      "tpu.region"() ({
        %run_scoped3A_367 = tpu.sem_alloc : memref<!tpu.dma_semaphore, #tpu.memory_space<semaphore_mem>>
        %dma_start3A_368 = arith.constant 0 : i32
        %dma_start3A_369 = arith.constant 0 : i32
        %dma_start3A_370 = tpu.memref_slice %arg10[%arg0, %dma_start3A_368, %dma_start3A_369] : memref<2x10240x8xf32, #tpu.memory_space<hbm>> -> memref<1x10240x8xf32, #tpu.memory_space<hbm>>
        %dma_start3A_371 = tpu.memref_squeeze %dma_start3A_370 : memref<1x10240x8xf32, #tpu.memory_space<hbm>> -> memref<10240x8xf32, #tpu.memory_space<hbm>>
        %dma_start3A_372 = arith.constant 0 : i32
        %dma_start3A_373 = tpu.memref_slice %dma_start3A_371[%mul3A_9, %dma_start3A_372] : memref<10240x8xf32, #tpu.memory_space<hbm>> -> memref<640x8xf32, #tpu.memory_space<hbm>>
        %dma_start3A_374 = arith.constant 0 : i32
        %dma_start3A_375 = arith.constant 0 : i32
        %dma_start3A_376 = tpu.memref_slice %arg10[%arg0, %dma_start3A_374, %dma_start3A_375] : memref<2x10240x8xf32, #tpu.memory_space<hbm>> -> memref<1x10240x8xf32, #tpu.memory_space<hbm>>
        %dma_start3A_377 = tpu.memref_squeeze %dma_start3A_376 : memref<1x10240x8xf32, #tpu.memory_space<hbm>> -> memref<10240x8xf32, #tpu.memory_space<hbm>>
        %dma_start3A_378 = arith.constant 0 : i32
        %dma_start3A_379 = tpu.memref_slice %dma_start3A_377[%mul3A_9, %dma_start3A_378] : memref<10240x8xf32, #tpu.memory_space<hbm>> -> memref<640x8xf32, #tpu.memory_space<hbm>>
        tpu.enqueue_dma source(%arg16 : memref<640x8xf32, #tpu.memory_space<vmem>>) target(%dma_start3A_379 : memref<640x8xf32, #tpu.memory_space<hbm>>) target_semaphore(%run_scoped3A_367 : memref<!tpu.dma_semaphore, #tpu.memory_space<semaphore_mem>>)
        %dma_wait3A_380 = arith.constant 0 : i32
        %dma_wait3A_381 = arith.constant 0 : i32
        %dma_wait3A_382 = tpu.memref_slice %arg10[%arg0, %dma_wait3A_380, %dma_wait3A_381] : memref<2x10240x8xf32, #tpu.memory_space<hbm>> -> memref<1x10240x8xf32, #tpu.memory_space<hbm>>
        %dma_wait3A_383 = tpu.memref_squeeze %dma_wait3A_382 : memref<1x10240x8xf32, #tpu.memory_space<hbm>> -> memref<10240x8xf32, #tpu.memory_space<hbm>>
        %dma_wait3A_384 = arith.constant 0 : i32
        %dma_wait3A_385 = tpu.memref_slice %dma_wait3A_383[%mul3A_9, %dma_wait3A_384] : memref<10240x8xf32, #tpu.memory_space<hbm>> -> memref<640x8xf32, #tpu.memory_space<hbm>>
        %dma_wait3A_386 = arith.constant 0 : i32
        %dma_wait3A_387 = arith.constant 0 : i32
        %dma_wait3A_388 = tpu.memref_slice %arg10[%arg0, %dma_wait3A_386, %dma_wait3A_387] : memref<2x10240x8xf32, #tpu.memory_space<hbm>> -> memref<1x10240x8xf32, #tpu.memory_space<hbm>>
        %dma_wait3A_389 = tpu.memref_squeeze %dma_wait3A_388 : memref<1x10240x8xf32, #tpu.memory_space<hbm>> -> memref<10240x8xf32, #tpu.memory_space<hbm>>
        %dma_wait3A_390 = arith.constant 0 : i32
        %dma_wait3A_391 = tpu.memref_slice %dma_wait3A_389[%mul3A_9, %dma_wait3A_390] : memref<10240x8xf32, #tpu.memory_space<hbm>> -> memref<640x8xf32, #tpu.memory_space<hbm>>
        tpu.wait_dma2 semaphore(%run_scoped3A_367 : memref<!tpu.dma_semaphore, #tpu.memory_space<semaphore_mem>>) src(%arg16 : memref<640x8xf32, #tpu.memory_space<vmem>>) dst(%dma_wait3A_391 : memref<640x8xf32, #tpu.memory_space<hbm>>)
        tpu.yield
      }) : () -> ()
    } else {
    }
    return
  }
}

#map = affine_map<(d0, d1) -> (0, 0)>
#map1 = affine_map<(d0, d1) -> (0, 0, 0)>
#map2 = affine_map<(d0, d1) -> (0)>
module attributes {stable_mosaic.version = 14 : i64} {
  func.func @_seg_body(%arg0: i32, %arg1: i32, %arg2: memref<2592x128xi32, #tpu.memory_space<hbm>>, %arg3: memref<2592x128xi32, #tpu.memory_space<hbm>>, %arg4: memref<2x10240x64xbf16, #tpu.memory_space<hbm>>, %arg5: memref<128x8xf32, #tpu.memory_space<hbm>>, %arg6: memref<128x64xbf16, #tpu.memory_space<hbm>>, %arg7: memref<640x8xf32, #tpu.memory_space<hbm>>, %arg8: memref<16xi32, #tpu.memory_space<hbm>>, %arg9: memref<2x10240x64xbf16, #tpu.memory_space<hbm>>, %arg10: memref<2x10240x8xf32, #tpu.memory_space<hbm>>, %arg11: memref<162x128xi32, #tpu.memory_space<vmem>>, %arg12: memref<162x128xi32, #tpu.memory_space<vmem>>, %arg13: memref<3x128x64xbf16, #tpu.memory_space<vmem>>, %arg14: memref<128x8xf32, #tpu.memory_space<vmem>>, %arg15: memref<128x64xbf16, #tpu.memory_space<vmem>>, %arg16: memref<640x8xf32, #tpu.memory_space<vmem>>, %arg17: memref<16xi32, #tpu.memory_space<vmem>>, %arg18: memref<10240x64xbf16, #tpu.memory_space<vmem_shared>>, %arg19: memref<10240x8xf32, #tpu.memory_space<vmem_shared>>, %arg20: memref<!tpu.dma_semaphore, #tpu.memory_space<semaphore_mem>>, %arg21: memref<!tpu.dma_semaphore, #tpu.memory_space<semaphore_mem>>) attributes {dimension_semantics = [#tpu.dimension_semantics<core_parallel>, #tpu.dimension_semantics<subcore_parallel>], iteration_bounds = array<i64: 2, 16>, scalar_prefetch = 0 : i64, scratch_operands = 11 : i64, tpu.core_type = #tpu.core_type<sc_vector_subcore>, window_params = [{transform_indices = #map}, {transform_indices = #map}, {transform_indices = #map1}, {transform_indices = #map}, {transform_indices = #map}, {transform_indices = #map}, {transform_indices = #map2}, {transform_indices = #map1}, {transform_indices = #map1}]} {
    "tpu.region"() ({
      %run_scoped3A_367 = tpu.sem_alloc : memref<!tpu.dma_semaphore, #tpu.memory_space<semaphore_mem>>
      tpu.enqueue_dma source(%arg8 : memref<16xi32, #tpu.memory_space<hbm>>) target(%arg17 : memref<16xi32, #tpu.memory_space<vmem>>) target_semaphore(%run_scoped3A_367 : memref<!tpu.dma_semaphore, #tpu.memory_space<semaphore_mem>>)
      tpu.wait_dma2 semaphore(%run_scoped3A_367 : memref<!tpu.dma_semaphore, #tpu.memory_space<semaphore_mem>>) src(%arg8 : memref<16xi32, #tpu.memory_space<hbm>>) dst(%arg17 : memref<16xi32, #tpu.memory_space<vmem>>)
      tpu.yield
    }) : () -> ()
    %get3A = arith.constant 0 : index
    %get3A_0 = tpu.vector_load %arg17[%get3A] {strides = array<i32>} : memref<16xi32, #tpu.memory_space<vmem>>, vector<16xi32>,
    %reduce_max3A = arith.constant true
    %reduce_max3A_1 = vector.broadcast %reduce_max3A : i1 to vector<16xi1>
    %reduce_max3A_2 = arith.constant -2147483648 : i32
    %reduce_max3A_3 = vector.broadcast %reduce_max3A_2 : i32 to vector<16xi32>
    %reduce_max3A_4 = arith.xori %get3A_0, %reduce_max3A_3 : vector<16xi32>
    %reduce_max3A_5 = tpu.scan <max>, %reduce_max3A_4 masked %reduce_max3A_1 : vector<16xi32>, vector<16xi1> -> vector<16xi32>
    %reduce_max3A_6 = arith.xori %reduce_max3A_5, %reduce_max3A_3 : vector<16xi32>
    %reduce_max3A_7 = vector.extract %reduce_max3A_6[15] : i32 from vector<16xi32>
    %eq3A = arith.constant 1 : i32
    %eq3A_8 = arith.cmpi eq, %reduce_max3A_7, %eq3A : i32
    "tpu.region"() ({
      %run_scoped3A_367 = tpu.sem_alloc : memref<!tpu.dma_semaphore, #tpu.memory_space<semaphore_mem>>
      tpu.enqueue_dma source(%arg6 : memref<128x64xbf16, #tpu.memory_space<hbm>>) target(%arg15 : memref<128x64xbf16, #tpu.memory_space<vmem>>) target_semaphore(%run_scoped3A_367 : memref<!tpu.dma_semaphore, #tpu.memory_space<semaphore_mem>>)
      tpu.wait_dma2 semaphore(%run_scoped3A_367 : memref<!tpu.dma_semaphore, #tpu.memory_space<semaphore_mem>>) src(%arg6 : memref<128x64xbf16, #tpu.memory_space<hbm>>) dst(%arg15 : memref<128x64xbf16, #tpu.memory_space<vmem>>)
      tpu.yield
    }) : () -> ()
    %mul3A = arith.constant 640 : i32
    %mul3A_9 = arith.muli %arg1, %mul3A : i32
    %add3A = arith.constant 0 : i32
    %add3A_10 = arith.addi %mul3A_9, %add3A : i32
    %dma_start3A = arith.constant 0 : i32
    %dma_start3A_11 = tpu.memref_slice %arg18[%add3A_10, %dma_start3A] : memref<10240x64xbf16, #tpu.memory_space<vmem_shared>> -> memref<128x64xbf16, #tpu.memory_space<vmem_shared>>
    %dma_start3A_12 = arith.constant 0 : i32
    %dma_start3A_13 = tpu.memref_slice %arg18[%add3A_10, %dma_start3A_12] : memref<10240x64xbf16, #tpu.memory_space<vmem_shared>> -> memref<128x64xbf16, #tpu.memory_space<vmem_shared>>
    tpu.enqueue_dma source(%arg15 : memref<128x64xbf16, #tpu.memory_space<vmem>>) target(%dma_start3A_13 : memref<128x64xbf16, #tpu.memory_space<vmem_shared>>) target_semaphore(%arg21 : memref<!tpu.dma_semaphore, #tpu.memory_space<semaphore_mem>>)
    %add3A_14 = arith.constant 128 : i32
    %add3A_15 = arith.addi %mul3A_9, %add3A_14 : i32
    %dma_start3A_16 = arith.constant 0 : i32
    %dma_start3A_17 = tpu.memref_slice %arg18[%add3A_15, %dma_start3A_16] : memref<10240x64xbf16, #tpu.memory_space<vmem_shared>> -> memref<128x64xbf16, #tpu.memory_space<vmem_shared>>
    %dma_start3A_18 = arith.constant 0 : i32
    %dma_start3A_19 = tpu.memref_slice %arg18[%add3A_15, %dma_start3A_18] : memref<10240x64xbf16, #tpu.memory_space<vmem_shared>> -> memref<128x64xbf16, #tpu.memory_space<vmem_shared>>
    tpu.enqueue_dma source(%arg15 : memref<128x64xbf16, #tpu.memory_space<vmem>>) target(%dma_start3A_19 : memref<128x64xbf16, #tpu.memory_space<vmem_shared>>) target_semaphore(%arg21 : memref<!tpu.dma_semaphore, #tpu.memory_space<semaphore_mem>>)
    %add3A_20 = arith.constant 256 : i32
    %add3A_21 = arith.addi %mul3A_9, %add3A_20 : i32
    %dma_start3A_22 = arith.constant 0 : i32
    %dma_start3A_23 = tpu.memref_slice %arg18[%add3A_21, %dma_start3A_22] : memref<10240x64xbf16, #tpu.memory_space<vmem_shared>> -> memref<128x64xbf16, #tpu.memory_space<vmem_shared>>
    %dma_start3A_24 = arith.constant 0 : i32
    %dma_start3A_25 = tpu.memref_slice %arg18[%add3A_21, %dma_start3A_24] : memref<10240x64xbf16, #tpu.memory_space<vmem_shared>> -> memref<128x64xbf16, #tpu.memory_space<vmem_shared>>
    tpu.enqueue_dma source(%arg15 : memref<128x64xbf16, #tpu.memory_space<vmem>>) target(%dma_start3A_25 : memref<128x64xbf16, #tpu.memory_space<vmem_shared>>) target_semaphore(%arg21 : memref<!tpu.dma_semaphore, #tpu.memory_space<semaphore_mem>>)
    %add3A_26 = arith.constant 384 : i32
    %add3A_27 = arith.addi %mul3A_9, %add3A_26 : i32
    %dma_start3A_28 = arith.constant 0 : i32
    %dma_start3A_29 = tpu.memref_slice %arg18[%add3A_27, %dma_start3A_28] : memref<10240x64xbf16, #tpu.memory_space<vmem_shared>> -> memref<128x64xbf16, #tpu.memory_space<vmem_shared>>
    %dma_start3A_30 = arith.constant 0 : i32
    %dma_start3A_31 = tpu.memref_slice %arg18[%add3A_27, %dma_start3A_30] : memref<10240x64xbf16, #tpu.memory_space<vmem_shared>> -> memref<128x64xbf16, #tpu.memory_space<vmem_shared>>
    tpu.enqueue_dma source(%arg15 : memref<128x64xbf16, #tpu.memory_space<vmem>>) target(%dma_start3A_31 : memref<128x64xbf16, #tpu.memory_space<vmem_shared>>) target_semaphore(%arg21 : memref<!tpu.dma_semaphore, #tpu.memory_space<semaphore_mem>>)
    %add3A_32 = arith.constant 512 : i32
    %add3A_33 = arith.addi %mul3A_9, %add3A_32 : i32
    %dma_start3A_34 = arith.constant 0 : i32
    %dma_start3A_35 = tpu.memref_slice %arg18[%add3A_33, %dma_start3A_34] : memref<10240x64xbf16, #tpu.memory_space<vmem_shared>> -> memref<128x64xbf16, #tpu.memory_space<vmem_shared>>
    %dma_start3A_36 = arith.constant 0 : i32
    %dma_start3A_37 = tpu.memref_slice %arg18[%add3A_33, %dma_start3A_36] : memref<10240x64xbf16, #tpu.memory_space<vmem_shared>> -> memref<128x64xbf16, #tpu.memory_space<vmem_shared>>
    tpu.enqueue_dma source(%arg15 : memref<128x64xbf16, #tpu.memory_space<vmem>>) target(%dma_start3A_37 : memref<128x64xbf16, #tpu.memory_space<vmem_shared>>) target_semaphore(%arg21 : memref<!tpu.dma_semaphore, #tpu.memory_space<semaphore_mem>>)
    %convert_element_type3A = arith.extui %eq3A_8 : i1 to i32
    %cond3A = arith.constant 0 : i32
    %cond3A_38 = arith.cmpi ne, %convert_element_type3A, %cond3A : i32
    scf.if %cond3A_38 {
      "tpu.region"() ({
        %run_scoped3A_367 = tpu.sem_alloc : memref<!tpu.dma_semaphore, #tpu.memory_space<semaphore_mem>>
        tpu.enqueue_dma source(%arg5 : memref<128x8xf32, #tpu.memory_space<hbm>>) target(%arg14 : memref<128x8xf32, #tpu.memory_space<vmem>>) target_semaphore(%run_scoped3A_367 : memref<!tpu.dma_semaphore, #tpu.memory_space<semaphore_mem>>)
        tpu.wait_dma2 semaphore(%run_scoped3A_367 : memref<!tpu.dma_semaphore, #tpu.memory_space<semaphore_mem>>) src(%arg5 : memref<128x8xf32, #tpu.memory_space<hbm>>) dst(%arg14 : memref<128x8xf32, #tpu.memory_space<vmem>>)
        tpu.yield
      }) : () -> ()
      "tpu.region"() ({
        %run_scoped3A_367 = tpu.sem_alloc : memref<!tpu.dma_semaphore, #tpu.memory_space<semaphore_mem>>
        tpu.enqueue_dma source(%arg7 : memref<640x8xf32, #tpu.memory_space<hbm>>) target(%arg16 : memref<640x8xf32, #tpu.memory_space<vmem>>) target_semaphore(%run_scoped3A_367 : memref<!tpu.dma_semaphore, #tpu.memory_space<semaphore_mem>>)
        tpu.wait_dma2 semaphore(%run_scoped3A_367 : memref<!tpu.dma_semaphore, #tpu.memory_space<semaphore_mem>>) src(%arg7 : memref<640x8xf32, #tpu.memory_space<hbm>>) dst(%arg16 : memref<640x8xf32, #tpu.memory_space<vmem>>)
        tpu.yield
      }) : () -> ()
      "tpu.region"() ({
        %run_scoped3A_367 = tpu.sem_alloc : memref<!tpu.dma_semaphore, #tpu.memory_space<semaphore_mem>>
        %dma_start3A_368 = arith.constant 0 : i32
        %dma_start3A_369 = tpu.memref_slice %arg19[%mul3A_9, %dma_start3A_368] : memref<10240x8xf32, #tpu.memory_space<vmem_shared>> -> memref<640x8xf32, #tpu.memory_space<vmem_shared>>
        %dma_start3A_370 = arith.constant 0 : i32
        %dma_start3A_371 = tpu.memref_slice %arg19[%mul3A_9, %dma_start3A_370] : memref<10240x8xf32, #tpu.memory_space<vmem_shared>> -> memref<640x8xf32, #tpu.memory_space<vmem_shared>>
        tpu.enqueue_dma source(%arg16 : memref<640x8xf32, #tpu.memory_space<vmem>>) target(%dma_start3A_371 : memref<640x8xf32, #tpu.memory_space<vmem_shared>>) target_semaphore(%run_scoped3A_367 : memref<!tpu.dma_semaphore, #tpu.memory_space<semaphore_mem>>)
        %dma_wait3A_372 = arith.constant 0 : i32
        %dma_wait3A_373 = tpu.memref_slice %arg19[%mul3A_9, %dma_wait3A_372] : memref<10240x8xf32, #tpu.memory_space<vmem_shared>> -> memref<640x8xf32, #tpu.memory_space<vmem_shared>>
        %dma_wait3A_374 = arith.constant 0 : i32
        %dma_wait3A_375 = tpu.memref_slice %arg19[%mul3A_9, %dma_wait3A_374] : memref<10240x8xf32, #tpu.memory_space<vmem_shared>> -> memref<640x8xf32, #tpu.memory_space<vmem_shared>>
        tpu.wait_dma2 semaphore(%run_scoped3A_367 : memref<!tpu.dma_semaphore, #tpu.memory_space<semaphore_mem>>) src(%arg16 : memref<640x8xf32, #tpu.memory_space<vmem>>) dst(%dma_wait3A_375 : memref<640x8xf32, #tpu.memory_space<vmem_shared>>)
        tpu.yield
      }) : () -> ()
    } else {
    }
    %mul3A_39 = arith.constant 162 : i32
    %mul3A_40 = arith.muli %arg1, %mul3A_39 : i32
    %dma_start3A_41 = arith.constant 0 : i32
    %dma_start3A_42 = tpu.memref_slice %arg2[%mul3A_40, %dma_start3A_41] : memref<2592x128xi32, #tpu.memory_space<hbm>> -> memref<162x128xi32, #tpu.memory_space<hbm>>
    %dma_start3A_43 = arith.constant 0 : i32
    %dma_start3A_44 = tpu.memref_slice %arg2[%mul3A_40, %dma_start3A_43] : memref<2592x128xi32, #tpu.memory_space<hbm>> -> memref<162x128xi32, #tpu.memory_space<hbm>>
    tpu.enqueue_dma source(%dma_start3A_44 : memref<162x128xi32, #tpu.memory_space<hbm>>) target(%arg11 : memref<162x128xi32, #tpu.memory_space<vmem>>) target_semaphore(%arg20 : memref<!tpu.dma_semaphore, #tpu.memory_space<semaphore_mem>>)
    %mul3A_45 = arith.constant 162 : i32
    %mul3A_46 = arith.muli %arg1, %mul3A_45 : i32
    %dma_start3A_47 = arith.constant 0 : i32
    %dma_start3A_48 = tpu.memref_slice %arg3[%mul3A_46, %dma_start3A_47] : memref<2592x128xi32, #tpu.memory_space<hbm>> -> memref<162x128xi32, #tpu.memory_space<hbm>>
    %dma_start3A_49 = arith.constant 0 : i32
    %dma_start3A_50 = tpu.memref_slice %arg3[%mul3A_46, %dma_start3A_49] : memref<2592x128xi32, #tpu.memory_space<hbm>> -> memref<162x128xi32, #tpu.memory_space<hbm>>
    tpu.enqueue_dma source(%dma_start3A_50 : memref<162x128xi32, #tpu.memory_space<hbm>>) target(%arg12 : memref<162x128xi32, #tpu.memory_space<vmem>>) target_semaphore(%arg20 : memref<!tpu.dma_semaphore, #tpu.memory_space<semaphore_mem>>)
    %add3A_51 = arith.constant 0 : i32
    %add3A_52 = arith.addi %mul3A_9, %add3A_51 : i32
    %dma_wait3A = arith.constant 0 : i32
    %dma_wait3A_53 = tpu.memref_slice %arg18[%add3A_52, %dma_wait3A] : memref<10240x64xbf16, #tpu.memory_space<vmem_shared>> -> memref<128x64xbf16, #tpu.memory_space<vmem_shared>>
    %dma_wait3A_54 = arith.constant 0 : i32
    %dma_wait3A_55 = tpu.memref_slice %arg18[%add3A_52, %dma_wait3A_54] : memref<10240x64xbf16, #tpu.memory_space<vmem_shared>> -> memref<128x64xbf16, #tpu.memory_space<vmem_shared>>
    tpu.wait_dma2 semaphore(%arg21 : memref<!tpu.dma_semaphore, #tpu.memory_space<semaphore_mem>>) src(%arg15 : memref<128x64xbf16, #tpu.memory_space<vmem>>) dst(%dma_wait3A_55 : memref<128x64xbf16, #tpu.memory_space<vmem_shared>>)
    %add3A_56 = arith.constant 128 : i32
    %add3A_57 = arith.addi %mul3A_9, %add3A_56 : i32
    %dma_wait3A_58 = arith.constant 0 : i32
    %dma_wait3A_59 = tpu.memref_slice %arg18[%add3A_57, %dma_wait3A_58] : memref<10240x64xbf16, #tpu.memory_space<vmem_shared>> -> memref<128x64xbf16, #tpu.memory_space<vmem_shared>>
    %dma_wait3A_60 = arith.constant 0 : i32
    %dma_wait3A_61 = tpu.memref_slice %arg18[%add3A_57, %dma_wait3A_60] : memref<10240x64xbf16, #tpu.memory_space<vmem_shared>> -> memref<128x64xbf16, #tpu.memory_space<vmem_shared>>
    tpu.wait_dma2 semaphore(%arg21 : memref<!tpu.dma_semaphore, #tpu.memory_space<semaphore_mem>>) src(%arg15 : memref<128x64xbf16, #tpu.memory_space<vmem>>) dst(%dma_wait3A_61 : memref<128x64xbf16, #tpu.memory_space<vmem_shared>>)
    %add3A_62 = arith.constant 256 : i32
    %add3A_63 = arith.addi %mul3A_9, %add3A_62 : i32
    %dma_wait3A_64 = arith.constant 0 : i32
    %dma_wait3A_65 = tpu.memref_slice %arg18[%add3A_63, %dma_wait3A_64] : memref<10240x64xbf16, #tpu.memory_space<vmem_shared>> -> memref<128x64xbf16, #tpu.memory_space<vmem_shared>>
    %dma_wait3A_66 = arith.constant 0 : i32
    %dma_wait3A_67 = tpu.memref_slice %arg18[%add3A_63, %dma_wait3A_66] : memref<10240x64xbf16, #tpu.memory_space<vmem_shared>> -> memref<128x64xbf16, #tpu.memory_space<vmem_shared>>
    tpu.wait_dma2 semaphore(%arg21 : memref<!tpu.dma_semaphore, #tpu.memory_space<semaphore_mem>>) src(%arg15 : memref<128x64xbf16, #tpu.memory_space<vmem>>) dst(%dma_wait3A_67 : memref<128x64xbf16, #tpu.memory_space<vmem_shared>>)
    %add3A_68 = arith.constant 384 : i32
    %add3A_69 = arith.addi %mul3A_9, %add3A_68 : i32
    %dma_wait3A_70 = arith.constant 0 : i32
    %dma_wait3A_71 = tpu.memref_slice %arg18[%add3A_69, %dma_wait3A_70] : memref<10240x64xbf16, #tpu.memory_space<vmem_shared>> -> memref<128x64xbf16, #tpu.memory_space<vmem_shared>>
    %dma_wait3A_72 = arith.constant 0 : i32
    %dma_wait3A_73 = tpu.memref_slice %arg18[%add3A_69, %dma_wait3A_72] : memref<10240x64xbf16, #tpu.memory_space<vmem_shared>> -> memref<128x64xbf16, #tpu.memory_space<vmem_shared>>
    tpu.wait_dma2 semaphore(%arg21 : memref<!tpu.dma_semaphore, #tpu.memory_space<semaphore_mem>>) src(%arg15 : memref<128x64xbf16, #tpu.memory_space<vmem>>) dst(%dma_wait3A_73 : memref<128x64xbf16, #tpu.memory_space<vmem_shared>>)
    %add3A_74 = arith.constant 512 : i32
    %add3A_75 = arith.addi %mul3A_9, %add3A_74 : i32
    %dma_wait3A_76 = arith.constant 0 : i32
    %dma_wait3A_77 = tpu.memref_slice %arg18[%add3A_75, %dma_wait3A_76] : memref<10240x64xbf16, #tpu.memory_space<vmem_shared>> -> memref<128x64xbf16, #tpu.memory_space<vmem_shared>>
    %dma_wait3A_78 = arith.constant 0 : i32
    %dma_wait3A_79 = tpu.memref_slice %arg18[%add3A_75, %dma_wait3A_78] : memref<10240x64xbf16, #tpu.memory_space<vmem_shared>> -> memref<128x64xbf16, #tpu.memory_space<vmem_shared>>
    tpu.wait_dma2 semaphore(%arg21 : memref<!tpu.dma_semaphore, #tpu.memory_space<semaphore_mem>>) src(%arg15 : memref<128x64xbf16, #tpu.memory_space<vmem>>) dst(%dma_wait3A_79 : memref<128x64xbf16, #tpu.memory_space<vmem_shared>>)
    %mul3A_80 = arith.constant 162 : i32
    %mul3A_81 = arith.muli %arg1, %mul3A_80 : i32
    %dma_wait3A_82 = arith.constant 0 : i32
    %dma_wait3A_83 = tpu.memref_slice %arg2[%mul3A_81, %dma_wait3A_82] : memref<2592x128xi32, #tpu.memory_space<hbm>> -> memref<162x128xi32, #tpu.memory_space<hbm>>
    %dma_wait3A_84 = arith.constant 0 : i32
    %dma_wait3A_85 = tpu.memref_slice %arg2[%mul3A_81, %dma_wait3A_84] : memref<2592x128xi32, #tpu.memory_space<hbm>> -> memref<162x128xi32, #tpu.memory_space<hbm>>
    tpu.wait_dma2 semaphore(%arg20 : memref<!tpu.dma_semaphore, #tpu.memory_space<semaphore_mem>>) src(%dma_wait3A_85 : memref<162x128xi32, #tpu.memory_space<hbm>>) dst(%arg11 : memref<162x128xi32, #tpu.memory_space<vmem>>)
    %mul3A_86 = arith.constant 162 : i32
    %mul3A_87 = arith.muli %arg1, %mul3A_86 : i32
    %dma_wait3A_88 = arith.constant 0 : i32
    %dma_wait3A_89 = tpu.memref_slice %arg3[%mul3A_87, %dma_wait3A_88] : memref<2592x128xi32, #tpu.memory_space<hbm>> -> memref<162x128xi32, #tpu.memory_space<hbm>>
    %dma_wait3A_90 = arith.constant 0 : i32
    %dma_wait3A_91 = tpu.memref_slice %arg3[%mul3A_87, %dma_wait3A_90] : memref<2592x128xi32, #tpu.memory_space<hbm>> -> memref<162x128xi32, #tpu.memory_space<hbm>>
    tpu.wait_dma2 semaphore(%arg20 : memref<!tpu.dma_semaphore, #tpu.memory_space<semaphore_mem>>) src(%dma_wait3A_91 : memref<162x128xi32, #tpu.memory_space<hbm>>) dst(%arg12 : memref<162x128xi32, #tpu.memory_space<vmem>>)
    %barrier3A = arith.constant 0 : index
    tpu.barrier barrier_id(%barrier3A)
    %dma_start3A_92 = arith.constant 0 : i32
    %dma_start3A_93 = arith.constant 0 : i32
    %dma_start3A_94 = arith.constant 0 : i32
    %dma_start3A_95 = arith.constant 0 : i32
    %dma_start3A_96 = tpu.memref_slice %arg13[%dma_start3A_93, %dma_start3A_94, %dma_start3A_95] : memref<3x128x64xbf16, #tpu.memory_space<vmem>> -> memref<1x128x64xbf16, #tpu.memory_space<vmem>>
    %dma_start3A_97 = tpu.memref_squeeze %dma_start3A_96 : memref<1x128x64xbf16, #tpu.memory_space<vmem>> -> memref<128x64xbf16, #tpu.memory_space<vmem>>
    %dma_start3A_98 = arith.constant 0 : i32
    %dma_start3A_99 = tpu.memref_slice %arg11[%dma_start3A_92, %dma_start3A_98] : memref<162x128xi32, #tpu.memory_space<vmem>> -> memref<1x128xi32, #tpu.memory_space<vmem>>
    %dma_start3A_100 = tpu.memref_squeeze %dma_start3A_99 : memref<1x128xi32, #tpu.memory_space<vmem>> -> memref<128xi32, #tpu.memory_space<vmem>>
    %dma_start3A_101 = arith.constant 0 : i32
    %dma_start3A_102 = arith.constant 0 : i32
    %dma_start3A_103 = tpu.memref_slice %arg4[%arg0, %dma_start3A_101, %dma_start3A_102] : memref<2x10240x64xbf16, #tpu.memory_space<hbm>> -> memref<1x10240x64xbf16, #tpu.memory_space<hbm>>
    %dma_start3A_104 = tpu.memref_squeeze %dma_start3A_103 : memref<1x10240x64xbf16, #tpu.memory_space<hbm>> -> memref<10240x64xbf16, #tpu.memory_space<hbm>>
    %dma_start3A_105 = arith.constant 0 : i32
    %dma_start3A_106 = arith.constant 0 : i32
    %dma_start3A_107 = tpu.memref_slice %dma_start3A_104[%dma_start3A_105, %dma_start3A_106] : memref<10240x64xbf16, #tpu.memory_space<hbm>> -> memref<10240x64xbf16, #tpu.memory_space<hbm>>
    tpu.enqueue_indirect_dma source(%dma_start3A_107 : memref<10240x64xbf16, #tpu.memory_space<hbm>>) target(%dma_start3A_97 : memref<128x64xbf16, #tpu.memory_space<vmem>>) offsets(%dma_start3A_100 : memref<128xi32, #tpu.memory_space<vmem>>) semaphore(%arg20 : memref<!tpu.dma_semaphore, #tpu.memory_space<semaphore_mem>>)
    %dma_start3A_108 = arith.constant 1 : i32
    %dma_start3A_109 = arith.constant 1 : i32
    %dma_start3A_110 = arith.constant 0 : i32
    %dma_start3A_111 = arith.constant 0 : i32
    %dma_start3A_112 = tpu.memref_slice %arg13[%dma_start3A_109, %dma_start3A_110, %dma_start3A_111] : memref<3x128x64xbf16, #tpu.memory_space<vmem>> -> memref<1x128x64xbf16, #tpu.memory_space<vmem>>
    %dma_start3A_113 = tpu.memref_squeeze %dma_start3A_112 : memref<1x128x64xbf16, #tpu.memory_space<vmem>> -> memref<128x64xbf16, #tpu.memory_space<vmem>>
    %dma_start3A_114 = arith.constant 0 : i32
    %dma_start3A_115 = tpu.memref_slice %arg11[%dma_start3A_108, %dma_start3A_114] : memref<162x128xi32, #tpu.memory_space<vmem>> -> memref<1x128xi32, #tpu.memory_space<vmem>>
    %dma_start3A_116 = tpu.memref_squeeze %dma_start3A_115 : memref<1x128xi32, #tpu.memory_space<vmem>> -> memref<128xi32, #tpu.memory_space<vmem>>
    %dma_start3A_117 = arith.constant 0 : i32
    %dma_start3A_118 = arith.constant 0 : i32
    %dma_start3A_119 = tpu.memref_slice %arg4[%arg0, %dma_start3A_117, %dma_start3A_118] : memref<2x10240x64xbf16, #tpu.memory_space<hbm>> -> memref<1x10240x64xbf16, #tpu.memory_space<hbm>>
    %dma_start3A_120 = tpu.memref_squeeze %dma_start3A_119 : memref<1x10240x64xbf16, #tpu.memory_space<hbm>> -> memref<10240x64xbf16, #tpu.memory_space<hbm>>
    %dma_start3A_121 = arith.constant 0 : i32
    %dma_start3A_122 = arith.constant 0 : i32
    %dma_start3A_123 = tpu.memref_slice %dma_start3A_120[%dma_start3A_121, %dma_start3A_122] : memref<10240x64xbf16, #tpu.memory_space<hbm>> -> memref<10240x64xbf16, #tpu.memory_space<hbm>>
    tpu.enqueue_indirect_dma source(%dma_start3A_123 : memref<10240x64xbf16, #tpu.memory_space<hbm>>) target(%dma_start3A_113 : memref<128x64xbf16, #tpu.memory_space<vmem>>) offsets(%dma_start3A_116 : memref<128xi32, #tpu.memory_space<vmem>>) semaphore(%arg20 : memref<!tpu.dma_semaphore, #tpu.memory_space<semaphore_mem>>)
    %scan3A = arith.constant 0 : i32
    %scan3A_124 = arith.constant 0 : i32
    %scan3A_125 = arith.constant 54 : i32
    %scan3A_126 = arith.addi %scan3A_124, %scan3A_125 : i32
    %scan3A_127 = arith.constant 1 : i32
    scf.for %scan3A_367 = %scan3A_124 to %scan3A_126 step %scan3A_127  : i32 {
      %mul3A_368 = arith.constant 3 : i32
      %mul3A_369 = arith.muli %scan3A_367, %mul3A_368 : i32
      %add3A_370 = arith.constant 0 : i32
      %add3A_371 = arith.addi %mul3A_369, %add3A_370 : i32
      %dma_wait3A_372 = arith.constant 0 : i32
      %dma_wait3A_373 = arith.constant 0 : i32
      %dma_wait3A_374 = arith.constant 0 : i32
      %dma_wait3A_375 = tpu.memref_slice %arg13[%dma_wait3A_372, %dma_wait3A_373, %dma_wait3A_374] : memref<3x128x64xbf16, #tpu.memory_space<vmem>> -> memref<1x128x64xbf16, #tpu.memory_space<vmem>>
      %dma_wait3A_376 = tpu.memref_squeeze %dma_wait3A_375 : memref<1x128x64xbf16, #tpu.memory_space<vmem>> -> memref<128x64xbf16, #tpu.memory_space<vmem>>
      %dma_wait3A_377 = arith.constant 0 : i32
      %dma_wait3A_378 = tpu.memref_slice %arg11[%add3A_371, %dma_wait3A_377] : memref<162x128xi32, #tpu.memory_space<vmem>> -> memref<1x128xi32, #tpu.memory_space<vmem>>
      %dma_wait3A_379 = tpu.memref_squeeze %dma_wait3A_378 : memref<1x128xi32, #tpu.memory_space<vmem>> -> memref<128xi32, #tpu.memory_space<vmem>>
      %dma_wait3A_380 = arith.constant 0 : i32
      %dma_wait3A_381 = arith.constant 0 : i32
      %dma_wait3A_382 = tpu.memref_slice %arg4[%arg0, %dma_wait3A_380, %dma_wait3A_381] : memref<2x10240x64xbf16, #tpu.memory_space<hbm>> -> memref<1x10240x64xbf16, #tpu.memory_space<hbm>>
      %dma_wait3A_383 = tpu.memref_squeeze %dma_wait3A_382 : memref<1x10240x64xbf16, #tpu.memory_space<hbm>> -> memref<10240x64xbf16, #tpu.memory_space<hbm>>
      %dma_wait3A_384 = arith.constant 0 : i32
      %dma_wait3A_385 = arith.constant 0 : i32
      %dma_wait3A_386 = tpu.memref_slice %dma_wait3A_383[%dma_wait3A_384, %dma_wait3A_385] : memref<10240x64xbf16, #tpu.memory_space<hbm>> -> memref<10240x64xbf16, #tpu.memory_space<hbm>>
      tpu.wait_indirect_dma semaphore(%arg20 : memref<!tpu.dma_semaphore, #tpu.memory_space<semaphore_mem>>) src(%dma_wait3A_386 : memref<10240x64xbf16, #tpu.memory_space<hbm>>) dst(%dma_wait3A_376 : memref<128x64xbf16, #tpu.memory_space<vmem>>)
      %add3A_387 = arith.constant 3 : i32
      %add3A_388 = arith.addi %add3A_371, %add3A_387 : i32
      %sub3A = arith.constant 1 : i32
      %sub3A_389 = arith.subi %add3A_388, %sub3A : i32
      %lt3A = arith.constant 162 : i32
      %lt3A_390 = arith.cmpi slt, %sub3A_389, %lt3A : i32
      %convert_element_type3A_391 = arith.extui %lt3A_390 : i1 to i32
      %cond3A_392 = arith.constant 0 : i32
      %cond3A_393 = arith.cmpi ne, %convert_element_type3A_391, %cond3A_392 : i32
      scf.if %cond3A_393 {
        %add3A_485 = arith.constant 3 : i32
        %add3A_486 = arith.addi %add3A_371, %add3A_485 : i32
        %sub3A_487 = arith.constant 1 : i32
        %sub3A_488 = arith.subi %add3A_486, %sub3A_487 : i32
        %dma_start3A_489 = arith.constant 2 : i32
        %dma_start3A_490 = arith.constant 0 : i32
        %dma_start3A_491 = arith.constant 0 : i32
        %dma_start3A_492 = tpu.memref_slice %arg13[%dma_start3A_489, %dma_start3A_490, %dma_start3A_491] : memref<3x128x64xbf16, #tpu.memory_space<vmem>> -> memref<1x128x64xbf16, #tpu.memory_space<vmem>>
        %dma_start3A_493 = tpu.memref_squeeze %dma_start3A_492 : memref<1x128x64xbf16, #tpu.memory_space<vmem>> -> memref<128x64xbf16, #tpu.memory_space<vmem>>
        %dma_start3A_494 = arith.constant 0 : i32
        %dma_start3A_495 = tpu.memref_slice %arg11[%sub3A_488, %dma_start3A_494] : memref<162x128xi32, #tpu.memory_space<vmem>> -> memref<1x128xi32, #tpu.memory_space<vmem>>
        %dma_start3A_496 = tpu.memref_squeeze %dma_start3A_495 : memref<1x128xi32, #tpu.memory_space<vmem>> -> memref<128xi32, #tpu.memory_space<vmem>>
        %dma_start3A_497 = arith.constant 0 : i32
        %dma_start3A_498 = arith.constant 0 : i32
        %dma_start3A_499 = tpu.memref_slice %arg4[%arg0, %dma_start3A_497, %dma_start3A_498] : memref<2x10240x64xbf16, #tpu.memory_space<hbm>> -> memref<1x10240x64xbf16, #tpu.memory_space<hbm>>
        %dma_start3A_500 = tpu.memref_squeeze %dma_start3A_499 : memref<1x10240x64xbf16, #tpu.memory_space<hbm>> -> memref<10240x64xbf16, #tpu.memory_space<hbm>>
        %dma_start3A_501 = arith.constant 0 : i32
        %dma_start3A_502 = arith.constant 0 : i32
        %dma_start3A_503 = tpu.memref_slice %dma_start3A_500[%dma_start3A_501, %dma_start3A_502] : memref<10240x64xbf16, #tpu.memory_space<hbm>> -> memref<10240x64xbf16, #tpu.memory_space<hbm>>
        tpu.enqueue_indirect_dma source(%dma_start3A_503 : memref<10240x64xbf16, #tpu.memory_space<hbm>>) target(%dma_start3A_493 : memref<128x64xbf16, #tpu.memory_space<vmem>>) offsets(%dma_start3A_496 : memref<128xi32, #tpu.memory_space<vmem>>) semaphore(%arg20 : memref<!tpu.dma_semaphore, #tpu.memory_space<semaphore_mem>>)
      } else {
      }
      %run_scoped3A_394 = arith.constant 0 : i32
      "tpu.region"() ({
        %run_scoped3A_485 = tpu.sem_alloc : memref<!tpu.dma_semaphore, #tpu.memory_space<semaphore_mem>>
        %dma_start3A_486 = arith.constant 0 : i32
        %dma_start3A_487 = arith.constant 0 : i32
        %dma_start3A_488 = tpu.memref_slice %arg13[%run_scoped3A_394, %dma_start3A_486, %dma_start3A_487] : memref<3x128x64xbf16, #tpu.memory_space<vmem>> -> memref<1x128x64xbf16, #tpu.memory_space<vmem>>
        %dma_start3A_489 = tpu.memref_squeeze %dma_start3A_488 : memref<1x128x64xbf16, #tpu.memory_space<vmem>> -> memref<128x64xbf16, #tpu.memory_space<vmem>>
        %dma_start3A_490 = arith.constant 0 : i32
        %dma_start3A_491 = tpu.memref_slice %arg12[%add3A_371, %dma_start3A_490] : memref<162x128xi32, #tpu.memory_space<vmem>> -> memref<1x128xi32, #tpu.memory_space<vmem>>
        %dma_start3A_492 = tpu.memref_squeeze %dma_start3A_491 : memref<1x128xi32, #tpu.memory_space<vmem>> -> memref<128xi32, #tpu.memory_space<vmem>>
        %dma_start3A_493 = arith.constant 0 : i32
        %dma_start3A_494 = arith.constant 0 : i32
        %dma_start3A_495 = tpu.memref_slice %arg18[%dma_start3A_493, %dma_start3A_494] : memref<10240x64xbf16, #tpu.memory_space<vmem_shared>> -> memref<10240x64xbf16, #tpu.memory_space<vmem_shared>>
        tpu.enqueue_indirect_dma source(%dma_start3A_489 : memref<128x64xbf16, #tpu.memory_space<vmem>>) target(%dma_start3A_495 : memref<10240x64xbf16, #tpu.memory_space<vmem_shared>>) offsets(%dma_start3A_492 : memref<128xi32, #tpu.memory_space<vmem>>) semaphore(%run_scoped3A_485 : memref<!tpu.dma_semaphore, #tpu.memory_space<semaphore_mem>>) {add = true}
        %dma_wait3A_496 = arith.constant 0 : i32
        %dma_wait3A_497 = arith.constant 0 : i32
        %dma_wait3A_498 = tpu.memref_slice %arg13[%run_scoped3A_394, %dma_wait3A_496, %dma_wait3A_497] : memref<3x128x64xbf16, #tpu.memory_space<vmem>> -> memref<1x128x64xbf16, #tpu.memory_space<vmem>>
        %dma_wait3A_499 = tpu.memref_squeeze %dma_wait3A_498 : memref<1x128x64xbf16, #tpu.memory_space<vmem>> -> memref<128x64xbf16, #tpu.memory_space<vmem>>
        %dma_wait3A_500 = arith.constant 0 : i32
        %dma_wait3A_501 = tpu.memref_slice %arg12[%add3A_371, %dma_wait3A_500] : memref<162x128xi32, #tpu.memory_space<vmem>> -> memref<1x128xi32, #tpu.memory_space<vmem>>
        %dma_wait3A_502 = tpu.memref_squeeze %dma_wait3A_501 : memref<1x128xi32, #tpu.memory_space<vmem>> -> memref<128xi32, #tpu.memory_space<vmem>>
        %dma_wait3A_503 = arith.constant 0 : i32
        %dma_wait3A_504 = arith.constant 0 : i32
        %dma_wait3A_505 = tpu.memref_slice %arg18[%dma_wait3A_503, %dma_wait3A_504] : memref<10240x64xbf16, #tpu.memory_space<vmem_shared>> -> memref<10240x64xbf16, #tpu.memory_space<vmem_shared>>
        tpu.wait_indirect_dma semaphore(%run_scoped3A_485 : memref<!tpu.dma_semaphore, #tpu.memory_space<semaphore_mem>>) src(%dma_wait3A_499 : memref<128x64xbf16, #tpu.memory_space<vmem>>) dst(%dma_wait3A_505 : memref<10240x64xbf16, #tpu.memory_space<vmem_shared>>)
        tpu.yield
      }) : () -> ()
      %lt3A_395 = arith.constant 81 : i32
      %lt3A_396 = arith.cmpi slt, %add3A_371, %lt3A_395 : i32
      %eq3A_397 = arith.constant 0 : i32
      %eq3A_398 = arith.cmpi eq, %arg0, %eq3A_397 : i32
      %eq3A_399 = arith.xori %lt3A_396, %eq3A_398 : i1
      %eq3A_400 = arith.constant true
      %eq3A_401 = arith.xori %eq3A_399, %eq3A_400 : i1
      %and3A = arith.andi %eq3A_8, %eq3A_401 : i1
      %convert_element_type3A_402 = arith.extui %and3A : i1 to i32
      %cond3A_403 = arith.constant 0 : i32
      %cond3A_404 = arith.cmpi ne, %convert_element_type3A_402, %cond3A_403 : i32
      scf.if %cond3A_404 {
        "tpu.region"() ({
          %run_scoped3A_485 = tpu.sem_alloc : memref<!tpu.dma_semaphore, #tpu.memory_space<semaphore_mem>>
          %dma_start3A_486 = arith.constant 0 : i32
          %dma_start3A_487 = tpu.memref_slice %arg12[%add3A_371, %dma_start3A_486] : memref<162x128xi32, #tpu.memory_space<vmem>> -> memref<1x128xi32, #tpu.memory_space<vmem>>
          %dma_start3A_488 = tpu.memref_squeeze %dma_start3A_487 : memref<1x128xi32, #tpu.memory_space<vmem>> -> memref<128xi32, #tpu.memory_space<vmem>>
          %dma_start3A_489 = arith.constant 0 : i32
          %dma_start3A_490 = arith.constant 0 : i32
          %dma_start3A_491 = tpu.memref_slice %arg19[%dma_start3A_489, %dma_start3A_490] : memref<10240x8xf32, #tpu.memory_space<vmem_shared>> -> memref<10240x8xf32, #tpu.memory_space<vmem_shared>>
          tpu.enqueue_indirect_dma source(%arg14 : memref<128x8xf32, #tpu.memory_space<vmem>>) target(%dma_start3A_491 : memref<10240x8xf32, #tpu.memory_space<vmem_shared>>) offsets(%dma_start3A_488 : memref<128xi32, #tpu.memory_space<vmem>>) semaphore(%run_scoped3A_485 : memref<!tpu.dma_semaphore, #tpu.memory_space<semaphore_mem>>) {add = true}
          %dma_wait3A_492 = arith.constant 0 : i32
          %dma_wait3A_493 = tpu.memref_slice %arg12[%add3A_371, %dma_wait3A_492] : memref<162x128xi32, #tpu.memory_space<vmem>> -> memref<1x128xi32, #tpu.memory_space<vmem>>
          %dma_wait3A_494 = tpu.memref_squeeze %dma_wait3A_493 : memref<1x128xi32, #tpu.memory_space<vmem>> -> memref<128xi32, #tpu.memory_space<vmem>>
          %dma_wait3A_495 = arith.constant 0 : i32
          %dma_wait3A_496 = arith.constant 0 : i32
          %dma_wait3A_497 = tpu.memref_slice %arg19[%dma_wait3A_495, %dma_wait3A_496] : memref<10240x8xf32, #tpu.memory_space<vmem_shared>> -> memref<10240x8xf32, #tpu.memory_space<vmem_shared>>
          tpu.wait_indirect_dma semaphore(%run_scoped3A_485 : memref<!tpu.dma_semaphore, #tpu.memory_space<semaphore_mem>>) src(%arg14 : memref<128x8xf32, #tpu.memory_space<vmem>>) dst(%dma_wait3A_497 : memref<10240x8xf32, #tpu.memory_space<vmem_shared>>)
          tpu.yield
        }) : () -> ()
      } else {
      }
      %mul3A_405 = arith.constant 3 : i32
      %mul3A_406 = arith.muli %scan3A_367, %mul3A_405 : i32
      %add3A_407 = arith.constant 1 : i32
      %add3A_408 = arith.addi %mul3A_406, %add3A_407 : i32
      %dma_wait3A_409 = arith.constant 1 : i32
      %dma_wait3A_410 = arith.constant 0 : i32
      %dma_wait3A_411 = arith.constant 0 : i32
      %dma_wait3A_412 = tpu.memref_slice %arg13[%dma_wait3A_409, %dma_wait3A_410, %dma_wait3A_411] : memref<3x128x64xbf16, #tpu.memory_space<vmem>> -> memref<1x128x64xbf16, #tpu.memory_space<vmem>>
      %dma_wait3A_413 = tpu.memref_squeeze %dma_wait3A_412 : memref<1x128x64xbf16, #tpu.memory_space<vmem>> -> memref<128x64xbf16, #tpu.memory_space<vmem>>
      %dma_wait3A_414 = arith.constant 0 : i32
      %dma_wait3A_415 = tpu.memref_slice %arg11[%add3A_408, %dma_wait3A_414] : memref<162x128xi32, #tpu.memory_space<vmem>> -> memref<1x128xi32, #tpu.memory_space<vmem>>
      %dma_wait3A_416 = tpu.memref_squeeze %dma_wait3A_415 : memref<1x128xi32, #tpu.memory_space<vmem>> -> memref<128xi32, #tpu.memory_space<vmem>>
      %dma_wait3A_417 = arith.constant 0 : i32
      %dma_wait3A_418 = arith.constant 0 : i32
      %dma_wait3A_419 = tpu.memref_slice %arg4[%arg0, %dma_wait3A_417, %dma_wait3A_418] : memref<2x10240x64xbf16, #tpu.memory_space<hbm>> -> memref<1x10240x64xbf16, #tpu.memory_space<hbm>>
      %dma_wait3A_420 = tpu.memref_squeeze %dma_wait3A_419 : memref<1x10240x64xbf16, #tpu.memory_space<hbm>> -> memref<10240x64xbf16, #tpu.memory_space<hbm>>
      %dma_wait3A_421 = arith.constant 0 : i32
      %dma_wait3A_422 = arith.constant 0 : i32
      %dma_wait3A_423 = tpu.memref_slice %dma_wait3A_420[%dma_wait3A_421, %dma_wait3A_422] : memref<10240x64xbf16, #tpu.memory_space<hbm>> -> memref<10240x64xbf16, #tpu.memory_space<hbm>>
      tpu.wait_indirect_dma semaphore(%arg20 : memref<!tpu.dma_semaphore, #tpu.memory_space<semaphore_mem>>) src(%dma_wait3A_423 : memref<10240x64xbf16, #tpu.memory_space<hbm>>) dst(%dma_wait3A_413 : memref<128x64xbf16, #tpu.memory_space<vmem>>)
      %add3A_424 = arith.constant 3 : i32
      %add3A_425 = arith.addi %add3A_408, %add3A_424 : i32
      %sub3A_426 = arith.constant 1 : i32
      %sub3A_427 = arith.subi %add3A_425, %sub3A_426 : i32
      %lt3A_428 = arith.constant 162 : i32
      %lt3A_429 = arith.cmpi slt, %sub3A_427, %lt3A_428 : i32
      %convert_element_type3A_430 = arith.extui %lt3A_429 : i1 to i32
      %cond3A_431 = arith.constant 0 : i32
      %cond3A_432 = arith.cmpi ne, %convert_element_type3A_430, %cond3A_431 : i32
      scf.if %cond3A_432 {
        %add3A_485 = arith.constant 3 : i32
        %add3A_486 = arith.addi %add3A_408, %add3A_485 : i32
        %sub3A_487 = arith.constant 1 : i32
        %sub3A_488 = arith.subi %add3A_486, %sub3A_487 : i32
        %dma_start3A_489 = arith.constant 0 : i32
        %dma_start3A_490 = arith.constant 0 : i32
        %dma_start3A_491 = arith.constant 0 : i32
        %dma_start3A_492 = tpu.memref_slice %arg13[%dma_start3A_489, %dma_start3A_490, %dma_start3A_491] : memref<3x128x64xbf16, #tpu.memory_space<vmem>> -> memref<1x128x64xbf16, #tpu.memory_space<vmem>>
        %dma_start3A_493 = tpu.memref_squeeze %dma_start3A_492 : memref<1x128x64xbf16, #tpu.memory_space<vmem>> -> memref<128x64xbf16, #tpu.memory_space<vmem>>
        %dma_start3A_494 = arith.constant 0 : i32
        %dma_start3A_495 = tpu.memref_slice %arg11[%sub3A_488, %dma_start3A_494] : memref<162x128xi32, #tpu.memory_space<vmem>> -> memref<1x128xi32, #tpu.memory_space<vmem>>
        %dma_start3A_496 = tpu.memref_squeeze %dma_start3A_495 : memref<1x128xi32, #tpu.memory_space<vmem>> -> memref<128xi32, #tpu.memory_space<vmem>>
        %dma_start3A_497 = arith.constant 0 : i32
        %dma_start3A_498 = arith.constant 0 : i32
        %dma_start3A_499 = tpu.memref_slice %arg4[%arg0, %dma_start3A_497, %dma_start3A_498] : memref<2x10240x64xbf16, #tpu.memory_space<hbm>> -> memref<1x10240x64xbf16, #tpu.memory_space<hbm>>
        %dma_start3A_500 = tpu.memref_squeeze %dma_start3A_499 : memref<1x10240x64xbf16, #tpu.memory_space<hbm>> -> memref<10240x64xbf16, #tpu.memory_space<hbm>>
        %dma_start3A_501 = arith.constant 0 : i32
        %dma_start3A_502 = arith.constant 0 : i32
        %dma_start3A_503 = tpu.memref_slice %dma_start3A_500[%dma_start3A_501, %dma_start3A_502] : memref<10240x64xbf16, #tpu.memory_space<hbm>> -> memref<10240x64xbf16, #tpu.memory_space<hbm>>
        tpu.enqueue_indirect_dma source(%dma_start3A_503 : memref<10240x64xbf16, #tpu.memory_space<hbm>>) target(%dma_start3A_493 : memref<128x64xbf16, #tpu.memory_space<vmem>>) offsets(%dma_start3A_496 : memref<128xi32, #tpu.memory_space<vmem>>) semaphore(%arg20 : memref<!tpu.dma_semaphore, #tpu.memory_space<semaphore_mem>>)
      } else {
      }
      %run_scoped3A_433 = arith.constant 1 : i32
      "tpu.region"() ({
        %run_scoped3A_485 = tpu.sem_alloc : memref<!tpu.dma_semaphore, #tpu.memory_space<semaphore_mem>>
        %dma_start3A_486 = arith.constant 0 : i32
        %dma_start3A_487 = arith.constant 0 : i32
        %dma_start3A_488 = tpu.memref_slice %arg13[%run_scoped3A_433, %dma_start3A_486, %dma_start3A_487] : memref<3x128x64xbf16, #tpu.memory_space<vmem>> -> memref<1x128x64xbf16, #tpu.memory_space<vmem>>
        %dma_start3A_489 = tpu.memref_squeeze %dma_start3A_488 : memref<1x128x64xbf16, #tpu.memory_space<vmem>> -> memref<128x64xbf16, #tpu.memory_space<vmem>>
        %dma_start3A_490 = arith.constant 0 : i32
        %dma_start3A_491 = tpu.memref_slice %arg12[%add3A_408, %dma_start3A_490] : memref<162x128xi32, #tpu.memory_space<vmem>> -> memref<1x128xi32, #tpu.memory_space<vmem>>
        %dma_start3A_492 = tpu.memref_squeeze %dma_start3A_491 : memref<1x128xi32, #tpu.memory_space<vmem>> -> memref<128xi32, #tpu.memory_space<vmem>>
        %dma_start3A_493 = arith.constant 0 : i32
        %dma_start3A_494 = arith.constant 0 : i32
        %dma_start3A_495 = tpu.memref_slice %arg18[%dma_start3A_493, %dma_start3A_494] : memref<10240x64xbf16, #tpu.memory_space<vmem_shared>> -> memref<10240x64xbf16, #tpu.memory_space<vmem_shared>>
        tpu.enqueue_indirect_dma source(%dma_start3A_489 : memref<128x64xbf16, #tpu.memory_space<vmem>>) target(%dma_start3A_495 : memref<10240x64xbf16, #tpu.memory_space<vmem_shared>>) offsets(%dma_start3A_492 : memref<128xi32, #tpu.memory_space<vmem>>) semaphore(%run_scoped3A_485 : memref<!tpu.dma_semaphore, #tpu.memory_space<semaphore_mem>>) {add = true}
        %dma_wait3A_496 = arith.constant 0 : i32
        %dma_wait3A_497 = arith.constant 0 : i32
        %dma_wait3A_498 = tpu.memref_slice %arg13[%run_scoped3A_433, %dma_wait3A_496, %dma_wait3A_497] : memref<3x128x64xbf16, #tpu.memory_space<vmem>> -> memref<1x128x64xbf16, #tpu.memory_space<vmem>>
        %dma_wait3A_499 = tpu.memref_squeeze %dma_wait3A_498 : memref<1x128x64xbf16, #tpu.memory_space<vmem>> -> memref<128x64xbf16, #tpu.memory_space<vmem>>
        %dma_wait3A_500 = arith.constant 0 : i32
        %dma_wait3A_501 = tpu.memref_slice %arg12[%add3A_408, %dma_wait3A_500] : memref<162x128xi32, #tpu.memory_space<vmem>> -> memref<1x128xi32, #tpu.memory_space<vmem>>
        %dma_wait3A_502 = tpu.memref_squeeze %dma_wait3A_501 : memref<1x128xi32, #tpu.memory_space<vmem>> -> memref<128xi32, #tpu.memory_space<vmem>>
        %dma_wait3A_503 = arith.constant 0 : i32
        %dma_wait3A_504 = arith.constant 0 : i32
        %dma_wait3A_505 = tpu.memref_slice %arg18[%dma_wait3A_503, %dma_wait3A_504] : memref<10240x64xbf16, #tpu.memory_space<vmem_shared>> -> memref<10240x64xbf16, #tpu.memory_space<vmem_shared>>
        tpu.wait_indirect_dma semaphore(%run_scoped3A_485 : memref<!tpu.dma_semaphore, #tpu.memory_space<semaphore_mem>>) src(%dma_wait3A_499 : memref<128x64xbf16, #tpu.memory_space<vmem>>) dst(%dma_wait3A_505 : memref<10240x64xbf16, #tpu.memory_space<vmem_shared>>)
        tpu.yield
      }) : () -> ()
      %lt3A_434 = arith.constant 81 : i32
      %lt3A_435 = arith.cmpi slt, %add3A_408, %lt3A_434 : i32
      %eq3A_436 = arith.constant 0 : i32
      %eq3A_437 = arith.cmpi eq, %arg0, %eq3A_436 : i32
      %eq3A_438 = arith.xori %lt3A_435, %eq3A_437 : i1
      %eq3A_439 = arith.constant true
      %eq3A_440 = arith.xori %eq3A_438, %eq3A_439 : i1
      %and3A_441 = arith.andi %eq3A_8, %eq3A_440 : i1
      %convert_element_type3A_442 = arith.extui %and3A_441 : i1 to i32
      %cond3A_443 = arith.constant 0 : i32
      %cond3A_444 = arith.cmpi ne, %convert_element_type3A_442, %cond3A_443 : i32
      scf.if %cond3A_444 {
        "tpu.region"() ({
          %run_scoped3A_485 = tpu.sem_alloc : memref<!tpu.dma_semaphore, #tpu.memory_space<semaphore_mem>>
          %dma_start3A_486 = arith.constant 0 : i32
          %dma_start3A_487 = tpu.memref_slice %arg12[%add3A_408, %dma_start3A_486] : memref<162x128xi32, #tpu.memory_space<vmem>> -> memref<1x128xi32, #tpu.memory_space<vmem>>
          %dma_start3A_488 = tpu.memref_squeeze %dma_start3A_487 : memref<1x128xi32, #tpu.memory_space<vmem>> -> memref<128xi32, #tpu.memory_space<vmem>>
          %dma_start3A_489 = arith.constant 0 : i32
          %dma_start3A_490 = arith.constant 0 : i32
          %dma_start3A_491 = tpu.memref_slice %arg19[%dma_start3A_489, %dma_start3A_490] : memref<10240x8xf32, #tpu.memory_space<vmem_shared>> -> memref<10240x8xf32, #tpu.memory_space<vmem_shared>>
          tpu.enqueue_indirect_dma source(%arg14 : memref<128x8xf32, #tpu.memory_space<vmem>>) target(%dma_start3A_491 : memref<10240x8xf32, #tpu.memory_space<vmem_shared>>) offsets(%dma_start3A_488 : memref<128xi32, #tpu.memory_space<vmem>>) semaphore(%run_scoped3A_485 : memref<!tpu.dma_semaphore, #tpu.memory_space<semaphore_mem>>) {add = true}
          %dma_wait3A_492 = arith.constant 0 : i32
          %dma_wait3A_493 = tpu.memref_slice %arg12[%add3A_408, %dma_wait3A_492] : memref<162x128xi32, #tpu.memory_space<vmem>> -> memref<1x128xi32, #tpu.memory_space<vmem>>
          %dma_wait3A_494 = tpu.memref_squeeze %dma_wait3A_493 : memref<1x128xi32, #tpu.memory_space<vmem>> -> memref<128xi32, #tpu.memory_space<vmem>>
          %dma_wait3A_495 = arith.constant 0 : i32
          %dma_wait3A_496 = arith.constant 0 : i32
          %dma_wait3A_497 = tpu.memref_slice %arg19[%dma_wait3A_495, %dma_wait3A_496] : memref<10240x8xf32, #tpu.memory_space<vmem_shared>> -> memref<10240x8xf32, #tpu.memory_space<vmem_shared>>
          tpu.wait_indirect_dma semaphore(%run_scoped3A_485 : memref<!tpu.dma_semaphore, #tpu.memory_space<semaphore_mem>>) src(%arg14 : memref<128x8xf32, #tpu.memory_space<vmem>>) dst(%dma_wait3A_497 : memref<10240x8xf32, #tpu.memory_space<vmem_shared>>)
          tpu.yield
        }) : () -> ()
      } else {
      }
      %mul3A_445 = arith.constant 3 : i32
      %mul3A_446 = arith.muli %scan3A_367, %mul3A_445 : i32
      %add3A_447 = arith.constant 2 : i32
      %add3A_448 = arith.addi %mul3A_446, %add3A_447 : i32
      %dma_wait3A_449 = arith.constant 2 : i32
      %dma_wait3A_450 = arith.constant 0 : i32
      %dma_wait3A_451 = arith.constant 0 : i32
      %dma_wait3A_452 = tpu.memref_slice %arg13[%dma_wait3A_449, %dma_wait3A_450, %dma_wait3A_451] : memref<3x128x64xbf16, #tpu.memory_space<vmem>> -> memref<1x128x64xbf16, #tpu.memory_space<vmem>>
      %dma_wait3A_453 = tpu.memref_squeeze %dma_wait3A_452 : memref<1x128x64xbf16, #tpu.memory_space<vmem>> -> memref<128x64xbf16, #tpu.memory_space<vmem>>
      %dma_wait3A_454 = arith.constant 0 : i32
      %dma_wait3A_455 = tpu.memref_slice %arg11[%add3A_448, %dma_wait3A_454] : memref<162x128xi32, #tpu.memory_space<vmem>> -> memref<1x128xi32, #tpu.memory_space<vmem>>
      %dma_wait3A_456 = tpu.memref_squeeze %dma_wait3A_455 : memref<1x128xi32, #tpu.memory_space<vmem>> -> memref<128xi32, #tpu.memory_space<vmem>>
      %dma_wait3A_457 = arith.constant 0 : i32
      %dma_wait3A_458 = arith.constant 0 : i32
      %dma_wait3A_459 = tpu.memref_slice %arg4[%arg0, %dma_wait3A_457, %dma_wait3A_458] : memref<2x10240x64xbf16, #tpu.memory_space<hbm>> -> memref<1x10240x64xbf16, #tpu.memory_space<hbm>>
      %dma_wait3A_460 = tpu.memref_squeeze %dma_wait3A_459 : memref<1x10240x64xbf16, #tpu.memory_space<hbm>> -> memref<10240x64xbf16, #tpu.memory_space<hbm>>
      %dma_wait3A_461 = arith.constant 0 : i32
      %dma_wait3A_462 = arith.constant 0 : i32
      %dma_wait3A_463 = tpu.memref_slice %dma_wait3A_460[%dma_wait3A_461, %dma_wait3A_462] : memref<10240x64xbf16, #tpu.memory_space<hbm>> -> memref<10240x64xbf16, #tpu.memory_space<hbm>>
      tpu.wait_indirect_dma semaphore(%arg20 : memref<!tpu.dma_semaphore, #tpu.memory_space<semaphore_mem>>) src(%dma_wait3A_463 : memref<10240x64xbf16, #tpu.memory_space<hbm>>) dst(%dma_wait3A_453 : memref<128x64xbf16, #tpu.memory_space<vmem>>)
      %add3A_464 = arith.constant 3 : i32
      %add3A_465 = arith.addi %add3A_448, %add3A_464 : i32
      %sub3A_466 = arith.constant 1 : i32
      %sub3A_467 = arith.subi %add3A_465, %sub3A_466 : i32
      %lt3A_468 = arith.constant 162 : i32
      %lt3A_469 = arith.cmpi slt, %sub3A_467, %lt3A_468 : i32
      %convert_element_type3A_470 = arith.extui %lt3A_469 : i1 to i32
      %cond3A_471 = arith.constant 0 : i32
      %cond3A_472 = arith.cmpi ne, %convert_element_type3A_470, %cond3A_471 : i32
      scf.if %cond3A_472 {
        %add3A_485 = arith.constant 3 : i32
        %add3A_486 = arith.addi %add3A_448, %add3A_485 : i32
        %sub3A_487 = arith.constant 1 : i32
        %sub3A_488 = arith.subi %add3A_486, %sub3A_487 : i32
        %dma_start3A_489 = arith.constant 1 : i32
        %dma_start3A_490 = arith.constant 0 : i32
        %dma_start3A_491 = arith.constant 0 : i32
        %dma_start3A_492 = tpu.memref_slice %arg13[%dma_start3A_489, %dma_start3A_490, %dma_start3A_491] : memref<3x128x64xbf16, #tpu.memory_space<vmem>> -> memref<1x128x64xbf16, #tpu.memory_space<vmem>>
        %dma_start3A_493 = tpu.memref_squeeze %dma_start3A_492 : memref<1x128x64xbf16, #tpu.memory_space<vmem>> -> memref<128x64xbf16, #tpu.memory_space<vmem>>
        %dma_start3A_494 = arith.constant 0 : i32
        %dma_start3A_495 = tpu.memref_slice %arg11[%sub3A_488, %dma_start3A_494] : memref<162x128xi32, #tpu.memory_space<vmem>> -> memref<1x128xi32, #tpu.memory_space<vmem>>
        %dma_start3A_496 = tpu.memref_squeeze %dma_start3A_495 : memref<1x128xi32, #tpu.memory_space<vmem>> -> memref<128xi32, #tpu.memory_space<vmem>>
        %dma_start3A_497 = arith.constant 0 : i32
        %dma_start3A_498 = arith.constant 0 : i32
        %dma_start3A_499 = tpu.memref_slice %arg4[%arg0, %dma_start3A_497, %dma_start3A_498] : memref<2x10240x64xbf16, #tpu.memory_space<hbm>> -> memref<1x10240x64xbf16, #tpu.memory_space<hbm>>
        %dma_start3A_500 = tpu.memref_squeeze %dma_start3A_499 : memref<1x10240x64xbf16, #tpu.memory_space<hbm>> -> memref<10240x64xbf16, #tpu.memory_space<hbm>>
        %dma_start3A_501 = arith.constant 0 : i32
        %dma_start3A_502 = arith.constant 0 : i32
        %dma_start3A_503 = tpu.memref_slice %dma_start3A_500[%dma_start3A_501, %dma_start3A_502] : memref<10240x64xbf16, #tpu.memory_space<hbm>> -> memref<10240x64xbf16, #tpu.memory_space<hbm>>
        tpu.enqueue_indirect_dma source(%dma_start3A_503 : memref<10240x64xbf16, #tpu.memory_space<hbm>>) target(%dma_start3A_493 : memref<128x64xbf16, #tpu.memory_space<vmem>>) offsets(%dma_start3A_496 : memref<128xi32, #tpu.memory_space<vmem>>) semaphore(%arg20 : memref<!tpu.dma_semaphore, #tpu.memory_space<semaphore_mem>>)
      } else {
      }
      %run_scoped3A_473 = arith.constant 2 : i32
      "tpu.region"() ({
        %run_scoped3A_485 = tpu.sem_alloc : memref<!tpu.dma_semaphore, #tpu.memory_space<semaphore_mem>>
        %dma_start3A_486 = arith.constant 0 : i32
        %dma_start3A_487 = arith.constant 0 : i32
        %dma_start3A_488 = tpu.memref_slice %arg13[%run_scoped3A_473, %dma_start3A_486, %dma_start3A_487] : memref<3x128x64xbf16, #tpu.memory_space<vmem>> -> memref<1x128x64xbf16, #tpu.memory_space<vmem>>
        %dma_start3A_489 = tpu.memref_squeeze %dma_start3A_488 : memref<1x128x64xbf16, #tpu.memory_space<vmem>> -> memref<128x64xbf16, #tpu.memory_space<vmem>>
        %dma_start3A_490 = arith.constant 0 : i32
        %dma_start3A_491 = tpu.memref_slice %arg12[%add3A_448, %dma_start3A_490] : memref<162x128xi32, #tpu.memory_space<vmem>> -> memref<1x128xi32, #tpu.memory_space<vmem>>
        %dma_start3A_492 = tpu.memref_squeeze %dma_start3A_491 : memref<1x128xi32, #tpu.memory_space<vmem>> -> memref<128xi32, #tpu.memory_space<vmem>>
        %dma_start3A_493 = arith.constant 0 : i32
        %dma_start3A_494 = arith.constant 0 : i32
        %dma_start3A_495 = tpu.memref_slice %arg18[%dma_start3A_493, %dma_start3A_494] : memref<10240x64xbf16, #tpu.memory_space<vmem_shared>> -> memref<10240x64xbf16, #tpu.memory_space<vmem_shared>>
        tpu.enqueue_indirect_dma source(%dma_start3A_489 : memref<128x64xbf16, #tpu.memory_space<vmem>>) target(%dma_start3A_495 : memref<10240x64xbf16, #tpu.memory_space<vmem_shared>>) offsets(%dma_start3A_492 : memref<128xi32, #tpu.memory_space<vmem>>) semaphore(%run_scoped3A_485 : memref<!tpu.dma_semaphore, #tpu.memory_space<semaphore_mem>>) {add = true}
        %dma_wait3A_496 = arith.constant 0 : i32
        %dma_wait3A_497 = arith.constant 0 : i32
        %dma_wait3A_498 = tpu.memref_slice %arg13[%run_scoped3A_473, %dma_wait3A_496, %dma_wait3A_497] : memref<3x128x64xbf16, #tpu.memory_space<vmem>> -> memref<1x128x64xbf16, #tpu.memory_space<vmem>>
        %dma_wait3A_499 = tpu.memref_squeeze %dma_wait3A_498 : memref<1x128x64xbf16, #tpu.memory_space<vmem>> -> memref<128x64xbf16, #tpu.memory_space<vmem>>
        %dma_wait3A_500 = arith.constant 0 : i32
        %dma_wait3A_501 = tpu.memref_slice %arg12[%add3A_448, %dma_wait3A_500] : memref<162x128xi32, #tpu.memory_space<vmem>> -> memref<1x128xi32, #tpu.memory_space<vmem>>
        %dma_wait3A_502 = tpu.memref_squeeze %dma_wait3A_501 : memref<1x128xi32, #tpu.memory_space<vmem>> -> memref<128xi32, #tpu.memory_space<vmem>>
        %dma_wait3A_503 = arith.constant 0 : i32
        %dma_wait3A_504 = arith.constant 0 : i32
        %dma_wait3A_505 = tpu.memref_slice %arg18[%dma_wait3A_503, %dma_wait3A_504] : memref<10240x64xbf16, #tpu.memory_space<vmem_shared>> -> memref<10240x64xbf16, #tpu.memory_space<vmem_shared>>
        tpu.wait_indirect_dma semaphore(%run_scoped3A_485 : memref<!tpu.dma_semaphore, #tpu.memory_space<semaphore_mem>>) src(%dma_wait3A_499 : memref<128x64xbf16, #tpu.memory_space<vmem>>) dst(%dma_wait3A_505 : memref<10240x64xbf16, #tpu.memory_space<vmem_shared>>)
        tpu.yield
      }) : () -> ()
      %lt3A_474 = arith.constant 81 : i32
      %lt3A_475 = arith.cmpi slt, %add3A_448, %lt3A_474 : i32
      %eq3A_476 = arith.constant 0 : i32
      %eq3A_477 = arith.cmpi eq, %arg0, %eq3A_476 : i32
      %eq3A_478 = arith.xori %lt3A_475, %eq3A_477 : i1
      %eq3A_479 = arith.constant true
      %eq3A_480 = arith.xori %eq3A_478, %eq3A_479 : i1
      %and3A_481 = arith.andi %eq3A_8, %eq3A_480 : i1
      %convert_element_type3A_482 = arith.extui %and3A_481 : i1 to i32
      %cond3A_483 = arith.constant 0 : i32
      %cond3A_484 = arith.cmpi ne, %convert_element_type3A_482, %cond3A_483 : i32
      scf.if %cond3A_484 {
        "tpu.region"() ({
          %run_scoped3A_485 = tpu.sem_alloc : memref<!tpu.dma_semaphore, #tpu.memory_space<semaphore_mem>>
          %dma_start3A_486 = arith.constant 0 : i32
          %dma_start3A_487 = tpu.memref_slice %arg12[%add3A_448, %dma_start3A_486] : memref<162x128xi32, #tpu.memory_space<vmem>> -> memref<1x128xi32, #tpu.memory_space<vmem>>
          %dma_start3A_488 = tpu.memref_squeeze %dma_start3A_487 : memref<1x128xi32, #tpu.memory_space<vmem>> -> memref<128xi32, #tpu.memory_space<vmem>>
          %dma_start3A_489 = arith.constant 0 : i32
          %dma_start3A_490 = arith.constant 0 : i32
          %dma_start3A_491 = tpu.memref_slice %arg19[%dma_start3A_489, %dma_start3A_490] : memref<10240x8xf32, #tpu.memory_space<vmem_shared>> -> memref<10240x8xf32, #tpu.memory_space<vmem_shared>>
          tpu.enqueue_indirect_dma source(%arg14 : memref<128x8xf32, #tpu.memory_space<vmem>>) target(%dma_start3A_491 : memref<10240x8xf32, #tpu.memory_space<vmem_shared>>) offsets(%dma_start3A_488 : memref<128xi32, #tpu.memory_space<vmem>>) semaphore(%run_scoped3A_485 : memref<!tpu.dma_semaphore, #tpu.memory_space<semaphore_mem>>) {add = true}
          %dma_wait3A_492 = arith.constant 0 : i32
          %dma_wait3A_493 = tpu.memref_slice %arg12[%add3A_448, %dma_wait3A_492] : memref<162x128xi32, #tpu.memory_space<vmem>> -> memref<1x128xi32, #tpu.memory_space<vmem>>
          %dma_wait3A_494 = tpu.memref_squeeze %dma_wait3A_493 : memref<1x128xi32, #tpu.memory_space<vmem>> -> memref<128xi32, #tpu.memory_space<vmem>>
          %dma_wait3A_495 = arith.constant 0 : i32
          %dma_wait3A_496 = arith.constant 0 : i32
          %dma_wait3A_497 = tpu.memref_slice %arg19[%dma_wait3A_495, %dma_wait3A_496] : memref<10240x8xf32, #tpu.memory_space<vmem_shared>> -> memref<10240x8xf32, #tpu.memory_space<vmem_shared>>
          tpu.wait_indirect_dma semaphore(%run_scoped3A_485 : memref<!tpu.dma_semaphore, #tpu.memory_space<semaphore_mem>>) src(%arg14 : memref<128x8xf32, #tpu.memory_space<vmem>>) dst(%dma_wait3A_497 : memref<10240x8xf32, #tpu.memory_space<vmem_shared>>)
          tpu.yield
        }) : () -> ()
      } else {
      }
    }
    %scan3A_128 = arith.constant 54 : i32
    %barrier3A_129 = arith.constant 0 : index
    tpu.barrier barrier_id(%barrier3A_129)
    %add3A_130 = arith.constant 0 : i32
    %add3A_131 = arith.addi %mul3A_9, %add3A_130 : i32
    %run_scoped3A = arith.constant 0 : i32
    "tpu.region"() ({
      %run_scoped3A_367 = tpu.sem_alloc : memref<!tpu.dma_semaphore, #tpu.memory_space<semaphore_mem>>
      %dma_start3A_368 = arith.constant 0 : i32
      %dma_start3A_369 = arith.constant 0 : i32
      %dma_start3A_370 = tpu.memref_slice %arg13[%run_scoped3A, %dma_start3A_368, %dma_start3A_369] : memref<3x128x64xbf16, #tpu.memory_space<vmem>> -> memref<1x128x64xbf16, #tpu.memory_space<vmem>>
      %dma_start3A_371 = tpu.memref_squeeze %dma_start3A_370 : memref<1x128x64xbf16, #tpu.memory_space<vmem>> -> memref<128x64xbf16, #tpu.memory_space<vmem>>
      %dma_start3A_372 = arith.constant 0 : i32
      %dma_start3A_373 = tpu.memref_slice %arg18[%add3A_131, %dma_start3A_372] : memref<10240x64xbf16, #tpu.memory_space<vmem_shared>> -> memref<128x64xbf16, #tpu.memory_space<vmem_shared>>
      %dma_start3A_374 = arith.constant 0 : i32
      %dma_start3A_375 = arith.constant 0 : i32
      %dma_start3A_376 = tpu.memref_slice %arg13[%run_scoped3A, %dma_start3A_374, %dma_start3A_375] : memref<3x128x64xbf16, #tpu.memory_space<vmem>> -> memref<1x128x64xbf16, #tpu.memory_space<vmem>>
      %dma_start3A_377 = tpu.memref_squeeze %dma_start3A_376 : memref<1x128x64xbf16, #tpu.memory_space<vmem>> -> memref<128x64xbf16, #tpu.memory_space<vmem>>
      %dma_start3A_378 = arith.constant 0 : i32
      %dma_start3A_379 = tpu.memref_slice %arg18[%add3A_131, %dma_start3A_378] : memref<10240x64xbf16, #tpu.memory_space<vmem_shared>> -> memref<128x64xbf16, #tpu.memory_space<vmem_shared>>
      tpu.enqueue_dma source(%dma_start3A_379 : memref<128x64xbf16, #tpu.memory_space<vmem_shared>>) target(%dma_start3A_377 : memref<128x64xbf16, #tpu.memory_space<vmem>>) target_semaphore(%run_scoped3A_367 : memref<!tpu.dma_semaphore, #tpu.memory_space<semaphore_mem>>)
      %dma_wait3A_380 = arith.constant 0 : i32
      %dma_wait3A_381 = arith.constant 0 : i32
      %dma_wait3A_382 = tpu.memref_slice %arg13[%run_scoped3A, %dma_wait3A_380, %dma_wait3A_381] : memref<3x128x64xbf16, #tpu.memory_space<vmem>> -> memref<1x128x64xbf16, #tpu.memory_space<vmem>>
      %dma_wait3A_383 = tpu.memref_squeeze %dma_wait3A_382 : memref<1x128x64xbf16, #tpu.memory_space<vmem>> -> memref<128x64xbf16, #tpu.memory_space<vmem>>
      %dma_wait3A_384 = arith.constant 0 : i32
      %dma_wait3A_385 = tpu.memref_slice %arg18[%add3A_131, %dma_wait3A_384] : memref<10240x64xbf16, #tpu.memory_space<vmem_shared>> -> memref<128x64xbf16, #tpu.memory_space<vmem_shared>>
      %dma_wait3A_386 = arith.constant 0 : i32
      %dma_wait3A_387 = arith.constant 0 : i32
      %dma_wait3A_388 = tpu.memref_slice %arg13[%run_scoped3A, %dma_wait3A_386, %dma_wait3A_387] : memref<3x128x64xbf16, #tpu.memory_space<vmem>> -> memref<1x128x64xbf16, #tpu.memory_space<vmem>>
      %dma_wait3A_389 = tpu.memref_squeeze %dma_wait3A_388 : memref<1x128x64xbf16, #tpu.memory_space<vmem>> -> memref<128x64xbf16, #tpu.memory_space<vmem>>
      %dma_wait3A_390 = arith.constant 0 : i32
      %dma_wait3A_391 = tpu.memref_slice %arg18[%add3A_131, %dma_wait3A_390] : memref<10240x64xbf16, #tpu.memory_space<vmem_shared>> -> memref<128x64xbf16, #tpu.memory_space<vmem_shared>>
      tpu.wait_dma2 semaphore(%run_scoped3A_367 : memref<!tpu.dma_semaphore, #tpu.memory_space<semaphore_mem>>) src(%dma_wait3A_391 : memref<128x64xbf16, #tpu.memory_space<vmem_shared>>) dst(%dma_wait3A_389 : memref<128x64xbf16, #tpu.memory_space<vmem>>)
      tpu.yield
    }) : () -> ()
    %dma_start3A_132 = arith.constant 0 : i32
    %dma_start3A_133 = arith.constant 0 : i32
    %dma_start3A_134 = arith.constant 0 : i32
    %dma_start3A_135 = tpu.memref_slice %arg13[%dma_start3A_132, %dma_start3A_133, %dma_start3A_134] : memref<3x128x64xbf16, #tpu.memory_space<vmem>> -> memref<1x128x64xbf16, #tpu.memory_space<vmem>>
    %dma_start3A_136 = tpu.memref_squeeze %dma_start3A_135 : memref<1x128x64xbf16, #tpu.memory_space<vmem>> -> memref<128x64xbf16, #tpu.memory_space<vmem>>
    %dma_start3A_137 = arith.constant 0 : i32
    %dma_start3A_138 = arith.constant 0 : i32
    %dma_start3A_139 = tpu.memref_slice %arg9[%arg0, %dma_start3A_137, %dma_start3A_138] : memref<2x10240x64xbf16, #tpu.memory_space<hbm>> -> memref<1x10240x64xbf16, #tpu.memory_space<hbm>>
    %dma_start3A_140 = tpu.memref_squeeze %dma_start3A_139 : memref<1x10240x64xbf16, #tpu.memory_space<hbm>> -> memref<10240x64xbf16, #tpu.memory_space<hbm>>
    %dma_start3A_141 = arith.constant 0 : i32
    %dma_start3A_142 = tpu.memref_slice %dma_start3A_140[%add3A_131, %dma_start3A_141] : memref<10240x64xbf16, #tpu.memory_space<hbm>> -> memref<128x64xbf16, #tpu.memory_space<hbm>>
    %dma_start3A_143 = arith.constant 0 : i32
    %dma_start3A_144 = arith.constant 0 : i32
    %dma_start3A_145 = tpu.memref_slice %arg9[%arg0, %dma_start3A_143, %dma_start3A_144] : memref<2x10240x64xbf16, #tpu.memory_space<hbm>> -> memref<1x10240x64xbf16, #tpu.memory_space<hbm>>
    %dma_start3A_146 = tpu.memref_squeeze %dma_start3A_145 : memref<1x10240x64xbf16, #tpu.memory_space<hbm>> -> memref<10240x64xbf16, #tpu.memory_space<hbm>>
    %dma_start3A_147 = arith.constant 0 : i32
    %dma_start3A_148 = tpu.memref_slice %dma_start3A_146[%add3A_131, %dma_start3A_147] : memref<10240x64xbf16, #tpu.memory_space<hbm>> -> memref<128x64xbf16, #tpu.memory_space<hbm>>
    %dma_start3A_149 = arith.constant 0 : i32
    %dma_start3A_150 = arith.constant 0 : i32
    %dma_start3A_151 = tpu.memref_slice %arg13[%dma_start3A_132, %dma_start3A_149, %dma_start3A_150] : memref<3x128x64xbf16, #tpu.memory_space<vmem>> -> memref<1x128x64xbf16, #tpu.memory_space<vmem>>
    %dma_start3A_152 = tpu.memref_squeeze %dma_start3A_151 : memref<1x128x64xbf16, #tpu.memory_space<vmem>> -> memref<128x64xbf16, #tpu.memory_space<vmem>>
    tpu.enqueue_dma source(%dma_start3A_152 : memref<128x64xbf16, #tpu.memory_space<vmem>>) target(%dma_start3A_148 : memref<128x64xbf16, #tpu.memory_space<hbm>>) target_semaphore(%arg21 : memref<!tpu.dma_semaphore, #tpu.memory_space<semaphore_mem>>)
    %add3A_153 = arith.constant 128 : i32
    %add3A_154 = arith.addi %mul3A_9, %add3A_153 : i32
    %run_scoped3A_155 = arith.constant 1 : i32
    "tpu.region"() ({
      %run_scoped3A_367 = tpu.sem_alloc : memref<!tpu.dma_semaphore, #tpu.memory_space<semaphore_mem>>
      %dma_start3A_368 = arith.constant 0 : i32
      %dma_start3A_369 = arith.constant 0 : i32
      %dma_start3A_370 = tpu.memref_slice %arg13[%run_scoped3A_155, %dma_start3A_368, %dma_start3A_369] : memref<3x128x64xbf16, #tpu.memory_space<vmem>> -> memref<1x128x64xbf16, #tpu.memory_space<vmem>>
      %dma_start3A_371 = tpu.memref_squeeze %dma_start3A_370 : memref<1x128x64xbf16, #tpu.memory_space<vmem>> -> memref<128x64xbf16, #tpu.memory_space<vmem>>
      %dma_start3A_372 = arith.constant 0 : i32
      %dma_start3A_373 = tpu.memref_slice %arg18[%add3A_154, %dma_start3A_372] : memref<10240x64xbf16, #tpu.memory_space<vmem_shared>> -> memref<128x64xbf16, #tpu.memory_space<vmem_shared>>
      %dma_start3A_374 = arith.constant 0 : i32
      %dma_start3A_375 = arith.constant 0 : i32
      %dma_start3A_376 = tpu.memref_slice %arg13[%run_scoped3A_155, %dma_start3A_374, %dma_start3A_375] : memref<3x128x64xbf16, #tpu.memory_space<vmem>> -> memref<1x128x64xbf16, #tpu.memory_space<vmem>>
      %dma_start3A_377 = tpu.memref_squeeze %dma_start3A_376 : memref<1x128x64xbf16, #tpu.memory_space<vmem>> -> memref<128x64xbf16, #tpu.memory_space<vmem>>
      %dma_start3A_378 = arith.constant 0 : i32
      %dma_start3A_379 = tpu.memref_slice %arg18[%add3A_154, %dma_start3A_378] : memref<10240x64xbf16, #tpu.memory_space<vmem_shared>> -> memref<128x64xbf16, #tpu.memory_space<vmem_shared>>
      tpu.enqueue_dma source(%dma_start3A_379 : memref<128x64xbf16, #tpu.memory_space<vmem_shared>>) target(%dma_start3A_377 : memref<128x64xbf16, #tpu.memory_space<vmem>>) target_semaphore(%run_scoped3A_367 : memref<!tpu.dma_semaphore, #tpu.memory_space<semaphore_mem>>)
      %dma_wait3A_380 = arith.constant 0 : i32
      %dma_wait3A_381 = arith.constant 0 : i32
      %dma_wait3A_382 = tpu.memref_slice %arg13[%run_scoped3A_155, %dma_wait3A_380, %dma_wait3A_381] : memref<3x128x64xbf16, #tpu.memory_space<vmem>> -> memref<1x128x64xbf16, #tpu.memory_space<vmem>>
      %dma_wait3A_383 = tpu.memref_squeeze %dma_wait3A_382 : memref<1x128x64xbf16, #tpu.memory_space<vmem>> -> memref<128x64xbf16, #tpu.memory_space<vmem>>
      %dma_wait3A_384 = arith.constant 0 : i32
      %dma_wait3A_385 = tpu.memref_slice %arg18[%add3A_154, %dma_wait3A_384] : memref<10240x64xbf16, #tpu.memory_space<vmem_shared>> -> memref<128x64xbf16, #tpu.memory_space<vmem_shared>>
      %dma_wait3A_386 = arith.constant 0 : i32
      %dma_wait3A_387 = arith.constant 0 : i32
      %dma_wait3A_388 = tpu.memref_slice %arg13[%run_scoped3A_155, %dma_wait3A_386, %dma_wait3A_387] : memref<3x128x64xbf16, #tpu.memory_space<vmem>> -> memref<1x128x64xbf16, #tpu.memory_space<vmem>>
      %dma_wait3A_389 = tpu.memref_squeeze %dma_wait3A_388 : memref<1x128x64xbf16, #tpu.memory_space<vmem>> -> memref<128x64xbf16, #tpu.memory_space<vmem>>
      %dma_wait3A_390 = arith.constant 0 : i32
      %dma_wait3A_391 = tpu.memref_slice %arg18[%add3A_154, %dma_wait3A_390] : memref<10240x64xbf16, #tpu.memory_space<vmem_shared>> -> memref<128x64xbf16, #tpu.memory_space<vmem_shared>>
      tpu.wait_dma2 semaphore(%run_scoped3A_367 : memref<!tpu.dma_semaphore, #tpu.memory_space<semaphore_mem>>) src(%dma_wait3A_391 : memref<128x64xbf16, #tpu.memory_space<vmem_shared>>) dst(%dma_wait3A_389 : memref<128x64xbf16, #tpu.memory_space<vmem>>)
      tpu.yield
    }) : () -> ()
    %dma_start3A_156 = arith.constant 1 : i32
    %dma_start3A_157 = arith.constant 0 : i32
    %dma_start3A_158 = arith.constant 0 : i32
    %dma_start3A_159 = tpu.memref_slice %arg13[%dma_start3A_156, %dma_start3A_157, %dma_start3A_158] : memref<3x128x64xbf16, #tpu.memory_space<vmem>> -> memref<1x128x64xbf16, #tpu.memory_space<vmem>>
    %dma_start3A_160 = tpu.memref_squeeze %dma_start3A_159 : memref<1x128x64xbf16, #tpu.memory_space<vmem>> -> memref<128x64xbf16, #tpu.memory_space<vmem>>
    %dma_start3A_161 = arith.constant 0 : i32
    %dma_start3A_162 = arith.constant 0 : i32
    %dma_start3A_163 = tpu.memref_slice %arg9[%arg0, %dma_start3A_161, %dma_start3A_162] : memref<2x10240x64xbf16, #tpu.memory_space<hbm>> -> memref<1x10240x64xbf16, #tpu.memory_space<hbm>>
    %dma_start3A_164 = tpu.memref_squeeze %dma_start3A_163 : memref<1x10240x64xbf16, #tpu.memory_space<hbm>> -> memref<10240x64xbf16, #tpu.memory_space<hbm>>
    %dma_start3A_165 = arith.constant 0 : i32
    %dma_start3A_166 = tpu.memref_slice %dma_start3A_164[%add3A_154, %dma_start3A_165] : memref<10240x64xbf16, #tpu.memory_space<hbm>> -> memref<128x64xbf16, #tpu.memory_space<hbm>>
    %dma_start3A_167 = arith.constant 0 : i32
    %dma_start3A_168 = arith.constant 0 : i32
    %dma_start3A_169 = tpu.memref_slice %arg9[%arg0, %dma_start3A_167, %dma_start3A_168] : memref<2x10240x64xbf16, #tpu.memory_space<hbm>> -> memref<1x10240x64xbf16, #tpu.memory_space<hbm>>
    %dma_start3A_170 = tpu.memref_squeeze %dma_start3A_169 : memref<1x10240x64xbf16, #tpu.memory_space<hbm>> -> memref<10240x64xbf16, #tpu.memory_space<hbm>>
    %dma_start3A_171 = arith.constant 0 : i32
    %dma_start3A_172 = tpu.memref_slice %dma_start3A_170[%add3A_154, %dma_start3A_171] : memref<10240x64xbf16, #tpu.memory_space<hbm>> -> memref<128x64xbf16, #tpu.memory_space<hbm>>
    %dma_start3A_173 = arith.constant 0 : i32
    %dma_start3A_174 = arith.constant 0 : i32
    %dma_start3A_175 = tpu.memref_slice %arg13[%dma_start3A_156, %dma_start3A_173, %dma_start3A_174] : memref<3x128x64xbf16, #tpu.memory_space<vmem>> -> memref<1x128x64xbf16, #tpu.memory_space<vmem>>
    %dma_start3A_176 = tpu.memref_squeeze %dma_start3A_175 : memref<1x128x64xbf16, #tpu.memory_space<vmem>> -> memref<128x64xbf16, #tpu.memory_space<vmem>>
    tpu.enqueue_dma source(%dma_start3A_176 : memref<128x64xbf16, #tpu.memory_space<vmem>>) target(%dma_start3A_172 : memref<128x64xbf16, #tpu.memory_space<hbm>>) target_semaphore(%arg21 : memref<!tpu.dma_semaphore, #tpu.memory_space<semaphore_mem>>)
    %add3A_177 = arith.constant 256 : i32
    %add3A_178 = arith.addi %mul3A_9, %add3A_177 : i32
    %run_scoped3A_179 = arith.constant 2 : i32
    "tpu.region"() ({
      %run_scoped3A_367 = tpu.sem_alloc : memref<!tpu.dma_semaphore, #tpu.memory_space<semaphore_mem>>
      %dma_start3A_368 = arith.constant 0 : i32
      %dma_start3A_369 = arith.constant 0 : i32
      %dma_start3A_370 = tpu.memref_slice %arg13[%run_scoped3A_179, %dma_start3A_368, %dma_start3A_369] : memref<3x128x64xbf16, #tpu.memory_space<vmem>> -> memref<1x128x64xbf16, #tpu.memory_space<vmem>>
      %dma_start3A_371 = tpu.memref_squeeze %dma_start3A_370 : memref<1x128x64xbf16, #tpu.memory_space<vmem>> -> memref<128x64xbf16, #tpu.memory_space<vmem>>
      %dma_start3A_372 = arith.constant 0 : i32
      %dma_start3A_373 = tpu.memref_slice %arg18[%add3A_178, %dma_start3A_372] : memref<10240x64xbf16, #tpu.memory_space<vmem_shared>> -> memref<128x64xbf16, #tpu.memory_space<vmem_shared>>
      %dma_start3A_374 = arith.constant 0 : i32
      %dma_start3A_375 = arith.constant 0 : i32
      %dma_start3A_376 = tpu.memref_slice %arg13[%run_scoped3A_179, %dma_start3A_374, %dma_start3A_375] : memref<3x128x64xbf16, #tpu.memory_space<vmem>> -> memref<1x128x64xbf16, #tpu.memory_space<vmem>>
      %dma_start3A_377 = tpu.memref_squeeze %dma_start3A_376 : memref<1x128x64xbf16, #tpu.memory_space<vmem>> -> memref<128x64xbf16, #tpu.memory_space<vmem>>
      %dma_start3A_378 = arith.constant 0 : i32
      %dma_start3A_379 = tpu.memref_slice %arg18[%add3A_178, %dma_start3A_378] : memref<10240x64xbf16, #tpu.memory_space<vmem_shared>> -> memref<128x64xbf16, #tpu.memory_space<vmem_shared>>
      tpu.enqueue_dma source(%dma_start3A_379 : memref<128x64xbf16, #tpu.memory_space<vmem_shared>>) target(%dma_start3A_377 : memref<128x64xbf16, #tpu.memory_space<vmem>>) target_semaphore(%run_scoped3A_367 : memref<!tpu.dma_semaphore, #tpu.memory_space<semaphore_mem>>)
      %dma_wait3A_380 = arith.constant 0 : i32
      %dma_wait3A_381 = arith.constant 0 : i32
      %dma_wait3A_382 = tpu.memref_slice %arg13[%run_scoped3A_179, %dma_wait3A_380, %dma_wait3A_381] : memref<3x128x64xbf16, #tpu.memory_space<vmem>> -> memref<1x128x64xbf16, #tpu.memory_space<vmem>>
      %dma_wait3A_383 = tpu.memref_squeeze %dma_wait3A_382 : memref<1x128x64xbf16, #tpu.memory_space<vmem>> -> memref<128x64xbf16, #tpu.memory_space<vmem>>
      %dma_wait3A_384 = arith.constant 0 : i32
      %dma_wait3A_385 = tpu.memref_slice %arg18[%add3A_178, %dma_wait3A_384] : memref<10240x64xbf16, #tpu.memory_space<vmem_shared>> -> memref<128x64xbf16, #tpu.memory_space<vmem_shared>>
      %dma_wait3A_386 = arith.constant 0 : i32
      %dma_wait3A_387 = arith.constant 0 : i32
      %dma_wait3A_388 = tpu.memref_slice %arg13[%run_scoped3A_179, %dma_wait3A_386, %dma_wait3A_387] : memref<3x128x64xbf16, #tpu.memory_space<vmem>> -> memref<1x128x64xbf16, #tpu.memory_space<vmem>>
      %dma_wait3A_389 = tpu.memref_squeeze %dma_wait3A_388 : memref<1x128x64xbf16, #tpu.memory_space<vmem>> -> memref<128x64xbf16, #tpu.memory_space<vmem>>
      %dma_wait3A_390 = arith.constant 0 : i32
      %dma_wait3A_391 = tpu.memref_slice %arg18[%add3A_178, %dma_wait3A_390] : memref<10240x64xbf16, #tpu.memory_space<vmem_shared>> -> memref<128x64xbf16, #tpu.memory_space<vmem_shared>>
      tpu.wait_dma2 semaphore(%run_scoped3A_367 : memref<!tpu.dma_semaphore, #tpu.memory_space<semaphore_mem>>) src(%dma_wait3A_391 : memref<128x64xbf16, #tpu.memory_space<vmem_shared>>) dst(%dma_wait3A_389 : memref<128x64xbf16, #tpu.memory_space<vmem>>)
      tpu.yield
    }) : () -> ()
    %dma_start3A_180 = arith.constant 2 : i32
    %dma_start3A_181 = arith.constant 0 : i32
    %dma_start3A_182 = arith.constant 0 : i32
    %dma_start3A_183 = tpu.memref_slice %arg13[%dma_start3A_180, %dma_start3A_181, %dma_start3A_182] : memref<3x128x64xbf16, #tpu.memory_space<vmem>> -> memref<1x128x64xbf16, #tpu.memory_space<vmem>>
    %dma_start3A_184 = tpu.memref_squeeze %dma_start3A_183 : memref<1x128x64xbf16, #tpu.memory_space<vmem>> -> memref<128x64xbf16, #tpu.memory_space<vmem>>
    %dma_start3A_185 = arith.constant 0 : i32
    %dma_start3A_186 = arith.constant 0 : i32
    %dma_start3A_187 = tpu.memref_slice %arg9[%arg0, %dma_start3A_185, %dma_start3A_186] : memref<2x10240x64xbf16, #tpu.memory_space<hbm>> -> memref<1x10240x64xbf16, #tpu.memory_space<hbm>>
    %dma_start3A_188 = tpu.memref_squeeze %dma_start3A_187 : memref<1x10240x64xbf16, #tpu.memory_space<hbm>> -> memref<10240x64xbf16, #tpu.memory_space<hbm>>
    %dma_start3A_189 = arith.constant 0 : i32
    %dma_start3A_190 = tpu.memref_slice %dma_start3A_188[%add3A_178, %dma_start3A_189] : memref<10240x64xbf16, #tpu.memory_space<hbm>> -> memref<128x64xbf16, #tpu.memory_space<hbm>>
    %dma_start3A_191 = arith.constant 0 : i32
    %dma_start3A_192 = arith.constant 0 : i32
    %dma_start3A_193 = tpu.memref_slice %arg9[%arg0, %dma_start3A_191, %dma_start3A_192] : memref<2x10240x64xbf16, #tpu.memory_space<hbm>> -> memref<1x10240x64xbf16, #tpu.memory_space<hbm>>
    %dma_start3A_194 = tpu.memref_squeeze %dma_start3A_193 : memref<1x10240x64xbf16, #tpu.memory_space<hbm>> -> memref<10240x64xbf16, #tpu.memory_space<hbm>>
    %dma_start3A_195 = arith.constant 0 : i32
    %dma_start3A_196 = tpu.memref_slice %dma_start3A_194[%add3A_178, %dma_start3A_195] : memref<10240x64xbf16, #tpu.memory_space<hbm>> -> memref<128x64xbf16, #tpu.memory_space<hbm>>
    %dma_start3A_197 = arith.constant 0 : i32
    %dma_start3A_198 = arith.constant 0 : i32
    %dma_start3A_199 = tpu.memref_slice %arg13[%dma_start3A_180, %dma_start3A_197, %dma_start3A_198] : memref<3x128x64xbf16, #tpu.memory_space<vmem>> -> memref<1x128x64xbf16, #tpu.memory_space<vmem>>
    %dma_start3A_200 = tpu.memref_squeeze %dma_start3A_199 : memref<1x128x64xbf16, #tpu.memory_space<vmem>> -> memref<128x64xbf16, #tpu.memory_space<vmem>>
    tpu.enqueue_dma source(%dma_start3A_200 : memref<128x64xbf16, #tpu.memory_space<vmem>>) target(%dma_start3A_196 : memref<128x64xbf16, #tpu.memory_space<hbm>>) target_semaphore(%arg21 : memref<!tpu.dma_semaphore, #tpu.memory_space<semaphore_mem>>)
    %add3A_201 = arith.constant 384 : i32
    %add3A_202 = arith.addi %mul3A_9, %add3A_201 : i32
    %add3A_203 = arith.constant 0 : i32
    %add3A_204 = arith.addi %mul3A_9, %add3A_203 : i32
    %dma_wait3A_205 = arith.constant 0 : i32
    %dma_wait3A_206 = arith.constant 0 : i32
    %dma_wait3A_207 = arith.constant 0 : i32
    %dma_wait3A_208 = tpu.memref_slice %arg13[%dma_wait3A_205, %dma_wait3A_206, %dma_wait3A_207] : memref<3x128x64xbf16, #tpu.memory_space<vmem>> -> memref<1x128x64xbf16, #tpu.memory_space<vmem>>
    %dma_wait3A_209 = tpu.memref_squeeze %dma_wait3A_208 : memref<1x128x64xbf16, #tpu.memory_space<vmem>> -> memref<128x64xbf16, #tpu.memory_space<vmem>>
    %dma_wait3A_210 = arith.constant 0 : i32
    %dma_wait3A_211 = arith.constant 0 : i32
    %dma_wait3A_212 = tpu.memref_slice %arg9[%arg0, %dma_wait3A_210, %dma_wait3A_211] : memref<2x10240x64xbf16, #tpu.memory_space<hbm>> -> memref<1x10240x64xbf16, #tpu.memory_space<hbm>>
    %dma_wait3A_213 = tpu.memref_squeeze %dma_wait3A_212 : memref<1x10240x64xbf16, #tpu.memory_space<hbm>> -> memref<10240x64xbf16, #tpu.memory_space<hbm>>
    %dma_wait3A_214 = arith.constant 0 : i32
    %dma_wait3A_215 = tpu.memref_slice %dma_wait3A_213[%add3A_204, %dma_wait3A_214] : memref<10240x64xbf16, #tpu.memory_space<hbm>> -> memref<128x64xbf16, #tpu.memory_space<hbm>>
    %dma_wait3A_216 = arith.constant 0 : i32
    %dma_wait3A_217 = arith.constant 0 : i32
    %dma_wait3A_218 = tpu.memref_slice %arg9[%arg0, %dma_wait3A_216, %dma_wait3A_217] : memref<2x10240x64xbf16, #tpu.memory_space<hbm>> -> memref<1x10240x64xbf16, #tpu.memory_space<hbm>>
    %dma_wait3A_219 = tpu.memref_squeeze %dma_wait3A_218 : memref<1x10240x64xbf16, #tpu.memory_space<hbm>> -> memref<10240x64xbf16, #tpu.memory_space<hbm>>
    %dma_wait3A_220 = arith.constant 0 : i32
    %dma_wait3A_221 = tpu.memref_slice %dma_wait3A_219[%add3A_204, %dma_wait3A_220] : memref<10240x64xbf16, #tpu.memory_space<hbm>> -> memref<128x64xbf16, #tpu.memory_space<hbm>>
    %dma_wait3A_222 = arith.constant 0 : i32
    %dma_wait3A_223 = arith.constant 0 : i32
    %dma_wait3A_224 = tpu.memref_slice %arg13[%dma_wait3A_205, %dma_wait3A_222, %dma_wait3A_223] : memref<3x128x64xbf16, #tpu.memory_space<vmem>> -> memref<1x128x64xbf16, #tpu.memory_space<vmem>>
    %dma_wait3A_225 = tpu.memref_squeeze %dma_wait3A_224 : memref<1x128x64xbf16, #tpu.memory_space<vmem>> -> memref<128x64xbf16, #tpu.memory_space<vmem>>
    tpu.wait_dma2 semaphore(%arg21 : memref<!tpu.dma_semaphore, #tpu.memory_space<semaphore_mem>>) src(%dma_wait3A_225 : memref<128x64xbf16, #tpu.memory_space<vmem>>) dst(%dma_wait3A_221 : memref<128x64xbf16, #tpu.memory_space<hbm>>)
    %run_scoped3A_226 = arith.constant 0 : i32
    "tpu.region"() ({
      %run_scoped3A_367 = tpu.sem_alloc : memref<!tpu.dma_semaphore, #tpu.memory_space<semaphore_mem>>
      %dma_start3A_368 = arith.constant 0 : i32
      %dma_start3A_369 = arith.constant 0 : i32
      %dma_start3A_370 = tpu.memref_slice %arg13[%run_scoped3A_226, %dma_start3A_368, %dma_start3A_369] : memref<3x128x64xbf16, #tpu.memory_space<vmem>> -> memref<1x128x64xbf16, #tpu.memory_space<vmem>>
      %dma_start3A_371 = tpu.memref_squeeze %dma_start3A_370 : memref<1x128x64xbf16, #tpu.memory_space<vmem>> -> memref<128x64xbf16, #tpu.memory_space<vmem>>
      %dma_start3A_372 = arith.constant 0 : i32
      %dma_start3A_373 = tpu.memref_slice %arg18[%add3A_202, %dma_start3A_372] : memref<10240x64xbf16, #tpu.memory_space<vmem_shared>> -> memref<128x64xbf16, #tpu.memory_space<vmem_shared>>
      %dma_start3A_374 = arith.constant 0 : i32
      %dma_start3A_375 = arith.constant 0 : i32
      %dma_start3A_376 = tpu.memref_slice %arg13[%run_scoped3A_226, %dma_start3A_374, %dma_start3A_375] : memref<3x128x64xbf16, #tpu.memory_space<vmem>> -> memref<1x128x64xbf16, #tpu.memory_space<vmem>>
      %dma_start3A_377 = tpu.memref_squeeze %dma_start3A_376 : memref<1x128x64xbf16, #tpu.memory_space<vmem>> -> memref<128x64xbf16, #tpu.memory_space<vmem>>
      %dma_start3A_378 = arith.constant 0 : i32
      %dma_start3A_379 = tpu.memref_slice %arg18[%add3A_202, %dma_start3A_378] : memref<10240x64xbf16, #tpu.memory_space<vmem_shared>> -> memref<128x64xbf16, #tpu.memory_space<vmem_shared>>
      tpu.enqueue_dma source(%dma_start3A_379 : memref<128x64xbf16, #tpu.memory_space<vmem_shared>>) target(%dma_start3A_377 : memref<128x64xbf16, #tpu.memory_space<vmem>>) target_semaphore(%run_scoped3A_367 : memref<!tpu.dma_semaphore, #tpu.memory_space<semaphore_mem>>)
      %dma_wait3A_380 = arith.constant 0 : i32
      %dma_wait3A_381 = arith.constant 0 : i32
      %dma_wait3A_382 = tpu.memref_slice %arg13[%run_scoped3A_226, %dma_wait3A_380, %dma_wait3A_381] : memref<3x128x64xbf16, #tpu.memory_space<vmem>> -> memref<1x128x64xbf16, #tpu.memory_space<vmem>>
      %dma_wait3A_383 = tpu.memref_squeeze %dma_wait3A_382 : memref<1x128x64xbf16, #tpu.memory_space<vmem>> -> memref<128x64xbf16, #tpu.memory_space<vmem>>
      %dma_wait3A_384 = arith.constant 0 : i32
      %dma_wait3A_385 = tpu.memref_slice %arg18[%add3A_202, %dma_wait3A_384] : memref<10240x64xbf16, #tpu.memory_space<vmem_shared>> -> memref<128x64xbf16, #tpu.memory_space<vmem_shared>>
      %dma_wait3A_386 = arith.constant 0 : i32
      %dma_wait3A_387 = arith.constant 0 : i32
      %dma_wait3A_388 = tpu.memref_slice %arg13[%run_scoped3A_226, %dma_wait3A_386, %dma_wait3A_387] : memref<3x128x64xbf16, #tpu.memory_space<vmem>> -> memref<1x128x64xbf16, #tpu.memory_space<vmem>>
      %dma_wait3A_389 = tpu.memref_squeeze %dma_wait3A_388 : memref<1x128x64xbf16, #tpu.memory_space<vmem>> -> memref<128x64xbf16, #tpu.memory_space<vmem>>
      %dma_wait3A_390 = arith.constant 0 : i32
      %dma_wait3A_391 = tpu.memref_slice %arg18[%add3A_202, %dma_wait3A_390] : memref<10240x64xbf16, #tpu.memory_space<vmem_shared>> -> memref<128x64xbf16, #tpu.memory_space<vmem_shared>>
      tpu.wait_dma2 semaphore(%run_scoped3A_367 : memref<!tpu.dma_semaphore, #tpu.memory_space<semaphore_mem>>) src(%dma_wait3A_391 : memref<128x64xbf16, #tpu.memory_space<vmem_shared>>) dst(%dma_wait3A_389 : memref<128x64xbf16, #tpu.memory_space<vmem>>)
      tpu.yield
    }) : () -> ()
    %dma_start3A_227 = arith.constant 0 : i32
    %dma_start3A_228 = arith.constant 0 : i32
    %dma_start3A_229 = arith.constant 0 : i32
    %dma_start3A_230 = tpu.memref_slice %arg13[%dma_start3A_227, %dma_start3A_228, %dma_start3A_229] : memref<3x128x64xbf16, #tpu.memory_space<vmem>> -> memref<1x128x64xbf16, #tpu.memory_space<vmem>>
    %dma_start3A_231 = tpu.memref_squeeze %dma_start3A_230 : memref<1x128x64xbf16, #tpu.memory_space<vmem>> -> memref<128x64xbf16, #tpu.memory_space<vmem>>
    %dma_start3A_232 = arith.constant 0 : i32
    %dma_start3A_233 = arith.constant 0 : i32
    %dma_start3A_234 = tpu.memref_slice %arg9[%arg0, %dma_start3A_232, %dma_start3A_233] : memref<2x10240x64xbf16, #tpu.memory_space<hbm>> -> memref<1x10240x64xbf16, #tpu.memory_space<hbm>>
    %dma_start3A_235 = tpu.memref_squeeze %dma_start3A_234 : memref<1x10240x64xbf16, #tpu.memory_space<hbm>> -> memref<10240x64xbf16, #tpu.memory_space<hbm>>
    %dma_start3A_236 = arith.constant 0 : i32
    %dma_start3A_237 = tpu.memref_slice %dma_start3A_235[%add3A_202, %dma_start3A_236] : memref<10240x64xbf16, #tpu.memory_space<hbm>> -> memref<128x64xbf16, #tpu.memory_space<hbm>>
    %dma_start3A_238 = arith.constant 0 : i32
    %dma_start3A_239 = arith.constant 0 : i32
    %dma_start3A_240 = tpu.memref_slice %arg9[%arg0, %dma_start3A_238, %dma_start3A_239] : memref<2x10240x64xbf16, #tpu.memory_space<hbm>> -> memref<1x10240x64xbf16, #tpu.memory_space<hbm>>
    %dma_start3A_241 = tpu.memref_squeeze %dma_start3A_240 : memref<1x10240x64xbf16, #tpu.memory_space<hbm>> -> memref<10240x64xbf16, #tpu.memory_space<hbm>>
    %dma_start3A_242 = arith.constant 0 : i32
    %dma_start3A_243 = tpu.memref_slice %dma_start3A_241[%add3A_202, %dma_start3A_242] : memref<10240x64xbf16, #tpu.memory_space<hbm>> -> memref<128x64xbf16, #tpu.memory_space<hbm>>
    %dma_start3A_244 = arith.constant 0 : i32
    %dma_start3A_245 = arith.constant 0 : i32
    %dma_start3A_246 = tpu.memref_slice %arg13[%dma_start3A_227, %dma_start3A_244, %dma_start3A_245] : memref<3x128x64xbf16, #tpu.memory_space<vmem>> -> memref<1x128x64xbf16, #tpu.memory_space<vmem>>
    %dma_start3A_247 = tpu.memref_squeeze %dma_start3A_246 : memref<1x128x64xbf16, #tpu.memory_space<vmem>> -> memref<128x64xbf16, #tpu.memory_space<vmem>>
    tpu.enqueue_dma source(%dma_start3A_247 : memref<128x64xbf16, #tpu.memory_space<vmem>>) target(%dma_start3A_243 : memref<128x64xbf16, #tpu.memory_space<hbm>>) target_semaphore(%arg21 : memref<!tpu.dma_semaphore, #tpu.memory_space<semaphore_mem>>)
    %add3A_248 = arith.constant 512 : i32
    %add3A_249 = arith.addi %mul3A_9, %add3A_248 : i32
    %add3A_250 = arith.constant 128 : i32
    %add3A_251 = arith.addi %mul3A_9, %add3A_250 : i32
    %dma_wait3A_252 = arith.constant 1 : i32
    %dma_wait3A_253 = arith.constant 0 : i32
    %dma_wait3A_254 = arith.constant 0 : i32
    %dma_wait3A_255 = tpu.memref_slice %arg13[%dma_wait3A_252, %dma_wait3A_253, %dma_wait3A_254] : memref<3x128x64xbf16, #tpu.memory_space<vmem>> -> memref<1x128x64xbf16, #tpu.memory_space<vmem>>
    %dma_wait3A_256 = tpu.memref_squeeze %dma_wait3A_255 : memref<1x128x64xbf16, #tpu.memory_space<vmem>> -> memref<128x64xbf16, #tpu.memory_space<vmem>>
    %dma_wait3A_257 = arith.constant 0 : i32
    %dma_wait3A_258 = arith.constant 0 : i32
    %dma_wait3A_259 = tpu.memref_slice %arg9[%arg0, %dma_wait3A_257, %dma_wait3A_258] : memref<2x10240x64xbf16, #tpu.memory_space<hbm>> -> memref<1x10240x64xbf16, #tpu.memory_space<hbm>>
    %dma_wait3A_260 = tpu.memref_squeeze %dma_wait3A_259 : memref<1x10240x64xbf16, #tpu.memory_space<hbm>> -> memref<10240x64xbf16, #tpu.memory_space<hbm>>
    %dma_wait3A_261 = arith.constant 0 : i32
    %dma_wait3A_262 = tpu.memref_slice %dma_wait3A_260[%add3A_251, %dma_wait3A_261] : memref<10240x64xbf16, #tpu.memory_space<hbm>> -> memref<128x64xbf16, #tpu.memory_space<hbm>>
    %dma_wait3A_263 = arith.constant 0 : i32
    %dma_wait3A_264 = arith.constant 0 : i32
    %dma_wait3A_265 = tpu.memref_slice %arg9[%arg0, %dma_wait3A_263, %dma_wait3A_264] : memref<2x10240x64xbf16, #tpu.memory_space<hbm>> -> memref<1x10240x64xbf16, #tpu.memory_space<hbm>>
    %dma_wait3A_266 = tpu.memref_squeeze %dma_wait3A_265 : memref<1x10240x64xbf16, #tpu.memory_space<hbm>> -> memref<10240x64xbf16, #tpu.memory_space<hbm>>
    %dma_wait3A_267 = arith.constant 0 : i32
    %dma_wait3A_268 = tpu.memref_slice %dma_wait3A_266[%add3A_251, %dma_wait3A_267] : memref<10240x64xbf16, #tpu.memory_space<hbm>> -> memref<128x64xbf16, #tpu.memory_space<hbm>>
    %dma_wait3A_269 = arith.constant 0 : i32
    %dma_wait3A_270 = arith.constant 0 : i32
    %dma_wait3A_271 = tpu.memref_slice %arg13[%dma_wait3A_252, %dma_wait3A_269, %dma_wait3A_270] : memref<3x128x64xbf16, #tpu.memory_space<vmem>> -> memref<1x128x64xbf16, #tpu.memory_space<vmem>>
    %dma_wait3A_272 = tpu.memref_squeeze %dma_wait3A_271 : memref<1x128x64xbf16, #tpu.memory_space<vmem>> -> memref<128x64xbf16, #tpu.memory_space<vmem>>
    tpu.wait_dma2 semaphore(%arg21 : memref<!tpu.dma_semaphore, #tpu.memory_space<semaphore_mem>>) src(%dma_wait3A_272 : memref<128x64xbf16, #tpu.memory_space<vmem>>) dst(%dma_wait3A_268 : memref<128x64xbf16, #tpu.memory_space<hbm>>)
    %run_scoped3A_273 = arith.constant 1 : i32
    "tpu.region"() ({
      %run_scoped3A_367 = tpu.sem_alloc : memref<!tpu.dma_semaphore, #tpu.memory_space<semaphore_mem>>
      %dma_start3A_368 = arith.constant 0 : i32
      %dma_start3A_369 = arith.constant 0 : i32
      %dma_start3A_370 = tpu.memref_slice %arg13[%run_scoped3A_273, %dma_start3A_368, %dma_start3A_369] : memref<3x128x64xbf16, #tpu.memory_space<vmem>> -> memref<1x128x64xbf16, #tpu.memory_space<vmem>>
      %dma_start3A_371 = tpu.memref_squeeze %dma_start3A_370 : memref<1x128x64xbf16, #tpu.memory_space<vmem>> -> memref<128x64xbf16, #tpu.memory_space<vmem>>
      %dma_start3A_372 = arith.constant 0 : i32
      %dma_start3A_373 = tpu.memref_slice %arg18[%add3A_249, %dma_start3A_372] : memref<10240x64xbf16, #tpu.memory_space<vmem_shared>> -> memref<128x64xbf16, #tpu.memory_space<vmem_shared>>
      %dma_start3A_374 = arith.constant 0 : i32
      %dma_start3A_375 = arith.constant 0 : i32
      %dma_start3A_376 = tpu.memref_slice %arg13[%run_scoped3A_273, %dma_start3A_374, %dma_start3A_375] : memref<3x128x64xbf16, #tpu.memory_space<vmem>> -> memref<1x128x64xbf16, #tpu.memory_space<vmem>>
      %dma_start3A_377 = tpu.memref_squeeze %dma_start3A_376 : memref<1x128x64xbf16, #tpu.memory_space<vmem>> -> memref<128x64xbf16, #tpu.memory_space<vmem>>
      %dma_start3A_378 = arith.constant 0 : i32
      %dma_start3A_379 = tpu.memref_slice %arg18[%add3A_249, %dma_start3A_378] : memref<10240x64xbf16, #tpu.memory_space<vmem_shared>> -> memref<128x64xbf16, #tpu.memory_space<vmem_shared>>
      tpu.enqueue_dma source(%dma_start3A_379 : memref<128x64xbf16, #tpu.memory_space<vmem_shared>>) target(%dma_start3A_377 : memref<128x64xbf16, #tpu.memory_space<vmem>>) target_semaphore(%run_scoped3A_367 : memref<!tpu.dma_semaphore, #tpu.memory_space<semaphore_mem>>)
      %dma_wait3A_380 = arith.constant 0 : i32
      %dma_wait3A_381 = arith.constant 0 : i32
      %dma_wait3A_382 = tpu.memref_slice %arg13[%run_scoped3A_273, %dma_wait3A_380, %dma_wait3A_381] : memref<3x128x64xbf16, #tpu.memory_space<vmem>> -> memref<1x128x64xbf16, #tpu.memory_space<vmem>>
      %dma_wait3A_383 = tpu.memref_squeeze %dma_wait3A_382 : memref<1x128x64xbf16, #tpu.memory_space<vmem>> -> memref<128x64xbf16, #tpu.memory_space<vmem>>
      %dma_wait3A_384 = arith.constant 0 : i32
      %dma_wait3A_385 = tpu.memref_slice %arg18[%add3A_249, %dma_wait3A_384] : memref<10240x64xbf16, #tpu.memory_space<vmem_shared>> -> memref<128x64xbf16, #tpu.memory_space<vmem_shared>>
      %dma_wait3A_386 = arith.constant 0 : i32
      %dma_wait3A_387 = arith.constant 0 : i32
      %dma_wait3A_388 = tpu.memref_slice %arg13[%run_scoped3A_273, %dma_wait3A_386, %dma_wait3A_387] : memref<3x128x64xbf16, #tpu.memory_space<vmem>> -> memref<1x128x64xbf16, #tpu.memory_space<vmem>>
      %dma_wait3A_389 = tpu.memref_squeeze %dma_wait3A_388 : memref<1x128x64xbf16, #tpu.memory_space<vmem>> -> memref<128x64xbf16, #tpu.memory_space<vmem>>
      %dma_wait3A_390 = arith.constant 0 : i32
      %dma_wait3A_391 = tpu.memref_slice %arg18[%add3A_249, %dma_wait3A_390] : memref<10240x64xbf16, #tpu.memory_space<vmem_shared>> -> memref<128x64xbf16, #tpu.memory_space<vmem_shared>>
      tpu.wait_dma2 semaphore(%run_scoped3A_367 : memref<!tpu.dma_semaphore, #tpu.memory_space<semaphore_mem>>) src(%dma_wait3A_391 : memref<128x64xbf16, #tpu.memory_space<vmem_shared>>) dst(%dma_wait3A_389 : memref<128x64xbf16, #tpu.memory_space<vmem>>)
      tpu.yield
    }) : () -> ()
    %dma_start3A_274 = arith.constant 1 : i32
    %dma_start3A_275 = arith.constant 0 : i32
    %dma_start3A_276 = arith.constant 0 : i32
    %dma_start3A_277 = tpu.memref_slice %arg13[%dma_start3A_274, %dma_start3A_275, %dma_start3A_276] : memref<3x128x64xbf16, #tpu.memory_space<vmem>> -> memref<1x128x64xbf16, #tpu.memory_space<vmem>>
    %dma_start3A_278 = tpu.memref_squeeze %dma_start3A_277 : memref<1x128x64xbf16, #tpu.memory_space<vmem>> -> memref<128x64xbf16, #tpu.memory_space<vmem>>
    %dma_start3A_279 = arith.constant 0 : i32
    %dma_start3A_280 = arith.constant 0 : i32
    %dma_start3A_281 = tpu.memref_slice %arg9[%arg0, %dma_start3A_279, %dma_start3A_280] : memref<2x10240x64xbf16, #tpu.memory_space<hbm>> -> memref<1x10240x64xbf16, #tpu.memory_space<hbm>>
    %dma_start3A_282 = tpu.memref_squeeze %dma_start3A_281 : memref<1x10240x64xbf16, #tpu.memory_space<hbm>> -> memref<10240x64xbf16, #tpu.memory_space<hbm>>
    %dma_start3A_283 = arith.constant 0 : i32
    %dma_start3A_284 = tpu.memref_slice %dma_start3A_282[%add3A_249, %dma_start3A_283] : memref<10240x64xbf16, #tpu.memory_space<hbm>> -> memref<128x64xbf16, #tpu.memory_space<hbm>>
    %dma_start3A_285 = arith.constant 0 : i32
    %dma_start3A_286 = arith.constant 0 : i32
    %dma_start3A_287 = tpu.memref_slice %arg9[%arg0, %dma_start3A_285, %dma_start3A_286] : memref<2x10240x64xbf16, #tpu.memory_space<hbm>> -> memref<1x10240x64xbf16, #tpu.memory_space<hbm>>
    %dma_start3A_288 = tpu.memref_squeeze %dma_start3A_287 : memref<1x10240x64xbf16, #tpu.memory_space<hbm>> -> memref<10240x64xbf16, #tpu.memory_space<hbm>>
    %dma_start3A_289 = arith.constant 0 : i32
    %dma_start3A_290 = tpu.memref_slice %dma_start3A_288[%add3A_249, %dma_start3A_289] : memref<10240x64xbf16, #tpu.memory_space<hbm>> -> memref<128x64xbf16, #tpu.memory_space<hbm>>
    %dma_start3A_291 = arith.constant 0 : i32
    %dma_start3A_292 = arith.constant 0 : i32
    %dma_start3A_293 = tpu.memref_slice %arg13[%dma_start3A_274, %dma_start3A_291, %dma_start3A_292] : memref<3x128x64xbf16, #tpu.memory_space<vmem>> -> memref<1x128x64xbf16, #tpu.memory_space<vmem>>
    %dma_start3A_294 = tpu.memref_squeeze %dma_start3A_293 : memref<1x128x64xbf16, #tpu.memory_space<vmem>> -> memref<128x64xbf16, #tpu.memory_space<vmem>>
    tpu.enqueue_dma source(%dma_start3A_294 : memref<128x64xbf16, #tpu.memory_space<vmem>>) target(%dma_start3A_290 : memref<128x64xbf16, #tpu.memory_space<hbm>>) target_semaphore(%arg21 : memref<!tpu.dma_semaphore, #tpu.memory_space<semaphore_mem>>)
    %add3A_295 = arith.constant 256 : i32
    %add3A_296 = arith.addi %mul3A_9, %add3A_295 : i32
    %dma_wait3A_297 = arith.constant 2 : i32
    %dma_wait3A_298 = arith.constant 0 : i32
    %dma_wait3A_299 = arith.constant 0 : i32
    %dma_wait3A_300 = tpu.memref_slice %arg13[%dma_wait3A_297, %dma_wait3A_298, %dma_wait3A_299] : memref<3x128x64xbf16, #tpu.memory_space<vmem>> -> memref<1x128x64xbf16, #tpu.memory_space<vmem>>
    %dma_wait3A_301 = tpu.memref_squeeze %dma_wait3A_300 : memref<1x128x64xbf16, #tpu.memory_space<vmem>> -> memref<128x64xbf16, #tpu.memory_space<vmem>>
    %dma_wait3A_302 = arith.constant 0 : i32
    %dma_wait3A_303 = arith.constant 0 : i32
    %dma_wait3A_304 = tpu.memref_slice %arg9[%arg0, %dma_wait3A_302, %dma_wait3A_303] : memref<2x10240x64xbf16, #tpu.memory_space<hbm>> -> memref<1x10240x64xbf16, #tpu.memory_space<hbm>>
    %dma_wait3A_305 = tpu.memref_squeeze %dma_wait3A_304 : memref<1x10240x64xbf16, #tpu.memory_space<hbm>> -> memref<10240x64xbf16, #tpu.memory_space<hbm>>
    %dma_wait3A_306 = arith.constant 0 : i32
    %dma_wait3A_307 = tpu.memref_slice %dma_wait3A_305[%add3A_296, %dma_wait3A_306] : memref<10240x64xbf16, #tpu.memory_space<hbm>> -> memref<128x64xbf16, #tpu.memory_space<hbm>>
    %dma_wait3A_308 = arith.constant 0 : i32
    %dma_wait3A_309 = arith.constant 0 : i32
    %dma_wait3A_310 = tpu.memref_slice %arg9[%arg0, %dma_wait3A_308, %dma_wait3A_309] : memref<2x10240x64xbf16, #tpu.memory_space<hbm>> -> memref<1x10240x64xbf16, #tpu.memory_space<hbm>>
    %dma_wait3A_311 = tpu.memref_squeeze %dma_wait3A_310 : memref<1x10240x64xbf16, #tpu.memory_space<hbm>> -> memref<10240x64xbf16, #tpu.memory_space<hbm>>
    %dma_wait3A_312 = arith.constant 0 : i32
    %dma_wait3A_313 = tpu.memref_slice %dma_wait3A_311[%add3A_296, %dma_wait3A_312] : memref<10240x64xbf16, #tpu.memory_space<hbm>> -> memref<128x64xbf16, #tpu.memory_space<hbm>>
    %dma_wait3A_314 = arith.constant 0 : i32
    %dma_wait3A_315 = arith.constant 0 : i32
    %dma_wait3A_316 = tpu.memref_slice %arg13[%dma_wait3A_297, %dma_wait3A_314, %dma_wait3A_315] : memref<3x128x64xbf16, #tpu.memory_space<vmem>> -> memref<1x128x64xbf16, #tpu.memory_space<vmem>>
    %dma_wait3A_317 = tpu.memref_squeeze %dma_wait3A_316 : memref<1x128x64xbf16, #tpu.memory_space<vmem>> -> memref<128x64xbf16, #tpu.memory_space<vmem>>
    tpu.wait_dma2 semaphore(%arg21 : memref<!tpu.dma_semaphore, #tpu.memory_space<semaphore_mem>>) src(%dma_wait3A_317 : memref<128x64xbf16, #tpu.memory_space<vmem>>) dst(%dma_wait3A_313 : memref<128x64xbf16, #tpu.memory_space<hbm>>)
    %add3A_318 = arith.constant 384 : i32
    %add3A_319 = arith.addi %mul3A_9, %add3A_318 : i32
    %dma_wait3A_320 = arith.constant 0 : i32
    %dma_wait3A_321 = arith.constant 0 : i32
    %dma_wait3A_322 = arith.constant 0 : i32
    %dma_wait3A_323 = tpu.memref_slice %arg13[%dma_wait3A_320, %dma_wait3A_321, %dma_wait3A_322] : memref<3x128x64xbf16, #tpu.memory_space<vmem>> -> memref<1x128x64xbf16, #tpu.memory_space<vmem>>
    %dma_wait3A_324 = tpu.memref_squeeze %dma_wait3A_323 : memref<1x128x64xbf16, #tpu.memory_space<vmem>> -> memref<128x64xbf16, #tpu.memory_space<vmem>>
    %dma_wait3A_325 = arith.constant 0 : i32
    %dma_wait3A_326 = arith.constant 0 : i32
    %dma_wait3A_327 = tpu.memref_slice %arg9[%arg0, %dma_wait3A_325, %dma_wait3A_326] : memref<2x10240x64xbf16, #tpu.memory_space<hbm>> -> memref<1x10240x64xbf16, #tpu.memory_space<hbm>>
    %dma_wait3A_328 = tpu.memref_squeeze %dma_wait3A_327 : memref<1x10240x64xbf16, #tpu.memory_space<hbm>> -> memref<10240x64xbf16, #tpu.memory_space<hbm>>
    %dma_wait3A_329 = arith.constant 0 : i32
    %dma_wait3A_330 = tpu.memref_slice %dma_wait3A_328[%add3A_319, %dma_wait3A_329] : memref<10240x64xbf16, #tpu.memory_space<hbm>> -> memref<128x64xbf16, #tpu.memory_space<hbm>>
    %dma_wait3A_331 = arith.constant 0 : i32
    %dma_wait3A_332 = arith.constant 0 : i32
    %dma_wait3A_333 = tpu.memref_slice %arg9[%arg0, %dma_wait3A_331, %dma_wait3A_332] : memref<2x10240x64xbf16, #tpu.memory_space<hbm>> -> memref<1x10240x64xbf16, #tpu.memory_space<hbm>>
    %dma_wait3A_334 = tpu.memref_squeeze %dma_wait3A_333 : memref<1x10240x64xbf16, #tpu.memory_space<hbm>> -> memref<10240x64xbf16, #tpu.memory_space<hbm>>
    %dma_wait3A_335 = arith.constant 0 : i32
    %dma_wait3A_336 = tpu.memref_slice %dma_wait3A_334[%add3A_319, %dma_wait3A_335] : memref<10240x64xbf16, #tpu.memory_space<hbm>> -> memref<128x64xbf16, #tpu.memory_space<hbm>>
    %dma_wait3A_337 = arith.constant 0 : i32
    %dma_wait3A_338 = arith.constant 0 : i32
    %dma_wait3A_339 = tpu.memref_slice %arg13[%dma_wait3A_320, %dma_wait3A_337, %dma_wait3A_338] : memref<3x128x64xbf16, #tpu.memory_space<vmem>> -> memref<1x128x64xbf16, #tpu.memory_space<vmem>>
    %dma_wait3A_340 = tpu.memref_squeeze %dma_wait3A_339 : memref<1x128x64xbf16, #tpu.memory_space<vmem>> -> memref<128x64xbf16, #tpu.memory_space<vmem>>
    tpu.wait_dma2 semaphore(%arg21 : memref<!tpu.dma_semaphore, #tpu.memory_space<semaphore_mem>>) src(%dma_wait3A_340 : memref<128x64xbf16, #tpu.memory_space<vmem>>) dst(%dma_wait3A_336 : memref<128x64xbf16, #tpu.memory_space<hbm>>)
    %add3A_341 = arith.constant 512 : i32
    %add3A_342 = arith.addi %mul3A_9, %add3A_341 : i32
    %dma_wait3A_343 = arith.constant 1 : i32
    %dma_wait3A_344 = arith.constant 0 : i32
    %dma_wait3A_345 = arith.constant 0 : i32
    %dma_wait3A_346 = tpu.memref_slice %arg13[%dma_wait3A_343, %dma_wait3A_344, %dma_wait3A_345] : memref<3x128x64xbf16, #tpu.memory_space<vmem>> -> memref<1x128x64xbf16, #tpu.memory_space<vmem>>
    %dma_wait3A_347 = tpu.memref_squeeze %dma_wait3A_346 : memref<1x128x64xbf16, #tpu.memory_space<vmem>> -> memref<128x64xbf16, #tpu.memory_space<vmem>>
    %dma_wait3A_348 = arith.constant 0 : i32
    %dma_wait3A_349 = arith.constant 0 : i32
    %dma_wait3A_350 = tpu.memref_slice %arg9[%arg0, %dma_wait3A_348, %dma_wait3A_349] : memref<2x10240x64xbf16, #tpu.memory_space<hbm>> -> memref<1x10240x64xbf16, #tpu.memory_space<hbm>>
    %dma_wait3A_351 = tpu.memref_squeeze %dma_wait3A_350 : memref<1x10240x64xbf16, #tpu.memory_space<hbm>> -> memref<10240x64xbf16, #tpu.memory_space<hbm>>
    %dma_wait3A_352 = arith.constant 0 : i32
    %dma_wait3A_353 = tpu.memref_slice %dma_wait3A_351[%add3A_342, %dma_wait3A_352] : memref<10240x64xbf16, #tpu.memory_space<hbm>> -> memref<128x64xbf16, #tpu.memory_space<hbm>>
    %dma_wait3A_354 = arith.constant 0 : i32
    %dma_wait3A_355 = arith.constant 0 : i32
    %dma_wait3A_356 = tpu.memref_slice %arg9[%arg0, %dma_wait3A_354, %dma_wait3A_355] : memref<2x10240x64xbf16, #tpu.memory_space<hbm>> -> memref<1x10240x64xbf16, #tpu.memory_space<hbm>>
    %dma_wait3A_357 = tpu.memref_squeeze %dma_wait3A_356 : memref<1x10240x64xbf16, #tpu.memory_space<hbm>> -> memref<10240x64xbf16, #tpu.memory_space<hbm>>
    %dma_wait3A_358 = arith.constant 0 : i32
    %dma_wait3A_359 = tpu.memref_slice %dma_wait3A_357[%add3A_342, %dma_wait3A_358] : memref<10240x64xbf16, #tpu.memory_space<hbm>> -> memref<128x64xbf16, #tpu.memory_space<hbm>>
    %dma_wait3A_360 = arith.constant 0 : i32
    %dma_wait3A_361 = arith.constant 0 : i32
    %dma_wait3A_362 = tpu.memref_slice %arg13[%dma_wait3A_343, %dma_wait3A_360, %dma_wait3A_361] : memref<3x128x64xbf16, #tpu.memory_space<vmem>> -> memref<1x128x64xbf16, #tpu.memory_space<vmem>>
    %dma_wait3A_363 = tpu.memref_squeeze %dma_wait3A_362 : memref<1x128x64xbf16, #tpu.memory_space<vmem>> -> memref<128x64xbf16, #tpu.memory_space<vmem>>
    tpu.wait_dma2 semaphore(%arg21 : memref<!tpu.dma_semaphore, #tpu.memory_space<semaphore_mem>>) src(%dma_wait3A_363 : memref<128x64xbf16, #tpu.memory_space<vmem>>) dst(%dma_wait3A_359 : memref<128x64xbf16, #tpu.memory_space<hbm>>)
    %convert_element_type3A_364 = arith.extui %eq3A_8 : i1 to i32
    %cond3A_365 = arith.constant 0 : i32
    %cond3A_366 = arith.cmpi ne, %convert_element_type3A_364, %cond3A_365 : i32
    scf.if %cond3A_366 {
      "tpu.region"() ({
        %run_scoped3A_367 = tpu.sem_alloc : memref<!tpu.dma_semaphore, #tpu.memory_space<semaphore_mem>>
        %dma_start3A_368 = arith.constant 0 : i32
        %dma_start3A_369 = tpu.memref_slice %arg19[%mul3A_9, %dma_start3A_368] : memref<10240x8xf32, #tpu.memory_space<vmem_shared>> -> memref<640x8xf32, #tpu.memory_space<vmem_shared>>
        %dma_start3A_370 = arith.constant 0 : i32
        %dma_start3A_371 = tpu.memref_slice %arg19[%mul3A_9, %dma_start3A_370] : memref<10240x8xf32, #tpu.memory_space<vmem_shared>> -> memref<640x8xf32, #tpu.memory_space<vmem_shared>>
        tpu.enqueue_dma source(%dma_start3A_371 : memref<640x8xf32, #tpu.memory_space<vmem_shared>>) target(%arg16 : memref<640x8xf32, #tpu.memory_space<vmem>>) target_semaphore(%run_scoped3A_367 : memref<!tpu.dma_semaphore, #tpu.memory_space<semaphore_mem>>)
        %dma_wait3A_372 = arith.constant 0 : i32
        %dma_wait3A_373 = tpu.memref_slice %arg19[%mul3A_9, %dma_wait3A_372] : memref<10240x8xf32, #tpu.memory_space<vmem_shared>> -> memref<640x8xf32, #tpu.memory_space<vmem_shared>>
        %dma_wait3A_374 = arith.constant 0 : i32
        %dma_wait3A_375 = tpu.memref_slice %arg19[%mul3A_9, %dma_wait3A_374] : memref<10240x8xf32, #tpu.memory_space<vmem_shared>> -> memref<640x8xf32, #tpu.memory_space<vmem_shared>>
        tpu.wait_dma2 semaphore(%run_scoped3A_367 : memref<!tpu.dma_semaphore, #tpu.memory_space<semaphore_mem>>) src(%dma_wait3A_375 : memref<640x8xf32, #tpu.memory_space<vmem_shared>>) dst(%arg16 : memref<640x8xf32, #tpu.memory_space<vmem>>)
        tpu.yield
      }) : () -> ()
      "tpu.region"() ({
        %run_scoped3A_367 = tpu.sem_alloc : memref<!tpu.dma_semaphore, #tpu.memory_space<semaphore_mem>>
        %dma_start3A_368 = arith.constant 0 : i32
        %dma_start3A_369 = arith.constant 0 : i32
        %dma_start3A_370 = tpu.memref_slice %arg10[%arg0, %dma_start3A_368, %dma_start3A_369] : memref<2x10240x8xf32, #tpu.memory_space<hbm>> -> memref<1x10240x8xf32, #tpu.memory_space<hbm>>
        %dma_start3A_371 = tpu.memref_squeeze %dma_start3A_370 : memref<1x10240x8xf32, #tpu.memory_space<hbm>> -> memref<10240x8xf32, #tpu.memory_space<hbm>>
        %dma_start3A_372 = arith.constant 0 : i32
        %dma_start3A_373 = tpu.memref_slice %dma_start3A_371[%mul3A_9, %dma_start3A_372] : memref<10240x8xf32, #tpu.memory_space<hbm>> -> memref<640x8xf32, #tpu.memory_space<hbm>>
        %dma_start3A_374 = arith.constant 0 : i32
        %dma_start3A_375 = arith.constant 0 : i32
        %dma_start3A_376 = tpu.memref_slice %arg10[%arg0, %dma_start3A_374, %dma_start3A_375] : memref<2x10240x8xf32, #tpu.memory_space<hbm>> -> memref<1x10240x8xf32, #tpu.memory_space<hbm>>
        %dma_start3A_377 = tpu.memref_squeeze %dma_start3A_376 : memref<1x10240x8xf32, #tpu.memory_space<hbm>> -> memref<10240x8xf32, #tpu.memory_space<hbm>>
        %dma_start3A_378 = arith.constant 0 : i32
        %dma_start3A_379 = tpu.memref_slice %dma_start3A_377[%mul3A_9, %dma_start3A_378] : memref<10240x8xf32, #tpu.memory_space<hbm>> -> memref<640x8xf32, #tpu.memory_space<hbm>>
        tpu.enqueue_dma source(%arg16 : memref<640x8xf32, #tpu.memory_space<vmem>>) target(%dma_start3A_379 : memref<640x8xf32, #tpu.memory_space<hbm>>) target_semaphore(%run_scoped3A_367 : memref<!tpu.dma_semaphore, #tpu.memory_space<semaphore_mem>>)
        %dma_wait3A_380 = arith.constant 0 : i32
        %dma_wait3A_381 = arith.constant 0 : i32
        %dma_wait3A_382 = tpu.memref_slice %arg10[%arg0, %dma_wait3A_380, %dma_wait3A_381] : memref<2x10240x8xf32, #tpu.memory_space<hbm>> -> memref<1x10240x8xf32, #tpu.memory_space<hbm>>
        %dma_wait3A_383 = tpu.memref_squeeze %dma_wait3A_382 : memref<1x10240x8xf32, #tpu.memory_space<hbm>> -> memref<10240x8xf32, #tpu.memory_space<hbm>>
        %dma_wait3A_384 = arith.constant 0 : i32
        %dma_wait3A_385 = tpu.memref_slice %dma_wait3A_383[%mul3A_9, %dma_wait3A_384] : memref<10240x8xf32, #tpu.memory_space<hbm>> -> memref<640x8xf32, #tpu.memory_space<hbm>>
        %dma_wait3A_386 = arith.constant 0 : i32
        %dma_wait3A_387 = arith.constant 0 : i32
        %dma_wait3A_388 = tpu.memref_slice %arg10[%arg0, %dma_wait3A_386, %dma_wait3A_387] : memref<2x10240x8xf32, #tpu.memory_space<hbm>> -> memref<1x10240x8xf32, #tpu.memory_space<hbm>>
        %dma_wait3A_389 = tpu.memref_squeeze %dma_wait3A_388 : memref<1x10240x8xf32, #tpu.memory_space<hbm>> -> memref<10240x8xf32, #tpu.memory_space<hbm>>
        %dma_wait3A_390 = arith.constant 0 : i32
        %dma_wait3A_391 = tpu.memref_slice %dma_wait3A_389[%mul3A_9, %dma_wait3A_390] : memref<10240x8xf32, #tpu.memory_space<hbm>> -> memref<640x8xf32, #tpu.memory_space<hbm>>
        tpu.wait_dma2 semaphore(%run_scoped3A_367 : memref<!tpu.dma_semaphore, #tpu.memory_space<semaphore_mem>>) src(%arg16 : memref<640x8xf32, #tpu.memory_space<vmem>>) dst(%dma_wait3A_391 : memref<640x8xf32, #tpu.memory_space<hbm>>)
        tpu.yield
      }) : () -> ()
    } else {
    }
    return
  }
}

module attributes {stable_mosaic.version = 14 : i64} {
  func.func @_mm_h_body(%arg0: i32, %arg1: memref<1024x128xf32, #tpu.memory_space<vmem>>, %arg2: memref<128x128xf32, #tpu.memory_space<vmem>>, %arg3: memref<2x1024x64xbf16, #tpu.memory_space<vmem>>) attributes {dimension_semantics = [#tpu.dimension_semantics<arbitrary>], iteration_bounds = array<i64: 10>, scalar_prefetch = 0 : i64, scratch_operands = 0 : i64, tpu.core_type = #tpu.core_type<tc>, window_params = [{transform_indices = @transform_0, window_bounds = array<i64: 1024, 128>}, {pipeline_mode = #tpu.pipeline_mode<synchronous>, transform_indices = @transform_1, window_bounds = array<i64: 128, 128>}, {transform_indices = @transform_2, window_bounds = array<i64: 2, 1024, 64>}]} {
    %get3A = arith.constant 0 : index
    %get3A_0 = arith.constant 0 : index
    %get3A_1 = vector.load %arg1[%get3A, %get3A_0] : memref<1024x128xf32, #tpu.memory_space<vmem>>, vector<1024x128xf32>
    %get3A_2 = arith.constant 0 : index
    %get3A_3 = arith.constant 0 : index
    %get3A_4 = vector.load %arg2[%get3A_2, %get3A_3] : memref<128x128xf32, #tpu.memory_space<vmem>>, vector<128x128xf32>
    %dot_general3A = arith.constant dense<0.000000e+00> : vector<1024x128xf32>
    %dot_general3A_5 = tpu.matmul %get3A_1, %get3A_4, %dot_general3A {dimension_numbers = #tpu.dot_dimension_numbers<[1], [0], [0], [1], [0, 0, 1, 1], [], []>, transpose_lhs_hint = false} : vector<1024x128xf32>, vector<128x128xf32>, vector<1024x128xf32> -> vector<1024x128xf32>
    %slice3A = vector.extract_strided_slice %dot_general3A_5 {offsets = [0, 0], sizes = [1024, 64], strides = [1, 1]} : vector<1024x128xf32> to vector<1024x64xf32>
    %convert_element_type3A = arith.truncf %slice3A : vector<1024x64xf32> to vector<1024x64xbf16>
    %swap3A = arith.constant 0 : index
    %swap3A_6 = arith.constant 0 : index
    %swap3A_7 = arith.constant 0 : index
    %swap3A_8 = vector.load %arg3[%swap3A, %swap3A_6, %swap3A_7] : memref<2x1024x64xbf16, #tpu.memory_space<vmem>>, vector<1x1024x64xbf16>
    %swap3A_9 = vector.shape_cast %swap3A_8 : vector<1x1024x64xbf16> to vector<1024x64xbf16>
    %swap3A_10 = vector.shape_cast %convert_element_type3A : vector<1024x64xbf16> to vector<1x1024x64xbf16>
    tpu.vector_store %arg3[%swap3A, %swap3A_6, %swap3A_7], %swap3A_10 {strides = array<i32>} : memref<2x1024x64xbf16, #tpu.memory_space<vmem>>, vector<1x1024x64xbf16>,
    %slice3A_11 = vector.extract_strided_slice %dot_general3A_5 {offsets = [0, 64], sizes = [1024, 64], strides = [1, 1]} : vector<1024x128xf32> to vector<1024x64xf32>
    %convert_element_type3A_12 = arith.truncf %slice3A_11 : vector<1024x64xf32> to vector<1024x64xbf16>
    %swap3A_13 = arith.constant 1 : index
    %swap3A_14 = arith.constant 0 : index
    %swap3A_15 = arith.constant 0 : index
    %swap3A_16 = vector.load %arg3[%swap3A_13, %swap3A_14, %swap3A_15] : memref<2x1024x64xbf16, #tpu.memory_space<vmem>>, vector<1x1024x64xbf16>
    %swap3A_17 = vector.shape_cast %swap3A_16 : vector<1x1024x64xbf16> to vector<1024x64xbf16>
    %swap3A_18 = vector.shape_cast %convert_element_type3A_12 : vector<1024x64xbf16> to vector<1x1024x64xbf16>
    tpu.vector_store %arg3[%swap3A_13, %swap3A_14, %swap3A_15], %swap3A_18 {strides = array<i32>} : memref<2x1024x64xbf16, #tpu.memory_space<vmem>>, vector<1x1024x64xbf16>,
    return
  }
  func.func @transform_0(%arg0: i32) -> (i32, i32) {
    %c0_i32 = arith.constant 0 : i32
    %c0_i32_0 = arith.constant 0 : i32
    return %arg0, %c0_i32 : i32, i32
  }
  func.func @transform_1(%arg0: i32) -> (i32, i32) {
    %c0_i32 = arith.constant 0 : i32
    %c0_i32_0 = arith.constant 0 : i32
    %c0_i32_1 = arith.constant 0 : i32
    return %c0_i32, %c0_i32_0 : i32, i32
  }
  func.func @transform_2(%arg0: i32) -> (i32, i32, i32) {
    %c0_i32 = arith.constant 0 : i32
    %c0_i32_0 = arith.constant 0 : i32
    %c0_i32_1 = arith.constant 0 : i32
    return %c0_i32, %arg0, %c0_i32_0 : i32, i32, i32
  }
}

module attributes {stable_mosaic.version = 14 : i64} {
  func.func @_mm_xc_body(%arg0: i32, %arg1: memref<1024x128xf32, #tpu.memory_space<vmem>>, %arg2: memref<128x128xf32, #tpu.memory_space<vmem>>, %arg3: memref<1x128xf32, #tpu.memory_space<vmem>>, %arg4: memref<1024x128xf32, #tpu.memory_space<vmem>>) attributes {dimension_semantics = [#tpu.dimension_semantics<arbitrary>], iteration_bounds = array<i64: 10>, scalar_prefetch = 0 : i64, scratch_operands = 0 : i64, tpu.core_type = #tpu.core_type<tc>, window_params = [{transform_indices = @transform_0, window_bounds = array<i64: 1024, 128>}, {pipeline_mode = #tpu.pipeline_mode<synchronous>, transform_indices = @transform_1, window_bounds = array<i64: 128, 128>}, {pipeline_mode = #tpu.pipeline_mode<synchronous>, transform_indices = @transform_2, window_bounds = array<i64: 1, 128>}, {transform_indices = @transform_3, window_bounds = array<i64: 1024, 128>}]} {
    %get3A = arith.constant 0 : index
    %get3A_0 = arith.constant 0 : index
    %get3A_1 = vector.load %arg1[%get3A, %get3A_0] : memref<1024x128xf32, #tpu.memory_space<vmem>>, vector<1024x128xf32>
    %get3A_2 = arith.constant 0 : index
    %get3A_3 = arith.constant 0 : index
    %get3A_4 = vector.load %arg2[%get3A_2, %get3A_3] : memref<128x128xf32, #tpu.memory_space<vmem>>, vector<128x128xf32>
    %dot_general3A = arith.constant dense<0.000000e+00> : vector<1024x128xf32>
    %dot_general3A_5 = tpu.matmul %get3A_1, %get3A_4, %dot_general3A {dimension_numbers = #tpu.dot_dimension_numbers<[1], [1], [0], [0], [0, 0, 1, 0], [], []>, transpose_lhs_hint = false} : vector<1024x128xf32>, vector<128x128xf32>, vector<1024x128xf32> -> vector<1024x128xf32>
    %get3A_6 = arith.constant 0 : index
    %get3A_7 = arith.constant 0 : index
    %get3A_8 = vector.load %arg3[%get3A_6, %get3A_7] : memref<1x128xf32, #tpu.memory_space<vmem>>, vector<1x128xf32>
    %add3A = vector.broadcast %get3A_8 : vector<1x128xf32> to vector<1024x128xf32>
    %add3A_9 = arith.addf %dot_general3A_5, %add3A : vector<1024x128xf32>
    %swap3A = arith.constant 0 : index
    %swap3A_10 = arith.constant 0 : index
    %swap3A_11 = vector.load %arg4[%swap3A, %swap3A_10] : memref<1024x128xf32, #tpu.memory_space<vmem>>, vector<1024x128xf32>
    tpu.vector_store %arg4[%swap3A, %swap3A_10], %add3A_9 {strides = array<i32>} : memref<1024x128xf32, #tpu.memory_space<vmem>>, vector<1024x128xf32>,
    return
  }
  func.func @transform_0(%arg0: i32) -> (i32, i32) {
    %c0_i32 = arith.constant 0 : i32
    %c0_i32_0 = arith.constant 0 : i32
    return %arg0, %c0_i32 : i32, i32
  }
  func.func @transform_1(%arg0: i32) -> (i32, i32) {
    %c0_i32 = arith.constant 0 : i32
    %c0_i32_0 = arith.constant 0 : i32
    %c0_i32_1 = arith.constant 0 : i32
    return %c0_i32, %c0_i32_0 : i32, i32
  }
  func.func @transform_2(%arg0: i32) -> (i32, i32) {
    %c0_i32 = arith.constant 0 : i32
    %c0_i32_0 = arith.constant 0 : i32
    %c0_i32_1 = arith.constant 0 : i32
    return %c0_i32, %c0_i32_0 : i32, i32
  }
  func.func @transform_3(%arg0: i32) -> (i32, i32) {
    %c0_i32 = arith.constant 0 : i32
    %c0_i32_0 = arith.constant 0 : i32
    return %arg0, %c0_i32 : i32, i32
  }
}

module attributes {stable_mosaic.version = 14 : i64} {
  func.func @_comb_body(%arg0: i32, %arg1: memref<2x1024x64xbf16, #tpu.memory_space<vmem>>, %arg2: memref<2x1024x8xf32, #tpu.memory_space<vmem>>, %arg3: memref<2x1024x64xbf16, #tpu.memory_space<vmem>>, %arg4: memref<1024x128xf32, #tpu.memory_space<vmem>>, %arg5: memref<128x128xf32, #tpu.memory_space<vmem>>, %arg6: memref<2x1024x64xbf16, #tpu.memory_space<vmem>>, %arg7: memref<1024x128xf32, #tpu.memory_space<vmem>>) attributes {dimension_semantics = [#tpu.dimension_semantics<arbitrary>], iteration_bounds = array<i64: 10>, scalar_prefetch = 0 : i64, scratch_operands = 0 : i64, tpu.core_type = #tpu.core_type<tc>, window_params = [{transform_indices = @transform_0, window_bounds = array<i64: 2, 1024, 64>}, {transform_indices = @transform_1, window_bounds = array<i64: 2, 1024, 8>}, {transform_indices = @transform_2, window_bounds = array<i64: 2, 1024, 64>}, {transform_indices = @transform_3, window_bounds = array<i64: 1024, 128>}, {pipeline_mode = #tpu.pipeline_mode<synchronous>, transform_indices = @transform_4, window_bounds = array<i64: 128, 128>}, {transform_indices = @transform_5, window_bounds = array<i64: 2, 1024, 64>}, {transform_indices = @transform_6, window_bounds = array<i64: 1024, 128>}]} {
    %get3A = arith.constant 0 : index
    %get3A_0 = arith.constant 0 : index
    %get3A_1 = arith.constant 0 : index
    %get3A_2 = vector.load %arg1[%get3A, %get3A_0, %get3A_1] : memref<2x1024x64xbf16, #tpu.memory_space<vmem>>, vector<1x1024x64xbf16>
    %get3A_3 = vector.shape_cast %get3A_2 : vector<1x1024x64xbf16> to vector<1024x64xbf16>
    %convert_element_type3A = arith.extf %get3A_3 : vector<1024x64xbf16> to vector<1024x64xf32>
    %get3A_4 = arith.constant 0 : index
    %get3A_5 = arith.constant 0 : index
    %get3A_6 = arith.constant 0 : index
    %get3A_7 = vector.load %arg3[%get3A_4, %get3A_5, %get3A_6] : memref<2x1024x64xbf16, #tpu.memory_space<vmem>>, vector<1x1024x64xbf16>
    %get3A_8 = vector.shape_cast %get3A_7 : vector<1x1024x64xbf16> to vector<1024x64xbf16>
    %convert_element_type3A_9 = arith.extf %get3A_8 : vector<1024x64xbf16> to vector<1024x64xf32>
    %add3A = arith.addf %convert_element_type3A, %convert_element_type3A_9 : vector<1024x64xf32>
    %get3A_10 = arith.constant 1 : index
    %get3A_11 = arith.constant 0 : index
    %get3A_12 = arith.constant 0 : index
    %get3A_13 = vector.load %arg1[%get3A_10, %get3A_11, %get3A_12] : memref<2x1024x64xbf16, #tpu.memory_space<vmem>>, vector<1x1024x64xbf16>
    %get3A_14 = vector.shape_cast %get3A_13 : vector<1x1024x64xbf16> to vector<1024x64xbf16>
    %convert_element_type3A_15 = arith.extf %get3A_14 : vector<1024x64xbf16> to vector<1024x64xf32>
    %get3A_16 = arith.constant 1 : index
    %get3A_17 = arith.constant 0 : index
    %get3A_18 = arith.constant 0 : index
    %get3A_19 = vector.load %arg3[%get3A_16, %get3A_17, %get3A_18] : memref<2x1024x64xbf16, #tpu.memory_space<vmem>>, vector<1x1024x64xbf16>
    %get3A_20 = vector.shape_cast %get3A_19 : vector<1x1024x64xbf16> to vector<1024x64xbf16>
    %convert_element_type3A_21 = arith.extf %get3A_20 : vector<1024x64xbf16> to vector<1024x64xf32>
    %add3A_22 = arith.addf %convert_element_type3A_15, %convert_element_type3A_21 : vector<1024x64xf32>
    %concatenate3A = tpu.concatenate %add3A, %add3A_22 in 1 : vector<1024x64xf32>, vector<1024x64xf32> -> vector<1024x128xf32>
    %get3A_23 = arith.constant 0 : index
    %get3A_24 = arith.constant 0 : index
    %get3A_25 = arith.constant 0 : index
    %get3A_26 = vector.load %arg2[%get3A_23, %get3A_24, %get3A_25] : memref<2x1024x8xf32, #tpu.memory_space<vmem>>, vector<1x1024x1xf32>
    %get3A_27 = vector.shape_cast %get3A_26 : vector<1x1024x1xf32> to vector<1024x1xf32>
    %get3A_28 = arith.constant 1 : index
    %get3A_29 = arith.constant 0 : index
    %get3A_30 = arith.constant 0 : index
    %get3A_31 = vector.load %arg2[%get3A_28, %get3A_29, %get3A_30] : memref<2x1024x8xf32, #tpu.memory_space<vmem>>, vector<1x1024x1xf32>
    %get3A_32 = vector.shape_cast %get3A_31 : vector<1x1024x1xf32> to vector<1024x1xf32>
    %add3A_33 = arith.addf %get3A_27, %get3A_32 : vector<1024x1xf32>
    %add3A_34 = arith.constant 1.000000e+00 : f32
    %add3A_35 = vector.broadcast %add3A_34 : f32 to vector<1024x1xf32>
    %add3A_36 = arith.addf %add3A_33, %add3A_35 : vector<1024x1xf32>
    %max3A = arith.constant 1.000000e+00 : f32
    %max3A_37 = vector.broadcast %max3A : f32 to vector<1024x1xf32>
    %max3A_38 = arith.maximumf %add3A_36, %max3A_37 : vector<1024x1xf32>
    %div3A = vector.broadcast %max3A_38 : vector<1024x1xf32> to vector<1024x128xf32>
    %div3A_39 = arith.divf %concatenate3A, %div3A : vector<1024x128xf32>
    %get3A_40 = arith.constant 0 : index
    %get3A_41 = arith.constant 0 : index
    %get3A_42 = vector.load %arg4[%get3A_40, %get3A_41] : memref<1024x128xf32, #tpu.memory_space<vmem>>, vector<1024x128xf32>
    %add3A_43 = arith.addf %div3A_39, %get3A_42 : vector<1024x128xf32>
    %max3A_44 = arith.constant 0.000000e+00 : f32
    %max3A_45 = vector.broadcast %max3A_44 : f32 to vector<1024x128xf32>
    %max3A_46 = arith.maximumf %add3A_43, %max3A_45 : vector<1024x128xf32>
    %swap3A = arith.constant 0 : index
    %swap3A_47 = arith.constant 0 : index
    %swap3A_48 = vector.load %arg7[%swap3A, %swap3A_47] : memref<1024x128xf32, #tpu.memory_space<vmem>>, vector<1024x128xf32>
    tpu.vector_store %arg7[%swap3A, %swap3A_47], %max3A_46 {strides = array<i32>} : memref<1024x128xf32, #tpu.memory_space<vmem>>, vector<1024x128xf32>,
    %get3A_49 = arith.constant 0 : index
    %get3A_50 = arith.constant 0 : index
    %get3A_51 = vector.load %arg5[%get3A_49, %get3A_50] : memref<128x128xf32, #tpu.memory_space<vmem>>, vector<128x128xf32>
    %dot_general3A = arith.constant dense<0.000000e+00> : vector<1024x128xf32>
    %dot_general3A_52 = tpu.matmul %max3A_46, %get3A_51, %dot_general3A {dimension_numbers = #tpu.dot_dimension_numbers<[1], [0], [0], [1], [0, 0, 1, 1], [], []>, transpose_lhs_hint = false} : vector<1024x128xf32>, vector<128x128xf32>, vector<1024x128xf32> -> vector<1024x128xf32>
    %slice3A = vector.extract_strided_slice %dot_general3A_52 {offsets = [0, 0], sizes = [1024, 64], strides = [1, 1]} : vector<1024x128xf32> to vector<1024x64xf32>
    %convert_element_type3A_53 = arith.truncf %slice3A : vector<1024x64xf32> to vector<1024x64xbf16>
    %swap3A_54 = arith.constant 0 : index
    %swap3A_55 = arith.constant 0 : index
    %swap3A_56 = arith.constant 0 : index
    %swap3A_57 = vector.load %arg6[%swap3A_54, %swap3A_55, %swap3A_56] : memref<2x1024x64xbf16, #tpu.memory_space<vmem>>, vector<1x1024x64xbf16>
    %swap3A_58 = vector.shape_cast %swap3A_57 : vector<1x1024x64xbf16> to vector<1024x64xbf16>
    %swap3A_59 = vector.shape_cast %convert_element_type3A_53 : vector<1024x64xbf16> to vector<1x1024x64xbf16>
    tpu.vector_store %arg6[%swap3A_54, %swap3A_55, %swap3A_56], %swap3A_59 {strides = array<i32>} : memref<2x1024x64xbf16, #tpu.memory_space<vmem>>, vector<1x1024x64xbf16>,
    %slice3A_60 = vector.extract_strided_slice %dot_general3A_52 {offsets = [0, 64], sizes = [1024, 64], strides = [1, 1]} : vector<1024x128xf32> to vector<1024x64xf32>
    %convert_element_type3A_61 = arith.truncf %slice3A_60 : vector<1024x64xf32> to vector<1024x64xbf16>
    %swap3A_62 = arith.constant 1 : index
    %swap3A_63 = arith.constant 0 : index
    %swap3A_64 = arith.constant 0 : index
    %swap3A_65 = vector.load %arg6[%swap3A_62, %swap3A_63, %swap3A_64] : memref<2x1024x64xbf16, #tpu.memory_space<vmem>>, vector<1x1024x64xbf16>
    %swap3A_66 = vector.shape_cast %swap3A_65 : vector<1x1024x64xbf16> to vector<1024x64xbf16>
    %swap3A_67 = vector.shape_cast %convert_element_type3A_61 : vector<1024x64xbf16> to vector<1x1024x64xbf16>
    tpu.vector_store %arg6[%swap3A_62, %swap3A_63, %swap3A_64], %swap3A_67 {strides = array<i32>} : memref<2x1024x64xbf16, #tpu.memory_space<vmem>>, vector<1x1024x64xbf16>,
    return
  }
  func.func @transform_0(%arg0: i32) -> (i32, i32, i32) {
    %c0_i32 = arith.constant 0 : i32
    %c0_i32_0 = arith.constant 0 : i32
    %c0_i32_1 = arith.constant 0 : i32
    return %c0_i32, %arg0, %c0_i32_0 : i32, i32, i32
  }
  func.func @transform_1(%arg0: i32) -> (i32, i32, i32) {
    %c0_i32 = arith.constant 0 : i32
    %c0_i32_0 = arith.constant 0 : i32
    %c0_i32_1 = arith.constant 0 : i32
    return %c0_i32, %arg0, %c0_i32_0 : i32, i32, i32
  }
  func.func @transform_2(%arg0: i32) -> (i32, i32, i32) {
    %c0_i32 = arith.constant 0 : i32
    %c0_i32_0 = arith.constant 0 : i32
    %c0_i32_1 = arith.constant 0 : i32
    return %c0_i32, %arg0, %c0_i32_0 : i32, i32, i32
  }
  func.func @transform_3(%arg0: i32) -> (i32, i32) {
    %c0_i32 = arith.constant 0 : i32
    %c0_i32_0 = arith.constant 0 : i32
    return %arg0, %c0_i32 : i32, i32
  }
  func.func @transform_4(%arg0: i32) -> (i32, i32) {
    %c0_i32 = arith.constant 0 : i32
    %c0_i32_0 = arith.constant 0 : i32
    %c0_i32_1 = arith.constant 0 : i32
    return %c0_i32, %c0_i32_0 : i32, i32
  }
  func.func @transform_5(%arg0: i32) -> (i32, i32, i32) {
    %c0_i32 = arith.constant 0 : i32
    %c0_i32_0 = arith.constant 0 : i32
    %c0_i32_1 = arith.constant 0 : i32
    return %c0_i32, %arg0, %c0_i32_0 : i32, i32, i32
  }
  func.func @transform_6(%arg0: i32) -> (i32, i32) {
    %c0_i32 = arith.constant 0 : i32
    %c0_i32_0 = arith.constant 0 : i32
    return %arg0, %c0_i32 : i32, i32
  }
}

module attributes {stable_mosaic.version = 14 : i64} {
  func.func @_final_body(%arg0: i32, %arg1: memref<2x1024x64xbf16, #tpu.memory_space<vmem>>, %arg2: memref<2x1024x8xf32, #tpu.memory_space<vmem>>, %arg3: memref<2x1024x64xbf16, #tpu.memory_space<vmem>>, %arg4: memref<1024x128xf32, #tpu.memory_space<vmem>>, %arg5: memref<128x128xf32, #tpu.memory_space<vmem>>, %arg6: memref<1x128xf32, #tpu.memory_space<vmem>>, %arg7: memref<1024x128xf32, #tpu.memory_space<vmem>>) attributes {dimension_semantics = [#tpu.dimension_semantics<arbitrary>], iteration_bounds = array<i64: 10>, scalar_prefetch = 0 : i64, scratch_operands = 0 : i64, tpu.core_type = #tpu.core_type<tc>, window_params = [{transform_indices = @transform_0, window_bounds = array<i64: 2, 1024, 64>}, {transform_indices = @transform_1, window_bounds = array<i64: 2, 1024, 8>}, {transform_indices = @transform_2, window_bounds = array<i64: 2, 1024, 64>}, {transform_indices = @transform_3, window_bounds = array<i64: 1024, 128>}, {pipeline_mode = #tpu.pipeline_mode<synchronous>, transform_indices = @transform_4, window_bounds = array<i64: 128, 128>}, {pipeline_mode = #tpu.pipeline_mode<synchronous>, transform_indices = @transform_5, window_bounds = array<i64: 1, 128>}, {transform_indices = @transform_6, window_bounds = array<i64: 1024, 128>}]} {
    %get3A = arith.constant 0 : index
    %get3A_0 = arith.constant 0 : index
    %get3A_1 = arith.constant 0 : index
    %get3A_2 = vector.load %arg1[%get3A, %get3A_0, %get3A_1] : memref<2x1024x64xbf16, #tpu.memory_space<vmem>>, vector<1x1024x64xbf16>
    %get3A_3 = vector.shape_cast %get3A_2 : vector<1x1024x64xbf16> to vector<1024x64xbf16>
    %convert_element_type3A = arith.extf %get3A_3 : vector<1024x64xbf16> to vector<1024x64xf32>
    %get3A_4 = arith.constant 0 : index
    %get3A_5 = arith.constant 0 : index
    %get3A_6 = arith.constant 0 : index
    %get3A_7 = vector.load %arg3[%get3A_4, %get3A_5, %get3A_6] : memref<2x1024x64xbf16, #tpu.memory_space<vmem>>, vector<1x1024x64xbf16>
    %get3A_8 = vector.shape_cast %get3A_7 : vector<1x1024x64xbf16> to vector<1024x64xbf16>
    %convert_element_type3A_9 = arith.extf %get3A_8 : vector<1024x64xbf16> to vector<1024x64xf32>
    %add3A = arith.addf %convert_element_type3A, %convert_element_type3A_9 : vector<1024x64xf32>
    %get3A_10 = arith.constant 1 : index
    %get3A_11 = arith.constant 0 : index
    %get3A_12 = arith.constant 0 : index
    %get3A_13 = vector.load %arg1[%get3A_10, %get3A_11, %get3A_12] : memref<2x1024x64xbf16, #tpu.memory_space<vmem>>, vector<1x1024x64xbf16>
    %get3A_14 = vector.shape_cast %get3A_13 : vector<1x1024x64xbf16> to vector<1024x64xbf16>
    %convert_element_type3A_15 = arith.extf %get3A_14 : vector<1024x64xbf16> to vector<1024x64xf32>
    %get3A_16 = arith.constant 1 : index
    %get3A_17 = arith.constant 0 : index
    %get3A_18 = arith.constant 0 : index
    %get3A_19 = vector.load %arg3[%get3A_16, %get3A_17, %get3A_18] : memref<2x1024x64xbf16, #tpu.memory_space<vmem>>, vector<1x1024x64xbf16>
    %get3A_20 = vector.shape_cast %get3A_19 : vector<1x1024x64xbf16> to vector<1024x64xbf16>
    %convert_element_type3A_21 = arith.extf %get3A_20 : vector<1024x64xbf16> to vector<1024x64xf32>
    %add3A_22 = arith.addf %convert_element_type3A_15, %convert_element_type3A_21 : vector<1024x64xf32>
    %concatenate3A = tpu.concatenate %add3A, %add3A_22 in 1 : vector<1024x64xf32>, vector<1024x64xf32> -> vector<1024x128xf32>
    %get3A_23 = arith.constant 0 : index
    %get3A_24 = arith.constant 0 : index
    %get3A_25 = arith.constant 0 : index
    %get3A_26 = vector.load %arg2[%get3A_23, %get3A_24, %get3A_25] : memref<2x1024x8xf32, #tpu.memory_space<vmem>>, vector<1x1024x1xf32>
    %get3A_27 = vector.shape_cast %get3A_26 : vector<1x1024x1xf32> to vector<1024x1xf32>
    %get3A_28 = arith.constant 1 : index
    %get3A_29 = arith.constant 0 : index
    %get3A_30 = arith.constant 0 : index
    %get3A_31 = vector.load %arg2[%get3A_28, %get3A_29, %get3A_30] : memref<2x1024x8xf32, #tpu.memory_space<vmem>>, vector<1x1024x1xf32>
    %get3A_32 = vector.shape_cast %get3A_31 : vector<1x1024x1xf32> to vector<1024x1xf32>
    %add3A_33 = arith.addf %get3A_27, %get3A_32 : vector<1024x1xf32>
    %add3A_34 = arith.constant 1.000000e+00 : f32
    %add3A_35 = vector.broadcast %add3A_34 : f32 to vector<1024x1xf32>
    %add3A_36 = arith.addf %add3A_33, %add3A_35 : vector<1024x1xf32>
    %max3A = arith.constant 1.000000e+00 : f32
    %max3A_37 = vector.broadcast %max3A : f32 to vector<1024x1xf32>
    %max3A_38 = arith.maximumf %add3A_36, %max3A_37 : vector<1024x1xf32>
    %div3A = vector.broadcast %max3A_38 : vector<1024x1xf32> to vector<1024x128xf32>
    %div3A_39 = arith.divf %concatenate3A, %div3A : vector<1024x128xf32>
    %get3A_40 = arith.constant 0 : index
    %get3A_41 = arith.constant 0 : index
    %get3A_42 = vector.load %arg4[%get3A_40, %get3A_41] : memref<1024x128xf32, #tpu.memory_space<vmem>>, vector<1024x128xf32>
    %add3A_43 = arith.addf %div3A_39, %get3A_42 : vector<1024x128xf32>
    %max3A_44 = arith.constant 0.000000e+00 : f32
    %max3A_45 = vector.broadcast %max3A_44 : f32 to vector<1024x128xf32>
    %max3A_46 = arith.maximumf %add3A_43, %max3A_45 : vector<1024x128xf32>
    %get3A_47 = arith.constant 0 : index
    %get3A_48 = arith.constant 0 : index
    %get3A_49 = vector.load %arg5[%get3A_47, %get3A_48] : memref<128x128xf32, #tpu.memory_space<vmem>>, vector<128x128xf32>
    %dot_general3A = arith.constant dense<0.000000e+00> : vector<1024x128xf32>
    %dot_general3A_50 = tpu.matmul %max3A_46, %get3A_49, %dot_general3A {dimension_numbers = #tpu.dot_dimension_numbers<[1], [1], [0], [0], [0, 0, 1, 0], [], []>, transpose_lhs_hint = false} : vector<1024x128xf32>, vector<128x128xf32>, vector<1024x128xf32> -> vector<1024x128xf32>
    %get3A_51 = arith.constant 0 : index
    %get3A_52 = arith.constant 0 : index
    %get3A_53 = vector.load %arg6[%get3A_51, %get3A_52] : memref<1x128xf32, #tpu.memory_space<vmem>>, vector<1x128xf32>
    %add3A_54 = vector.broadcast %get3A_53 : vector<1x128xf32> to vector<1024x128xf32>
    %add3A_55 = arith.addf %dot_general3A_50, %add3A_54 : vector<1024x128xf32>
    %reduce_max3A = arith.constant dense<0xFF800000> : vector<1024xf32>
    %reduce_max3A_56 = vector.multi_reduction <maximumf>, %add3A_55, %reduce_max3A [1] : vector<1024x128xf32> to vector<1024xf32>
    %broadcast_in_dim3A = vector.shape_cast %reduce_max3A_56 : vector<1024xf32> to vector<1024x1xf32>
    %sub3A = vector.broadcast %broadcast_in_dim3A : vector<1024x1xf32> to vector<1024x128xf32>
    %sub3A_57 = arith.subf %add3A_55, %sub3A : vector<1024x128xf32>
    %exp3A = math.exp %sub3A_57 : vector<1024x128xf32>
    %reduce_sum3A = arith.constant dense<0.000000e+00> : vector<1024xf32>
    %reduce_sum3A_58 = vector.multi_reduction <add>, %exp3A, %reduce_sum3A [1] : vector<1024x128xf32> to vector<1024xf32>
    %broadcast_in_dim3A_59 = vector.shape_cast %reduce_sum3A_58 : vector<1024xf32> to vector<1024x1xf32>
    %log3A = math.log %broadcast_in_dim3A_59 : vector<1024x1xf32>
    %add3A_60 = arith.addf %log3A, %broadcast_in_dim3A : vector<1024x1xf32>
    %sub3A_61 = vector.broadcast %add3A_60 : vector<1024x1xf32> to vector<1024x128xf32>
    %sub3A_62 = arith.subf %add3A_55, %sub3A_61 : vector<1024x128xf32>
    %swap3A = arith.constant 0 : index
    %swap3A_63 = arith.constant 0 : index
    %swap3A_64 = vector.load %arg7[%swap3A, %swap3A_63] : memref<1024x128xf32, #tpu.memory_space<vmem>>, vector<1024x128xf32>
    tpu.vector_store %arg7[%swap3A, %swap3A_63], %sub3A_62 {strides = array<i32>} : memref<1024x128xf32, #tpu.memory_space<vmem>>, vector<1024x128xf32>,
    return
  }
  func.func @transform_0(%arg0: i32) -> (i32, i32, i32) {
    %c0_i32 = arith.constant 0 : i32
    %c0_i32_0 = arith.constant 0 : i32
    %c0_i32_1 = arith.constant 0 : i32
    return %c0_i32, %arg0, %c0_i32_0 : i32, i32, i32
  }
  func.func @transform_1(%arg0: i32) -> (i32, i32, i32) {
    %c0_i32 = arith.constant 0 : i32
    %c0_i32_0 = arith.constant 0 : i32
    %c0_i32_1 = arith.constant 0 : i32
    return %c0_i32, %arg0, %c0_i32_0 : i32, i32, i32
  }
  func.func @transform_2(%arg0: i32) -> (i32, i32, i32) {
    %c0_i32 = arith.constant 0 : i32
    %c0_i32_0 = arith.constant 0 : i32
    %c0_i32_1 = arith.constant 0 : i32
    return %c0_i32, %arg0, %c0_i32_0 : i32, i32, i32
  }
  func.func @transform_3(%arg0: i32) -> (i32, i32) {
    %c0_i32 = arith.constant 0 : i32
    %c0_i32_0 = arith.constant 0 : i32
    return %arg0, %c0_i32 : i32, i32
  }
  func.func @transform_4(%arg0: i32) -> (i32, i32) {
    %c0_i32 = arith.constant 0 : i32
    %c0_i32_0 = arith.constant 0 : i32
    %c0_i32_1 = arith.constant 0 : i32
    return %c0_i32, %c0_i32_0 : i32, i32
  }
  func.func @transform_5(%arg0: i32) -> (i32, i32) {
    %c0_i32 = arith.constant 0 : i32
    %c0_i32_0 = arith.constant 0 : i32
    %c0_i32_1 = arith.constant 0 : i32
    return %c0_i32, %c0_i32_0 : i32, i32
  }
  func.func @transform_6(%arg0: i32) -> (i32, i32) {
    %c0_i32 = arith.constant 0 : i32
    %c0_i32_0 = arith.constant 0 : i32
    return %arg0, %c0_i32 : i32, i32
  }
}

</mosaic_0001>

<sc_bundles>
// kernel: kernel.12.cloned.1.call-start
scs
__scs_entry_jumppad:
0x0: {  	(pc) =	sbr.rel $0x88, $3  }
0x1: {  	(tag) =	ssettag $0x0;
	lr =	simm.s32 $0x1  }
0x2: {  	[smem:$0x3F97] =	sst lr;
	_ =	strace $0xD0000000  }
0x3: {  	_ = 	snop  }
0x4: {  	_ = 	snop  }
0x5: {  	_ = 	snop  }
0x6: {  	_ = 	snop  }
0x7: {  	_ = 	snop  }
__scs_overlays_trampoline_lowered:
0x8: {  	[smem:$0x3FA6] =	sst s0  }
0x9: {  	[smem:$0x3FA7] =	sst s1  }
0xa: {  	[smem:$0x3FA8] =	sst s2  }
0xb: {  	[smem:$0x3FA9] =	sst s3  }
0xc: {  	[smem:$0x3FAA] =	sst s4  }
0xd: {  	[smem:$0x3FAB] =	sst s5  }
0xe: {  	[smem:$0x3FAC] =	sst s6  }
0xf: {  	[smem:$0x3FAD] =	sst s7  }
0x10: {  	[smem:$0x3FAE] =	sst s8  }
0x11: {  	[smem:$0x3FAF] =	sst s9;
	s0 =	simm.s32 @!p0 $0x0  }
0x12: {  	s1 =	sld [smem:$0x3F95];
	s0 =	simm.s32 @p0 $0x1  }
0x13: {  	[smem:$0x3FB0] =	sst s0;
	s0 =	simm.s32 @!p1 $0x0  }
0x14: {  	s2 =	sld [smem:$0x3F94];
	s0 =	simm.s32 @p1 $0x1  }
0x15: {  	[smem:$0x3FB1] =	sst s0;
	s0 =	simm.s32 @!p2 $0x0  }
0x16: {  	s3 =	sld [smem:$0x3FDB];
	s0 =	simm.s32 @p2 $0x1  }
0x17: {  	s4 =	simm.s32 $0x1BF5;
	[smem:$0x3FB3] =	sst s0  }
0x18: {  	s0 =	sld [smem:$0x3F96];
	_ =	swait.ge [sflag:s4], $0x0  }
0x19: {  	s7 =	sld [smem:$0x3F97]  }
0x1a: {  	s8 =	sadd.s32 $0xFFFFE003, lr  }
0x1b: {  	s9 =	sadd.s32 $0xFFFFFEF7, lr;
	s5 =	simm.s32 $0xFFFFFFFF;
	p2 =	slt.u32 s8, $0xFFFFF086  }
0x1c: {  	p1 =	slt.u32 s9, $0xF7A;
	s5 =	simm.s32 @!p2 $0x0  }
0x1d: {  	s5 =	simm.s32 @p1 $0x1;
	p0 =	seq.s32 s7, s2  }
0x1e: {  	s7 =	smul.u32 @!p0 $0xF7A, s2;
	p2 =	seq.s32 @!p0 s5, $0x0  }
0x1f: {  	s9 =	smul.u32 $0xF7A, s1;
	s8 =	simm.s32 @!p0 $0x1BF5;
	p2 =	por !p2, p0  }
0x20: {  	[sflag:s8] =	ssyncset.s32 @!p0 $0xFFFFF086;
	s6 =	sadd.s32 @!p0 s3, s7;
	s7 =	simm.s32 @!p0 $0x108  }
0x21: {  	s3 =	sadd.s32 s3, s9;
	s6 =	sadd.s32 @!p0 $0x88, s6;
	s7 =	simm.s32 @p2 $0x1082  }
0x22: {  	[simem:s7], [sflag:s8] =	dma.local @!p0 [hbm:s6], $0xF7A  }
0x23: {  	s9 =	sor.u32 $0xD0000000, s2;
	s6 =	simm.s32 $0x108;
	_ =	swait.ge @!p0 [sflag:s8], $0x0  }
0x24: {  	s3 =	sadd.s32 $0x88, s3;
	s6 =	simm.s32 @!p1 $0x1082;
	[sflag:s4] =	ssyncset.s32 $0xFFFFF086  }
0x25: {  	[simem:s6], [sflag:s4] =	dma.local [hbm:s3], $0xF7A  }
0x26: {  	[smem:$0x3F97] =	sst s1;
	(tag) =	ssettag s2;
	_ =	strace s9  }
0x27: {  	s1 =	sld [smem:$0x3FA7]  }
0x28: {  	s2 =	sld [smem:$0x3FA8]  }
0x29: {  	s4 =	sld [smem:$0x3FAA]  }
0x2a: {  	p0 =	seq.s32 s5, $0x0;
	s5 =	sld [smem:$0x3FAB]  }
0x2b: {  	s6 =	sld [smem:$0x3FAC]  }
0x2c: {  	s7 =	sld [smem:$0x3FAD]  }
0x2d: {  	s3 =	simm.s32 $0x108;
	s8 =	sld [smem:$0x3FAE]  }
0x2e: {  	s3 =	simm.s32 @!p0 $0x1082;
	s9 =	sld [smem:$0x3FAF]  }
0x2f: {  	lr =	sadd.s32 s0, s3;
	s0 =	sld [smem:$0x3FA6]  }
0x30: {  	s3 =	sld [smem:$0x3FA9]  }
0x31: {  	[smem:$0x3FB2] =	sst s10  }
0x32: {  	s10 =	sld [smem:$0x3FB0];
	_ =	sdelay $0x3  }
0x33: {  	p0 =	seq.s32 s10, $0x1;
	s10 =	sld [smem:$0x3FB2];
	_ =	sdelay $0x3  }
0x34: {  	[smem:$0x3FB2] =	sst s10  }
0x35: {  	s10 =	sld [smem:$0x3FB1];
	_ =	sdelay $0x3  }
0x36: {  	p1 =	seq.s32 s10, $0x1;
	s10 =	sld [smem:$0x3FB2];
	_ =	sdelay $0x3  }
0x37: {  	[smem:$0x3FB2] =	sst s10  }
0x38: {  	s10 =	sld [smem:$0x3FB3]  }
0x39: {  	_ = 	snop;
	(pc) =	sbr.ind lr, $3  }
0x3a: {  	_ = 	snop  }
0x3b: {  	_ = 	snop  }
0x3c: {  	p2 =	seq.s32 s10, $0x1;
	s10 =	sld [smem:$0x3FB2]  }
0x3d: {  	_ =	shalt  }
0x3e: {  	_ =	shalt  }
0x3f: {  	_ =	shalt  }
0x40: {  	_ =	shalt  }
0x41: {  	_ =	shalt  }
0x42: {  	_ =	shalt  }
0x43: {  	_ =	shalt  }
0x44: {  	_ =	shalt  }
0x45: {  	_ =	shalt  }
0x46: {  	_ =	shalt  }
0x47: {  	_ =	shalt  }
0x48: {  	_ =	shalt  }
0x49: {  	_ =	shalt  }
0x4a: {  	_ =	shalt  }
0x4b: {  	_ =	shalt  }
0x4c: {  	_ =	shalt  }
0x4d: {  	_ =	shalt  }
0x4e: {  	_ =	shalt  }
0x4f: {  	_ =	shalt  }
0x50: {  	_ =	shalt  }
0x51: {  	_ =	shalt  }
0x52: {  	_ =	shalt  }
0x53: {  	_ =	shalt  }
0x54: {  	_ =	shalt  }
0x55: {  	_ =	shalt  }
0x56: {  	_ =	shalt  }
0x57: {  	_ =	shalt  }
0x58: {  	_ =	shalt  }
0x59: {  	_ =	shalt  }
0x5a: {  	_ =	shalt  }
0x5b: {  	_ =	shalt  }
0x5c: {  	_ =	shalt  }
0x5d: {  	_ =	shalt  }
0x5e: {  	_ =	shalt  }
0x5f: {  	_ =	shalt  }
0x60: {  	_ =	shalt  }
0x61: {  	_ =	shalt  }
0x62: {  	_ =	shalt  }
0x63: {  	_ =	shalt  }
0x64: {  	_ =	shalt  }
0x65: {  	_ =	shalt  }
0x66: {  	_ =	shalt  }
0x67: {  	_ =	shalt  }
0x68: {  	_ =	shalt  }
0x69: {  	_ =	shalt  }
0x6a: {  	_ =	shalt  }
0x6b: {  	_ =	shalt  }
0x6c: {  	_ =	shalt  }
0x6d: {  	_ =	shalt  }
0x6e: {  	_ =	shalt  }
0x6f: {  	_ =	shalt  }
0x70: {  	_ =	shalt  }
0x71: {  	_ =	shalt  }
0x72: {  	_ =	shalt  }
0x73: {  	_ =	shalt  }
0x74: {  	_ =	shalt  }
0x75: {  	_ =	shalt  }
0x76: {  	_ =	shalt  }
0x77: {  	_ =	shalt  }
0x78: {  	_ =	shalt  }
0x79: {  	_ =	shalt  }
0x7a: {  	_ =	shalt  }
0x7b: {  	_ =	shalt  }
0x7c: {  	_ =	shalt  }
0x7d: {  	_ =	shalt  }
0x7e: {  	_ =	shalt  }
0x7f: {  	_ =	shalt  }
0x80: {  	_ =	shalt  }
0x81: {  	_ =	shalt  }
0x82: {  	_ =	shalt  }
0x83: {  	_ =	shalt  }
0x84: {  	_ =	shalt  }
0x85: {  	_ =	shalt  }
0x86: {  	_ =	shalt  }
0x87: {  	_ =	shalt  }
.Lfunc_end0:
.L_simem_size_0:
called_computation.1_lowered:
.L_overlay_start_0:
0x88: {  	s2 =	sld [smem:$0x3FD9]  }
0x89: {  	s3 =	sld [smem:$0x3FFE];
	_ =	sdelay $0x1  }
0x8a: {  	s1 =	srdreg.scid  }
0x8b: {  	s0 =	sand.u32 $0x1, s1  }
0x8c: {  	s17 =	sshll.u32 s0, $0xA;
	s2 =	sadd.s32 s3, s2  }
0x8d: {  	s2 =	sadd.s32 s2, s17  }
0x8e: {  	[smem:$0x3FBE] =	sst s2  }
0x8f: {  	_ = 	snop  }
0x90: {  	s2 =	sld [smem:$0x3FD0];
	(tm) =	ssettm $0x1  }
0x91: {  	s18 =	sld [smem:$0x3FFB];
	_ =	sdelay $0x3  }
0x92: {  	_ =	strace s18  }
0x93: {  	s3 =	sld [smem:$0x3FFC];
	_ =	sdelay $0x3  }
0x94: {  	_ =	strace s3  }
0x95: {  	s3 =	sld [smem:$0x3FFD];
	_ =	sdelay $0x3  }
0x96: {  	_ =	strace s3  }
0x97: {  	_ =	strace $0x8FFFFFFF  }
0x98: {  	s19 =	sld [smem:$0x3FDB];
	_ =	sdelay $0x1  }
0x99: {  	s4 =	simm.s32 $_scs_section_size  }
0x9a: {  	s5 =	simm.s32 $_size__tile_overlayer_lowered;
	s6 =	simm.s32 $_tile_overlayer_lowered  }
0x9b: {  	s22 =	simm.s32 $0x1BFF;
	s21 =	sshll.u32 s6, $0x1;
	s3 =	sadd.s32 s4, s19  }
0x9c: {  	s7 =	simm.s32 $0x0;
	s20 =	sshll.u32 s5, $0x1;
	s5 =	sadd.s32 s21, s3  }
0x9d: {  	[timem:s7], [sflag:s22] =	dma.local [hbm:s5], s20  }
0x9e: {  	_ =	swait.ge [sflag:s22], s20  }
0x9f: {  	s4 =	ssub.s32 $0x0, s20;
	[sflag:s22] =	ssyncset.done $0x0  }
0xa0: {  	[sflag:s22] =	ssyncadd.s32 s4;
	_ =	sdelay $0x1  }
0xa1: {  	s23 =	simm.s32 $0x1B8B  }
0xa2: {  	_ =	swait.ge [sflag:s23], $0x1  }
0xa3: {  	[sflag:s23] =	ssyncset.done $0x0  }
0xa4: {  	s25 =	simm.s32 $0x1B8E;
	s24 =	sld [smem:$0x3FFE];
	[sflag:s23] =	ssyncadd.s32 $0xFFFFFFFF  }
0xa5: {  	s26 =	simm.s32 $execute0_lowered;
	[smem:$0x3FD2] =	sst s25  }
0xa6: {  	s5 =	sshll.u32 s26, $0x1;
	_ =	strace $0x80000049;
	[dreg:$0x1] =	wrdreg $0xFFFFFFFF  }
0xa7: {  	s28 =	simm.s32 $_size_execute0_lowered;
	s3 =	sadd.s32 s3, s5;
	[dreg:$0x0] =	wrdreg $0x0  }
0xa8: {  	s5 =	sshll.u32 s28, $0x1;
	[dreg:$0x2] =	wrdreg s3  }
0xa9: {  	[dreg:$0x3] =	wrdreg s5  }
0xaa: {  	[dreg:$0x4] =	wrdreg $0xC0  }
0xab: {  	_ =	task [dreg:s7], $0x5FFFF  }
0xac: {  	[dreg:$0x1] =	wrdreg $0xFFFFFFFF  }
0xad: {  	[dreg:$0x0] =	wrdreg $0x60  }
0xae: {  	[dreg:$0x2] =	wrdreg s24  }
0xaf: {  	[dreg:$0x3] =	wrdreg s2  }
0xb0: {  	[dreg:$0x4] =	wrdreg $0xFA100  }
0xb1: {  	[dreg:$0x5] =	wrdreg $0x14A100  }
0xb2: {  	[dreg:$0x6] =	wrdreg $0x9  }
0xb3: {  	_ =	task.clear_ibuf [dreg:s7], $0x7FFFF;
	_ =	strace $0x90000049  }
0xb4: {  	s29 =	simm.s32 $0x9;
	_ =	strace $0x8000004B  }
0xb5: {  	_ =	swait.ge [sflag:s29], $0x1  }
0xb6: {  	[sflag:s29] =	ssyncadd.s32 $0xFFFFFFFF  }
0xb7: {  	_ =	strace $0x9000004B  }
0xb8: {  	_ =	sfence  }
0xb9: {  	s30 =	sld [smem:$0x0];
	_ =	sdelay $0x2  }
0xba: {  	s31 =	sshll.u32 s1, $0xD;
	s1 =	sshrl.u32 s1, $0x2  }
0xbb: {  	s3 =	sand.u32 $0x4000, s31;
	s1 =	sadd.s32 s1, s30  }
0xbc: {  	s0 =	sor.u32 s3, s0;
	s1 =	sshll.u32 s1, $0x11  }
0xbd: {  	s0 =	sor.u32 s1, s0  }
0xbe: {  	s0 =	sadd.s32 $0x8F2B, s0  }
0xbf: {  	[sflag:s0] =	ssyncadd.remote.s32 $0x1  }
0xc0: {  	_ =	sfence.sel $0xFFFF  }
0xc1: {  	[dreg:$0x0] =	wrdreg $0xFFFFFFFF;
	(pc) =	sbr.abs _section_cstart, $3  }
0xc2: {  	[dreg:$0x1] =	wrdreg $0xFFFFFFFF  }
0xc3: {  	_ =	task.clear_ibuf [dreg:s7], $0x2FFFF;
	_ =	strace $0x9FFFFFFF  }
0xc4: {  	(tm) =	ssettm $0x7FFFFFFF  }
0xc5: {  	_ =	shalt  }
tec
execute0_lowered:
.L_overlay_start_1:
0x0: {  	(tag) =	ssettag $0x1  }
0x1: {  	s0 =	rddreg [dreg:$0x0]  }
0x2: {  	s2 =	rddreg [dreg:$0x1]  }
0x3: {  	s1 =	rddreg [dreg:$0x2]  }
0x4: {  	s3 =	rddreg [dreg:$0x3];
	s4 =	simm.s32 $0x0;
	s22 =	stileid.u32  }
0x5: {  	s6 =	srdreg.scid;
	s29 =	simm.s32 $0x3;
	s30 =	simm.s32 $0xD600  }
0x6: {  	s28 =	simm.s32 $0x80;
	s31 =	simm.s32 $0xA200;
	[smem:$0x7FF] =	sst s4  }
0x7: {  	s5 =	smul.u32 $0xA20, s22;
	s6 =	sand.u32 $0x1, s6;
	s7 =	sadd.s32 $0x16800, s0  }
0x8: {  	s8 =	sadd.s32 $0x1E00, s0;
	_ =	strace $0x8000004A;
	[dreg:$0x5] =	wrdreg s7  }
0x9: {  	s18 =	sadd.s32 $0x16400, s0;
	s15 =	smul.u32 $0xA000, s22;
	[dreg:$0x6] =	wrdreg s8  }
0xa: {  	s9 =	sadd.s32 $0x16A00, s0;
	s14 =	smul.u32 $0xA000, s6;
	[dreg:$0x7] =	wrdreg s18  }
0xb: {  	s19 =	smul.u32 $0x2800, s6;
	[dreg:$0x8] =	wrdreg s9;
	s20 =	ssub.s32 $0x2, s6  }
0xc: {  	p0 =	seq.s32 s6, $0x1;
	p1 =	seq.s32 s6, $0x0;
	s6 =	simm.s32 $0xC200  }
0xd: {  	s5 =	sadd.s32 s5, s0;
	s21 =	sshrl.u32 s20, $0x1;
	s17 =	sadd.s32 $0x2000, s15  }
0xe: {  	s18 =	sadd.s32 $0x4000, s15;
	s23 =	sshrl.u32 s15, $0x1;
	s16 =	sadd.s32 s14, s0  }
0xf: {  	s0 =	sadd.s32 s19, s0;
	s8 =	ssub.s32 s20, s21;
	s10 =	sshrl.u32 s17, $0x1  }
0x10: {  	s11 =	sshrl.u32 s18, $0x1;
	s9 =	sadd.s32 s23, s1;
	s19 =	sadd.s32 $0x6000, s15  }
0x11: {  	s20 =	sadd.s32 $0x8000, s15;
	s21 =	smul.u32 $0x5000, s22;
	s12 =	sadd.s32 s2, s14  }
0x12: {  	s17 =	sshrl.u32 s17, $0x4;
	s18 =	sshrl.u32 s18, $0x4;
	s10 =	sadd.s32 s10, s1  }
0x13: {  	s11 =	sadd.s32 s11, s1;
	s13 =	sshrl.u32 s19, $0x1;
	s24 =	sshrl.u32 s20, $0x1  }
0x14: {  	s26 =	sadd.s32 $0x1BC00, s16;
	s16 =	sshrl.u32 s15, $0x4;
	s19 =	sshrl.u32 s19, $0x4  }
0x15: {  	s20 =	sshrl.u32 s20, $0x4;
	s25 =	sshrl.u32 s21, $0x2;
	s7 =	sadd.s32 s16, s26  }
0x16: {  	s21 =	smul.u32 $0x1400, s22;
	s22 =	sadd.s32 s17, s26;
	[dreg:$0xa] =	wrdreg s7  }
0x17: {  	s13 =	sadd.s32 s13, s1;
	s23 =	sadd.s32 s18, s26;
	[dreg:$0xb] =	wrdreg s22  }
0x18: {  	s14 =	sadd.s32 s24, s1;
	s24 =	sadd.s32 s19, s26;
	[dreg:$0xc] =	wrdreg s23  }
0x19: {  	s2 =	sadd.s32 s25, s3;
	[dreg:$0xd] =	wrdreg s24;
	s25 =	sadd.s32 $0xC200, s5  }
0x1a: {  	s23 =	sadd.s32 $0x16C00, s0;
	s0 =	simm.s32 $0x2;
	[dreg:$0x9] =	wrdreg s2  }
0x1b: {  	s7 =	simm.s32 $0x4;
	s2 =	sadd.s32 s20, s26;
	[dreg:$0xf] =	wrdreg s25  }
0x1c: {  	s26 =	sadd.s32 $0x2000, s5;
	s24 =	sadd.s32 s21, s3;
	[dreg:$0xe] =	wrdreg s2  }
0x1d: {  	s25 =	sshrl.u32 s21, $0x3;
	s5 =	simm.s32 $0xB200;
	[dreg:$0x10] =	wrdreg s26  }
0x1e: {  	s26 =	smax.u32 s8, $0x1;
	s2 =	simm.s32 $0x1;
	s8 =	simm.s32 $0x0  }
.LBB2_1:
0x1f: {  	s15 =	rddreg [dreg:$0x8];
	s16 =	simm.s32 $0xFA00  }
0x20: {  	[tilespmem:s16], [sflag:$0x3] =	stream.linear.gather [hbm4b:s15+s4], $0x10, $0x38;
	[tilespmem:$0x15E10] =	vst v63  }
0x21: {  	_ =	swait.ge [sflag:s29], $0x10  }
0x22: {  	[sflag:s29] =	ssyncset.done $0x0  }
0x23: {  	[sflag:s29] =	ssyncadd.s32 $0xFFFFFFF0  }
0x24: {  	v0 =	vld [tilespmem:$0xFA00];
	_ =	sdelay $0x4  }
0x25: {  	v0 =	vxor.u32 $0x80000000, v0  }
0x26: {  	(xrf0) =	vmax.scan.msk.u32 $0xffff, v0;
	_ =	sdelay $0x5  }
0x27: {  	v0, _, _ =	vpop (xrf0)  }
0x28: {  	(v2sf) =	vpush v0, $0xF;
	_ =	sdelay $0xc  }
0x29: {  	s22 =	rddreg [dreg:$0x6]  }
0x2a: {  	[tilespmem:s30], [sflag:$0x3] =	stream.linear.gather [hbm4b:s22+s4], $0x1000, $0x38;
	[tilespmem:$0x15E10] =	vst v63  }
0x2b: {  	s21 =	spop (v2sf)  }
0x2c: {  	_ =	swait.ge [sflag:s29], $0x1000  }
0x2d: {  	[sflag:s29] =	ssyncset.done $0x0  }
0x2e: {  	[sflag:s29] =	ssyncadd.s32 $0xFFFFF000  }
0x2f: {  	[spmem:s9] =	stream.linear.scatter [tilespmem:s30], [sflag:$0x2], $0x1000, $0x38;
	[tilespmem:$0x15E10] =	vst v63  }
0x30: {  	_ = 	snop  }
0x31: {  	[spmem:s10] =	stream.linear.scatter [tilespmem:s30], [sflag:$0x2], $0x1000, $0x38;
	[tilespmem:$0x15E10] =	vst v63  }
0x32: {  	_ = 	snop  }
0x33: {  	[spmem:s11] =	stream.linear.scatter [tilespmem:s30], [sflag:$0x2], $0x1000, $0x38;
	[tilespmem:$0x15E10] =	vst v63  }
0x34: {  	_ = 	snop  }
0x35: {  	[spmem:s13] =	stream.linear.scatter [tilespmem:s30], [sflag:$0x2], $0x1000, $0x38;
	[tilespmem:$0x15E10] =	vst v63  }
0x36: {  	p2 =	sne.s32 s21, $0x80000001  }
0x37: {  	[spmem:s14] =	stream.linear.scatter [tilespmem:s30], [sflag:$0x2], $0x1000, $0x38;
	[tilespmem:$0x15E10] =	vst v63  }
0x38: {  	s16 =	simm.s32 @!p2 $0x0;
	s17 =	simm.s32 @!p2 $0xD200;
	s18 =	rddreg [dreg:$0x5]  }
0x39: {  	[tilespmem:s17], [sflag:$0x3] =	stream.linear.gather @!p2 [hbm4b:s18+s16], $0x400, $0x38;
	[tilespmem:$0x15E10] =	vst v63  }
0x3a: {  	s17 =	simm.s32 @!p2 $0x3  }
0x3b: {  	_ =	swait.ge @!p2 [sflag:s17], $0x400  }
0x3c: {  	[sflag:s17] =	ssyncset.done @!p2 $0x0  }
0x3d: {  	s18 =	simm.s32 @!p2 $0xE600;
	s19 =	rddreg [dreg:$0x7];
	[sflag:s17] =	ssyncadd.s32 @!p2 $0xFFFFFC00  }
0x3e: {  	[tilespmem:s18], [sflag:$0x3] =	stream.linear.gather @!p2 [hbm4b:s19+s16], $0x1400, $0x38;
	[tilespmem:$0x15E10] =	vst v63  }
0x3f: {  	_ =	swait.ge @!p2 [sflag:s17], $0x1400  }
0x40: {  	[sflag:s17] =	ssyncset.done @!p2 $0x0  }
0x41: {  	s16 =	rddreg [dreg:$0x9];
	[sflag:s17] =	ssyncadd.s32 @!p2 $0xFFFFEC00  }
0x42: {  	[spmem:s16] =	stream.linear.scatter @!p2 [tilespmem:s18], [sflag:$0x3], $0x1400, $0x38;
	[tilespmem:$0x15E10] =	vst v63  }
0x43: {  	_ =	swait.ge @!p2 [sflag:s17], $0x1400  }
0x44: {  	[sflag:s17] =	ssyncset.done @!p2 $0x0  }
0x45: {  	[sflag:s17] =	ssyncadd.s32 @!p2 $0xFFFFEC00;
	s17 =	rddreg [dreg:$0xf]  }
0x46: {  	[tilespmem:s4], [sflag:$0x1] =	stream.linear.gather [hbm4b:s17+s4], $0x5100, $0x38;
	[tilespmem:$0x15E10] =	vst v63  }
0x47: {  	s19 =	simm.s32 $0x5100;
	s18 =	rddreg [dreg:$0x10]  }
0x48: {  	[tilespmem:s19], [sflag:$0x1] =	stream.linear.gather [hbm4b:s18+s4], $0x5100, $0x38;
	[tilespmem:$0x15E10] =	vst v63  }
0x49: {  	_ =	swait.ge [sflag:s0], $0x1000  }
0x4a: {  	[sflag:s0] =	ssyncset.done $0x0  }
0x4b: {  	[sflag:s0] =	ssyncadd.s32 $0xFFFFF000  }
0x4c: {  	_ =	swait.ge [sflag:s0], $0x1000  }
0x4d: {  	[sflag:s0] =	ssyncset.done $0x0  }
0x4e: {  	[sflag:s0] =	ssyncadd.s32 $0xFFFFF000  }
0x4f: {  	_ =	swait.ge [sflag:s0], $0x1000  }
0x50: {  	[sflag:s0] =	ssyncset.done $0x0  }
0x51: {  	[sflag:s0] =	ssyncadd.s32 $0xFFFFF000  }
0x52: {  	_ =	swait.ge [sflag:s0], $0x1000  }
0x53: {  	[sflag:s0] =	ssyncset.done $0x0  }
0x54: {  	[sflag:s0] =	ssyncadd.s32 $0xFFFFF000  }
0x55: {  	_ =	swait.ge [sflag:s0], $0x1000  }
0x56: {  	[sflag:s0] =	ssyncset.done $0x0  }
0x57: {  	[sflag:s0] =	ssyncadd.s32 $0xFFFFF000  }
0x58: {  	_ =	swait.ge [sflag:s2], $0x5100  }
0x59: {  	[sflag:s2] =	ssyncset.done $0x0  }
0x5a: {  	[sflag:s2] =	ssyncadd.s32 $0xFFFFAF00  }
0x5b: {  	_ =	swait.ge [sflag:s2], $0x5100  }
0x5c: {  	[sflag:s2] =	ssyncset.done $0x0  }
0x5d: {  	[sflag:s2] =	ssyncadd.s32 $0xFFFFAF00  }
0x5e: {  	[bflag:$0x0] =	sbarrier.arrive $0xFFFF  }
0x5f: {  	[tilespmem:s31], [sflag:$0x1] =	stream.indirect.gather [hbm4b:s12+s28], $0x20, s4, s28, $0xb8;
	[tilespmem:$0x15E10] =	vst v63  }
0x60: {  	_ = 	snop  }
0x61: {  	[tilespmem:s5], [sflag:$0x1] =	stream.indirect.gather [hbm4b:s12+s28], $0x20, s28, s28, $0xb8;
	[tilespmem:$0x15E10] =	vst v63  }
0x62: {  	p4 =	por $0x0, $0x0;
	_ =	swait.ge [sflag:s2], $0x1000  }
0x63: {  	s20 =	simm.s32 $0x100;
	p5 =	por !p4, !p4;
	[sflag:s2] =	ssyncset.done $0x0  }
0x64: {  	p5 =	por @!p1 p4, p4;
	p3 =	seq.s32 s21, $0x80000001;
	[sflag:s2] =	ssyncadd.s32 $0xFFFFF000  }
0x65: {  	[tilespmem:s6], [sflag:$0x1] =	stream.indirect.gather [hbm4b:s12+s28], $0x20, s20, s28, $0xb8;
	[tilespmem:$0x15E10] =	vst v63  }
0x66: {  	p4 =	por !p3, !p5;
	s16 =	simm.s32 $0x5100  }
0x67: {  	[spmem:s1] =	stream.indirect.scatter.add.bf16 [tilespmem:s31], [sflag:$0x4], $0x20, s16, s28, $0xb8;
	[tilespmem:$0x15E10] =	vst v63  }
0x68: {  	p4 =	por !p4, !p4;
	_ =	swait.ge [sflag:s7], $0x1000  }
0x69: {  	s15 =	simm.s32 @p4 $0x80;
	[sflag:s7] =	ssyncset.done $0x0  }
0x6a: {  	s17 =	simm.s32 @p4 $0xD200;
	s18 =	simm.s32 @p4 $0x4;
	[sflag:s7] =	ssyncadd.s32 $0xFFFFF000  }
0x6b: {  	[spmem:s3] =	stream.indirect.scatter.add.f32 @p4 [tilespmem:s17], [sflag:$0x4], $0x8, s16, s15, $0xb8;
	[tilespmem:$0x15E10] =	vst v63  }
0x6c: {  	_ =	swait.ge @p4 [sflag:s18], $0x400  }
0x6d: {  	[sflag:s18] =	ssyncset.done @p4 $0x0  }
0x6e: {  	[sflag:s18] =	ssyncadd.s32 @p4 $0xFFFFFC00  }
0x6f: {  	_ =	swait.ge [sflag:s2], $0x1000  }
0x70: {  	[sflag:s2] =	ssyncset.done $0x0  }
0x71: {  	s21 =	simm.s32 $0x180;
	[sflag:s2] =	ssyncadd.s32 $0xFFFFF000  }
0x72: {  	[tilespmem:s31], [sflag:$0x1] =	stream.indirect.gather [hbm4b:s12+s28], $0x20, s21, s28, $0xb8;
	[tilespmem:$0x15E10] =	vst v63  }
0x73: {  	s16 =	simm.s32 $0x5180  }
0x74: {  	[spmem:s1] =	stream.indirect.scatter.add.bf16 [tilespmem:s5], [sflag:$0x4], $0x20, s16, s28, $0xb8;
	[tilespmem:$0x15E10] =	vst v63  }
0x75: {  	_ =	swait.ge [sflag:s7], $0x1000  }
0x76: {  	[sflag:s7] =	ssyncset.done $0x0  }
0x77: {  	[sflag:s7] =	ssyncadd.s32 $0xFFFFF000  }
0x78: {  	[spmem:s3] =	stream.indirect.scatter.add.f32 @p4 [tilespmem:s17], [sflag:$0x4], $0x8, s16, s15, $0xb8;
	[tilespmem:$0x15E10] =	vst v63  }
0x79: {  	_ =	swait.ge @p4 [sflag:s18], $0x400  }
0x7a: {  	[sflag:s18] =	ssyncset.done @p4 $0x0  }
0x7b: {  	[sflag:s18] =	ssyncadd.s32 @p4 $0xFFFFFC00  }
0x7c: {  	_ =	swait.ge [sflag:s2], $0x1000  }
0x7d: {  	[sflag:s2] =	ssyncset.done $0x0  }
0x7e: {  	s22 =	simm.s32 $0x200;
	[sflag:s2] =	ssyncadd.s32 $0xFFFFF000  }
0x7f: {  	[tilespmem:s5], [sflag:$0x1] =	stream.indirect.gather [hbm4b:s12+s28], $0x20, s22, s28, $0xb8;
	[tilespmem:$0x15E10] =	vst v63  }
0x80: {  	s16 =	simm.s32 $0x5200  }
0x81: {  	[spmem:s1] =	stream.indirect.scatter.add.bf16 [tilespmem:s6], [sflag:$0x4], $0x20, s16, s28, $0xb8;
	[tilespmem:$0x15E10] =	vst v63  }
0x82: {  	_ =	swait.ge [sflag:s7], $0x1000  }
0x83: {  	[sflag:s7] =	ssyncset.done $0x0  }
0x84: {  	[sflag:s7] =	ssyncadd.s32 $0xFFFFF000  }
0x85: {  	[spmem:s3] =	stream.indirect.scatter.add.f32 @p4 [tilespmem:s17], [sflag:$0x3], $0x8, s16, s15, $0xb8;
	[tilespmem:$0x15E10] =	vst v63  }
0x86: {  	s17 =	simm.s32 @p4 $0x3  }
0x87: {  	s15 =	simm.s32 $0x600;
	s16 =	simm.s32 $0x0;
	_ =	swait.ge @p4 [sflag:s17], $0x400  }
.LBB2_2:
0x88: {  	[sflag:s17] =	ssyncset.done @p4 $0x0  }
0x89: {  	s16 =	sadd.s32 $0x1, s16;
	s18 =	smov.u32 s15;
	s15 =	sadd.s32 $0x600, s15  }
0x8a: {  	p5 =	sne.s32 s15, $0x13E00;
	[sflag:s17] =	ssyncadd.s32 @p4 $0xFFFFFC00  }
0x8b: {  	_ =	swait.ge [sflag:s2], $0x1000  }
0x8c: {  	s17 =	sshra.s32 s18, $0x2;
	[sflag:s2] =	ssyncset.done $0x0  }
0x8d: {  	p4 =	sgt.u32 s16, $0x1A;
	s18 =	sadd.s32 $0x100, s17;
	[sflag:s2] =	ssyncadd.s32 $0xFFFFF000  }
0x8e: {  	[tilespmem:s6], [sflag:$0x1] =	stream.indirect.gather [hbm4b:s12+s28], $0x20, s18, s28, $0xb8;
	[tilespmem:$0x15E10] =	vst v63  }
0x8f: {  	p6 =	por !p4, !p4;
	s18 =	sadd.s32 $0x5100, s17  }
0x90: {  	[spmem:s1] =	stream.indirect.scatter.add.bf16 [tilespmem:s31], [sflag:$0x4], $0x20, s18, s28, $0xb8;
	[tilespmem:$0x15E10] =	vst v63  }
0x91: {  	p6 =	por @!p1 p4, p4;
	_ =	swait.ge [sflag:s7], $0x1000  }
0x92: {  	p4 =	por !p3, !p6;
	[sflag:s7] =	ssyncset.done $0x0  }
0x93: {  	p4 =	por !p4, !p4;
	[sflag:s7] =	ssyncadd.s32 $0xFFFFF000  }
0x94: {  	s19 =	simm.s32 @p4 $0x80;
	s20 =	simm.s32 @p4 $0xD200;
	s21 =	simm.s32 @p4 $0x4  }
0x95: {  	[spmem:s3] =	stream.indirect.scatter.add.f32 @p4 [tilespmem:s20], [sflag:$0x4], $0x8, s18, s19, $0xb8;
	[tilespmem:$0x15E10] =	vst v63  }
0x96: {  	_ =	swait.ge @p4 [sflag:s21], $0x400  }
0x97: {  	[sflag:s21] =	ssyncset.done @p4 $0x0  }
0x98: {  	[sflag:s21] =	ssyncadd.s32 @p4 $0xFFFFFC00  }
0x99: {  	_ =	swait.ge [sflag:s2], $0x1000  }
0x9a: {  	s18 =	sadd.s32 $0x180, s17;
	[sflag:s2] =	ssyncset.done $0x0  }
0x9b: {  	s22 =	sadd.s32 $0x5180, s17;
	[sflag:s2] =	ssyncadd.s32 $0xFFFFF000  }
0x9c: {  	[tilespmem:s31], [sflag:$0x1] =	stream.indirect.gather [hbm4b:s12+s28], $0x20, s18, s28, $0xb8;
	[tilespmem:$0x15E10] =	vst v63  }
0x9d: {  	_ = 	snop  }
0x9e: {  	[spmem:s1] =	stream.indirect.scatter.add.bf16 [tilespmem:s5], [sflag:$0x4], $0x20, s22, s28, $0xb8;
	[tilespmem:$0x15E10] =	vst v63  }
0x9f: {  	_ =	swait.ge [sflag:s7], $0x1000  }
0xa0: {  	[sflag:s7] =	ssyncset.done $0x0  }
0xa1: {  	[sflag:s7] =	ssyncadd.s32 $0xFFFFF000  }
0xa2: {  	[spmem:s3] =	stream.indirect.scatter.add.f32 @p4 [tilespmem:s20], [sflag:$0x4], $0x8, s22, s19, $0xb8;
	[tilespmem:$0x15E10] =	vst v63  }
0xa3: {  	_ =	swait.ge @p4 [sflag:s21], $0x400  }
0xa4: {  	[sflag:s21] =	ssyncset.done @p4 $0x0  }
0xa5: {  	[sflag:s21] =	ssyncadd.s32 @p4 $0xFFFFFC00  }
0xa6: {  	_ =	swait.ge [sflag:s2], $0x1000  }
0xa7: {  	s18 =	sadd.s32 $0x200, s17;
	[sflag:s2] =	ssyncset.done $0x0  }
0xa8: {  	s21 =	sadd.s32 $0x5200, s17;
	[sflag:s2] =	ssyncadd.s32 $0xFFFFF000  }
0xa9: {  	[tilespmem:s5], [sflag:$0x1] =	stream.indirect.gather [hbm4b:s12+s28], $0x20, s18, s28, $0xb8;
	[tilespmem:$0x15E10] =	vst v63  }
0xaa: {  	_ = 	snop  }
0xab: {  	[spmem:s1] =	stream.indirect.scatter.add.bf16 [tilespmem:s6], [sflag:$0x4], $0x20, s21, s28, $0xb8;
	[tilespmem:$0x15E10] =	vst v63  }
.Ltmp0:
0xac: {  	_ =	swait.ge [sflag:s7], $0x1000;
	(pc) =	sbr.rel @p5 .LBB2_2-.Ltmp0, $4  }
0xad: {  	[sflag:s7] =	ssyncset.done $0x0  }
0xae: {  	s17 =	simm.s32 @p4 $0x3;
	[sflag:s7] =	ssyncadd.s32 $0xFFFFF000  }
0xaf: {  	[spmem:s3] =	stream.indirect.scatter.add.f32 @p4 [tilespmem:s20], [sflag:$0x3], $0x8, s21, s19, $0xb8;
	[tilespmem:$0x15E10] =	vst v63  }
0xb0: {  	_ =	swait.ge @p4 [sflag:s17], $0x400  }
0xb1: {  	[sflag:s17] =	ssyncset.done @p4 $0x0  }
0xb2: {  	[sflag:s17] =	ssyncadd.s32 @p4 $0xFFFFFC00  }
0xb3: {  	_ =	swait.ge [sflag:s2], $0x1000  }
0xb4: {  	[sflag:s2] =	ssyncset.done $0x0  }
0xb5: {  	s15 =	simm.s32 $0x5080;
	[sflag:s2] =	ssyncadd.s32 $0xFFFFF000  }
0xb6: {  	[tilespmem:s6], [sflag:$0x1] =	stream.indirect.gather [hbm4b:s12+s28], $0x20, s15, s28, $0xb8;
	[tilespmem:$0x15E10] =	vst v63  }
0xb7: {  	s21 =	simm.s32 $0xA080  }
0xb8: {  	[spmem:s1] =	stream.indirect.scatter.add.bf16 [tilespmem:s31], [sflag:$0x4], $0x20, s21, s28, $0xb8;
	[tilespmem:$0x15E10] =	vst v63  }
0xb9: {  	p3 =	por !p3, !p0;
	_ =	swait.ge [sflag:s7], $0x1000  }
0xba: {  	p3 =	por !p3, !p3;
	[sflag:s7] =	ssyncset.done $0x0  }
0xbb: {  	s15 =	simm.s32 @!p3 $0x1;
	[sflag:s7] =	ssyncadd.s32 $0xFFFFF000  }
0xbc: {  	_ =	swait.ge @!p3 [sflag:s15], $0x1000  }
0xbd: {  	s16 =	simm.s32 @!p3 $0xA100;
	[sflag:s15] =	ssyncset.done @!p3 $0x0  }
0xbe: {  	s17 =	simm.s32 @!p3 $0xB200;
	[sflag:s15] =	ssyncadd.s32 @!p3 $0xFFFFF000;
	s15 =	simm.s32 @!p3 $0x80  }
0xbf: {  	[spmem:s1] =	stream.indirect.scatter.add.bf16 @!p3 [tilespmem:s17], [sflag:$0x4], $0x20, s16, s15, $0xb8;
	[tilespmem:$0x15E10] =	vst v63  }
0xc0: {  	s15 =	simm.s32 @!p3 $0x4  }
0xc1: {  	_ =	swait.ge @!p3 [sflag:s15], $0x1000  }
0xc2: {  	s16 =	simm.s32 @p3 $0xA080;
	[sflag:s15] =	ssyncset.done @!p3 $0x0  }
0xc3: {  	s17 =	simm.s32 @p3 $0xD200;
	[sflag:s15] =	ssyncadd.s32 @!p3 $0xFFFFF000;
	s15 =	simm.s32 @p3 $0x80  }
0xc4: {  	[spmem:s3] =	stream.indirect.scatter.add.f32 @p3 [tilespmem:s17], [sflag:$0x4], $0x8, s16, s15, $0xb8;
	[tilespmem:$0x15E10] =	vst v63  }
0xc5: {  	s16 =	simm.s32 @p3 $0x4  }
0xc6: {  	_ =	swait.ge @p3 [sflag:s16], $0x400  }
0xc7: {  	[sflag:s16] =	ssyncset.done @p3 $0x0  }
0xc8: {  	s18 =	simm.s32 @p3 $0x1;
	[sflag:s16] =	ssyncadd.s32 @p3 $0xFFFFFC00  }
0xc9: {  	_ =	swait.ge @p3 [sflag:s18], $0x1000  }
0xca: {  	[sflag:s18] =	ssyncset.done @p3 $0x0  }
0xcb: {  	s19 =	simm.s32 @p3 $0xB200;
	[sflag:s18] =	ssyncadd.s32 @p3 $0xFFFFF000;
	s18 =	simm.s32 @p3 $0xA100  }
0xcc: {  	[spmem:s1] =	stream.indirect.scatter.add.bf16 @p3 [tilespmem:s19], [sflag:$0x4], $0x20, s18, s15, $0xb8;
	[tilespmem:$0x15E10] =	vst v63  }
0xcd: {  	_ =	swait.ge @p3 [sflag:s16], $0x1000  }
0xce: {  	[sflag:s16] =	ssyncset.done @p3 $0x0  }
0xcf: {  	[sflag:s16] =	ssyncadd.s32 @p3 $0xFFFFF000  }
0xd0: {  	[spmem:s3] =	stream.indirect.scatter.add.f32 @p3 [tilespmem:s17], [sflag:$0x4], $0x8, s18, s15, $0xb8;
	[tilespmem:$0x15E10] =	vst v63  }
0xd1: {  	_ =	swait.ge @p3 [sflag:s16], $0x400  }
0xd2: {  	[sflag:s16] =	ssyncset.done @p3 $0x0  }
0xd3: {  	[sflag:s16] =	ssyncadd.s32 @p3 $0xFFFFFC00  }
0xd4: {  	_ =	swait.ge [sflag:s2], $0x1000  }
0xd5: {  	[sflag:s2] =	ssyncset.done $0x0  }
0xd6: {  	s22 =	simm.s32 $0xA180;
	[sflag:s2] =	ssyncadd.s32 $0xFFFFF000  }
0xd7: {  	[spmem:s1] =	stream.indirect.scatter.add.bf16 [tilespmem:s6], [sflag:$0x4], $0x20, s22, s28, $0xb8;
	[tilespmem:$0x15E10] =	vst v63  }
0xd8: {  	_ =	swait.ge [sflag:s7], $0x1000  }
0xd9: {  	[sflag:s7] =	ssyncset.done $0x0  }
0xda: {  	s16 =	simm.s32 @p3 $0xA180;
	[sflag:s7] =	ssyncadd.s32 $0xFFFFF000  }
0xdb: {  	[spmem:s3] =	stream.indirect.scatter.add.f32 @p3 [tilespmem:s17], [sflag:$0x3], $0x8, s16, s15, $0xb8;
	[tilespmem:$0x15E10] =	vst v63  }
0xdc: {  	s15 =	simm.s32 @p3 $0x3  }
0xdd: {  	_ =	swait.ge @p3 [sflag:s15], $0x400  }
0xde: {  	[sflag:s15] =	ssyncset.done @p3 $0x0  }
0xdf: {  	[sflag:s15] =	ssyncadd.s32 @p3 $0xFFFFFC00  }
0xe0: {  	[bflag:$0x0] =	sbarrier.arrive $0xFFFF  }
0xe1: {  	[tilespmem:s31], [sflag:$0x3] =	stream.linear.gather [spmem:s9], $0x1000, $0x38;
	[tilespmem:$0x15E10] =	vst v63  }
0xe2: {  	_ =	swait.ge [sflag:s29], $0x1000  }
0xe3: {  	[sflag:s29] =	ssyncset.done $0x0  }
0xe4: {  	s18 =	rddreg [dreg:$0xa];
	[sflag:s29] =	ssyncadd.s32 $0xFFFFF000  }
0xe5: {  	[hbm4b:s18+s4] =	stream.linear.scatter [tilespmem:s31], [sflag:$0x2], $0x1000, $0x38;
	[tilespmem:$0x15E10] =	vst v63  }
0xe6: {  	_ = 	snop  }
0xe7: {  	[tilespmem:s5], [sflag:$0x3] =	stream.linear.gather [spmem:s10], $0x1000, $0x38;
	[tilespmem:$0x15E10] =	vst v63  }
0xe8: {  	_ =	swait.ge [sflag:s29], $0x1000  }
0xe9: {  	[sflag:s29] =	ssyncset.done $0x0  }
0xea: {  	s19 =	rddreg [dreg:$0xb];
	[sflag:s29] =	ssyncadd.s32 $0xFFFFF000  }
0xeb: {  	[hbm4b:s19+s4] =	stream.linear.scatter [tilespmem:s5], [sflag:$0x2], $0x1000, $0x38;
	[tilespmem:$0x15E10] =	vst v63  }
0xec: {  	_ = 	snop  }
0xed: {  	[tilespmem:s6], [sflag:$0x3] =	stream.linear.gather [spmem:s11], $0x1000, $0x38;
	[tilespmem:$0x15E10] =	vst v63  }
0xee: {  	_ =	swait.ge [sflag:s29], $0x1000  }
0xef: {  	[sflag:s29] =	ssyncset.done $0x0  }
0xf0: {  	s20 =	rddreg [dreg:$0xc];
	[sflag:s29] =	ssyncadd.s32 $0xFFFFF000  }
0xf1: {  	[hbm4b:s20+s4] =	stream.linear.scatter [tilespmem:s6], [sflag:$0x2], $0x1000, $0x38;
	[tilespmem:$0x15E10] =	vst v63  }
0xf2: {  	_ =	swait.ge [sflag:s0], $0x1000  }
0xf3: {  	[sflag:s0] =	ssyncset.done $0x0  }
0xf4: {  	[sflag:s0] =	ssyncadd.s32 $0xFFFFF000  }
0xf5: {  	[tilespmem:s31], [sflag:$0x3] =	stream.linear.gather [spmem:s13], $0x1000, $0x38;
	[tilespmem:$0x15E10] =	vst v63  }
0xf6: {  	_ =	swait.ge [sflag:s29], $0x1000  }
0xf7: {  	[sflag:s29] =	ssyncset.done $0x0  }
0xf8: {  	s21 =	rddreg [dreg:$0xd];
	[sflag:s29] =	ssyncadd.s32 $0xFFFFF000  }
0xf9: {  	[hbm4b:s21+s4] =	stream.linear.scatter [tilespmem:s31], [sflag:$0x2], $0x1000, $0x38;
	[tilespmem:$0x15E10] =	vst v63  }
0xfa: {  	_ =	swait.ge [sflag:s0], $0x1000  }
0xfb: {  	[sflag:s0] =	ssyncset.done $0x0  }
0xfc: {  	[sflag:s0] =	ssyncadd.s32 $0xFFFFF000  }
0xfd: {  	[tilespmem:s5], [sflag:$0x3] =	stream.linear.gather [spmem:s14], $0x1000, $0x38;
	[tilespmem:$0x15E10] =	vst v63  }
0xfe: {  	_ =	swait.ge [sflag:s29], $0x1000  }
0xff: {  	[sflag:s29] =	ssyncset.done $0x0  }
0x100: {  	s22 =	rddreg [dreg:$0xe];
	[sflag:s29] =	ssyncadd.s32 $0xFFFFF000  }
0x101: {  	[hbm4b:s22+s4] =	stream.linear.scatter [tilespmem:s5], [sflag:$0x2], $0x1000, $0x38;
	[tilespmem:$0x15E10] =	vst v63  }
0x102: {  	_ =	swait.ge [sflag:s0], $0x1000  }
0x103: {  	[sflag:s0] =	ssyncset.done $0x0  }
0x104: {  	[sflag:s0] =	ssyncadd.s32 $0xFFFFF000  }
0x105: {  	_ =	swait.ge [sflag:s0], $0x1000  }
0x106: {  	[sflag:s0] =	ssyncset.done $0x0  }
0x107: {  	[sflag:s0] =	ssyncadd.s32 $0xFFFFF000  }
0x108: {  	_ =	swait.ge [sflag:s0], $0x1000  }
0x109: {  	[sflag:s0] =	ssyncset.done $0x0  }
0x10a: {  	s16 =	simm.s32 @!p2 $0x3;
	s15 =	simm.s32 @!p2 $0xE600;
	[sflag:s0] =	ssyncadd.s32 $0xFFFFF000  }
0x10b: {  	[tilespmem:s15], [sflag:$0x3] =	stream.linear.gather @!p2 [spmem:s24], $0x1400, $0x38;
	[tilespmem:$0x15E10] =	vst v63  }
0x10c: {  	s8 =	sadd.s32 $0x1, s8;
	_ =	swait.ge @!p2 [sflag:s16], $0x1400  }
0x10d: {  	s17 =	sadd.s32 @!p2 s25, s23;
	p3 =	sne.s32 s8, s26;
	[sflag:s16] =	ssyncset.done @!p2 $0x0  }
.Ltmp1:
0x10e: {  	s18 =	simm.s32 @!p2 $0x0;
	[sflag:s16] =	ssyncadd.s32 @!p2 $0xFFFFEC00;
	(pc) =	sbr.rel @p3 .LBB2_1-.Ltmp1, $4  }
0x10f: {  	[hbm4b:s17+s18] =	stream.linear.scatter @!p2 [tilespmem:s15], [sflag:$0x3], $0x1400, $0x38;
	[tilespmem:$0x15E10] =	vst v63  }
0x110: {  	_ =	swait.ge @!p2 [sflag:s16], $0x1400  }
0x111: {  	[sflag:s16] =	ssyncset.done @!p2 $0x0  }
0x112: {  	[sflag:s16] =	ssyncadd.s32 @!p2 $0xFFFFEC00  }
0x113: {  	_ =	sfence.sel $0x180000  }
0x114: {  	[bflag:$0x0] =	sbarrier.arrive $0xFFFF  }
0x115: {  	_ =	strace $0x9000004A  }
0x116: {  	s0 =	stileid.u32;
	[bflag:$0x2] =	sbarrier.arrive $0xFFFF  }
0x117: {  	p0 =	sne.s32 s0, $0x0;
	s0 =	rddreg [dreg:$0x4]  }
0x118: {  	s0 =	sadd.s32 @!p0 $0x100000, s0  }
0x119: {  	[sflag:s0] =	ssyncadd.tile.s32 @!p0 $0x1;
	_ =	shalt  }
.Lfunc_end2:
_tile_overlayer_lowered:
.L_overlay_start_2:
0x11a: {  	(tag) =	ssettag $0x2  }
0x11b: {  	s0 =	rddreg [dreg:$0x0];
	s2 =	stileid.u32  }
0x11c: {  	s1 =	rddreg [dreg:$0x1];
	p0 =	sne.s32 s2, $0x0  }
0x11d: {  	s3 =	rddreg [dreg:$0x2];
	[bflag:$0x3] =	sbarrier.arrive $0xFFFF;
	s2 =	simm.s32 @!p0 $0x1C03  }
0x11e: {  	[timem:s3], [sflag:s2] =	dma.local @!p0 [hbm:s0], s1  }
0x11f: {  	s0 =	simm.s32 @!p0 $0x3  }
0x120: {  	_ =	swait.ge @!p0 [sflag:s0], s1  }
0x121: {  	s1 =	ssub.s32 @!p0 $0x0, s1;
	[sflag:s0] =	ssyncset.done @!p0 $0x0  }
0x122: {  	[sflag:s0] =	ssyncadd.s32 @!p0 s1  }
0x123: {  	[bflag:$0x3] =	sbarrier.arrive $0xFFFF  }
0x124: {  	_ =	shalt  }

// kernel: kernel.9.cloned.1.call-start
scs
__scs_entry_jumppad:
0x0: {  	(pc) =	sbr.rel $0x88, $3  }
0x1: {  	(tag) =	ssettag $0x0;
	lr =	simm.s32 $0x1  }
0x2: {  	[smem:$0x3F97] =	sst lr;
	_ =	strace $0xD0000000  }
0x3: {  	_ = 	snop  }
0x4: {  	_ = 	snop  }
0x5: {  	_ = 	snop  }
0x6: {  	_ = 	snop  }
0x7: {  	_ = 	snop  }
__scs_overlays_trampoline_lowered:
0x8: {  	[smem:$0x3FA6] =	sst s0  }
0x9: {  	[smem:$0x3FA7] =	sst s1  }
0xa: {  	[smem:$0x3FA8] =	sst s2  }
0xb: {  	[smem:$0x3FA9] =	sst s3  }
0xc: {  	[smem:$0x3FAA] =	sst s4  }
0xd: {  	[smem:$0x3FAB] =	sst s5  }
0xe: {  	[smem:$0x3FAC] =	sst s6  }
0xf: {  	[smem:$0x3FAD] =	sst s7  }
0x10: {  	[smem:$0x3FAE] =	sst s8  }
0x11: {  	[smem:$0x3FAF] =	sst s9;
	s0 =	simm.s32 @!p0 $0x0  }
0x12: {  	s1 =	sld [smem:$0x3F95];
	s0 =	simm.s32 @p0 $0x1  }
0x13: {  	[smem:$0x3FB0] =	sst s0;
	s0 =	simm.s32 @!p1 $0x0  }
0x14: {  	s2 =	sld [smem:$0x3F94];
	s0 =	simm.s32 @p1 $0x1  }
0x15: {  	[smem:$0x3FB1] =	sst s0;
	s0 =	simm.s32 @!p2 $0x0  }
0x16: {  	s3 =	sld [smem:$0x3FDB];
	s0 =	simm.s32 @p2 $0x1  }
0x17: {  	s4 =	simm.s32 $0x1BF5;
	[smem:$0x3FB3] =	sst s0  }
0x18: {  	s0 =	sld [smem:$0x3F96];
	_ =	swait.ge [sflag:s4], $0x0  }
0x19: {  	s7 =	sld [smem:$0x3F97]  }
0x1a: {  	s8 =	sadd.s32 $0xFFFFE003, lr  }
0x1b: {  	s9 =	sadd.s32 $0xFFFFFEF7, lr;
	s5 =	simm.s32 $0xFFFFFFFF;
	p2 =	slt.u32 s8, $0xFFFFF086  }
0x1c: {  	p1 =	slt.u32 s9, $0xF7A;
	s5 =	simm.s32 @!p2 $0x0  }
0x1d: {  	s5 =	simm.s32 @p1 $0x1;
	p0 =	seq.s32 s7, s2  }
0x1e: {  	s7 =	smul.u32 @!p0 $0xF7A, s2;
	p2 =	seq.s32 @!p0 s5, $0x0  }
0x1f: {  	s9 =	smul.u32 $0xF7A, s1;
	s8 =	simm.s32 @!p0 $0x1BF5;
	p2 =	por !p2, p0  }
0x20: {  	[sflag:s8] =	ssyncset.s32 @!p0 $0xFFFFF086;
	s6 =	sadd.s32 @!p0 s3, s7;
	s7 =	simm.s32 @!p0 $0x108  }
0x21: {  	s3 =	sadd.s32 s3, s9;
	s6 =	sadd.s32 @!p0 $0x88, s6;
	s7 =	simm.s32 @p2 $0x1082  }
0x22: {  	[simem:s7], [sflag:s8] =	dma.local @!p0 [hbm:s6], $0xF7A  }
0x23: {  	s9 =	sor.u32 $0xD0000000, s2;
	s6 =	simm.s32 $0x108;
	_ =	swait.ge @!p0 [sflag:s8], $0x0  }
0x24: {  	s3 =	sadd.s32 $0x88, s3;
	s6 =	simm.s32 @!p1 $0x1082;
	[sflag:s4] =	ssyncset.s32 $0xFFFFF086  }
0x25: {  	[simem:s6], [sflag:s4] =	dma.local [hbm:s3], $0xF7A  }
0x26: {  	[smem:$0x3F97] =	sst s1;
	(tag) =	ssettag s2;
	_ =	strace s9  }
0x27: {  	s1 =	sld [smem:$0x3FA7]  }
0x28: {  	s2 =	sld [smem:$0x3FA8]  }
0x29: {  	s4 =	sld [smem:$0x3FAA]  }
0x2a: {  	p0 =	seq.s32 s5, $0x0;
	s5 =	sld [smem:$0x3FAB]  }
0x2b: {  	s6 =	sld [smem:$0x3FAC]  }
0x2c: {  	s7 =	sld [smem:$0x3FAD]  }
0x2d: {  	s3 =	simm.s32 $0x108;
	s8 =	sld [smem:$0x3FAE]  }
0x2e: {  	s3 =	simm.s32 @!p0 $0x1082;
	s9 =	sld [smem:$0x3FAF]  }
0x2f: {  	lr =	sadd.s32 s0, s3;
	s0 =	sld [smem:$0x3FA6]  }
0x30: {  	s3 =	sld [smem:$0x3FA9]  }
0x31: {  	[smem:$0x3FB2] =	sst s10  }
0x32: {  	s10 =	sld [smem:$0x3FB0];
	_ =	sdelay $0x3  }
0x33: {  	p0 =	seq.s32 s10, $0x1;
	s10 =	sld [smem:$0x3FB2];
	_ =	sdelay $0x3  }
0x34: {  	[smem:$0x3FB2] =	sst s10  }
0x35: {  	s10 =	sld [smem:$0x3FB1];
	_ =	sdelay $0x3  }
0x36: {  	p1 =	seq.s32 s10, $0x1;
	s10 =	sld [smem:$0x3FB2];
	_ =	sdelay $0x3  }
0x37: {  	[smem:$0x3FB2] =	sst s10  }
0x38: {  	s10 =	sld [smem:$0x3FB3]  }
0x39: {  	_ = 	snop;
	(pc) =	sbr.ind lr, $3  }
0x3a: {  	_ = 	snop  }
0x3b: {  	_ = 	snop  }
0x3c: {  	p2 =	seq.s32 s10, $0x1;
	s10 =	sld [smem:$0x3FB2]  }
0x3d: {  	_ =	shalt  }
0x3e: {  	_ =	shalt  }
0x3f: {  	_ =	shalt  }
0x40: {  	_ =	shalt  }
0x41: {  	_ =	shalt  }
0x42: {  	_ =	shalt  }
0x43: {  	_ =	shalt  }
0x44: {  	_ =	shalt  }
0x45: {  	_ =	shalt  }
0x46: {  	_ =	shalt  }
0x47: {  	_ =	shalt  }
0x48: {  	_ =	shalt  }
0x49: {  	_ =	shalt  }
0x4a: {  	_ =	shalt  }
0x4b: {  	_ =	shalt  }
0x4c: {  	_ =	shalt  }
0x4d: {  	_ =	shalt  }
0x4e: {  	_ =	shalt  }
0x4f: {  	_ =	shalt  }
0x50: {  	_ =	shalt  }
0x51: {  	_ =	shalt  }
0x52: {  	_ =	shalt  }
0x53: {  	_ =	shalt  }
0x54: {  	_ =	shalt  }
0x55: {  	_ =	shalt  }
0x56: {  	_ =	shalt  }
0x57: {  	_ =	shalt  }
0x58: {  	_ =	shalt  }
0x59: {  	_ =	shalt  }
0x5a: {  	_ =	shalt  }
0x5b: {  	_ =	shalt  }
0x5c: {  	_ =	shalt  }
0x5d: {  	_ =	shalt  }
0x5e: {  	_ =	shalt  }
0x5f: {  	_ =	shalt  }
0x60: {  	_ =	shalt  }
0x61: {  	_ =	shalt  }
0x62: {  	_ =	shalt  }
0x63: {  	_ =	shalt  }
0x64: {  	_ =	shalt  }
0x65: {  	_ =	shalt  }
0x66: {  	_ =	shalt  }
0x67: {  	_ =	shalt  }
0x68: {  	_ =	shalt  }
0x69: {  	_ =	shalt  }
0x6a: {  	_ =	shalt  }
0x6b: {  	_ =	shalt  }
0x6c: {  	_ =	shalt  }
0x6d: {  	_ =	shalt  }
0x6e: {  	_ =	shalt  }
0x6f: {  	_ =	shalt  }
0x70: {  	_ =	shalt  }
0x71: {  	_ =	shalt  }
0x72: {  	_ =	shalt  }
0x73: {  	_ =	shalt  }
0x74: {  	_ =	shalt  }
0x75: {  	_ =	shalt  }
0x76: {  	_ =	shalt  }
0x77: {  	_ =	shalt  }
0x78: {  	_ =	shalt  }
0x79: {  	_ =	shalt  }
0x7a: {  	_ =	shalt  }
0x7b: {  	_ =	shalt  }
0x7c: {  	_ =	shalt  }
0x7d: {  	_ =	shalt  }
0x7e: {  	_ =	shalt  }
0x7f: {  	_ =	shalt  }
0x80: {  	_ =	shalt  }
0x81: {  	_ =	shalt  }
0x82: {  	_ =	shalt  }
0x83: {  	_ =	shalt  }
0x84: {  	_ =	shalt  }
0x85: {  	_ =	shalt  }
0x86: {  	_ =	shalt  }
0x87: {  	_ =	shalt  }
.Lfunc_end0:
.L_simem_size_0:
called_computation_lowered:
.L_overlay_start_0:
0x88: {  	s2 =	sld [smem:$0x3FD9]  }
0x89: {  	s3 =	sld [smem:$0x3FFE];
	_ =	sdelay $0x1  }
0x8a: {  	s1 =	srdreg.scid  }
0x8b: {  	s0 =	sand.u32 $0x1, s1  }
0x8c: {  	s17 =	sshll.u32 s0, $0xA;
	s2 =	sadd.s32 s3, s2  }
0x8d: {  	s2 =	sadd.s32 s2, s17  }
0x8e: {  	[smem:$0x3FBE] =	sst s2  }
0x8f: {  	_ = 	snop  }
0x90: {  	s2 =	sld [smem:$0x3FD0];
	(tm) =	ssettm $0x1  }
0x91: {  	s18 =	sld [smem:$0x3FFB];
	_ =	sdelay $0x3  }
0x92: {  	_ =	strace s18  }
0x93: {  	s3 =	sld [smem:$0x3FFC];
	_ =	sdelay $0x3  }
0x94: {  	_ =	strace s3  }
0x95: {  	s3 =	sld [smem:$0x3FFD];
	_ =	sdelay $0x3  }
0x96: {  	_ =	strace s3  }
0x97: {  	_ =	strace $0x8FFFFFFF  }
0x98: {  	s19 =	sld [smem:$0x3FDB];
	_ =	sdelay $0x1  }
0x99: {  	s4 =	simm.s32 $_scs_section_size  }
0x9a: {  	s5 =	simm.s32 $_size__tile_overlayer_lowered;
	s6 =	simm.s32 $_tile_overlayer_lowered  }
0x9b: {  	s22 =	simm.s32 $0x1BFF;
	s21 =	sshll.u32 s6, $0x1;
	s3 =	sadd.s32 s4, s19  }
0x9c: {  	s7 =	simm.s32 $0x0;
	s20 =	sshll.u32 s5, $0x1;
	s5 =	sadd.s32 s21, s3  }
0x9d: {  	[timem:s7], [sflag:s22] =	dma.local [hbm:s5], s20  }
0x9e: {  	_ =	swait.ge [sflag:s22], s20  }
0x9f: {  	s4 =	ssub.s32 $0x0, s20;
	[sflag:s22] =	ssyncset.done $0x0  }
0xa0: {  	[sflag:s22] =	ssyncadd.s32 s4;
	_ =	sdelay $0x1  }
0xa1: {  	s23 =	simm.s32 $0x1B8B  }
0xa2: {  	_ =	swait.ge [sflag:s23], $0x1  }
0xa3: {  	[sflag:s23] =	ssyncset.done $0x0  }
0xa4: {  	s25 =	simm.s32 $0x1B8E;
	s24 =	sld [smem:$0x3FFE];
	[sflag:s23] =	ssyncadd.s32 $0xFFFFFFFF  }
0xa5: {  	s26 =	simm.s32 $execute0_lowered;
	[smem:$0x3FD2] =	sst s25  }
0xa6: {  	s5 =	sshll.u32 s26, $0x1;
	_ =	strace $0x80000046;
	[dreg:$0x1] =	wrdreg $0xFFFFFFFF  }
0xa7: {  	s28 =	simm.s32 $_size_execute0_lowered;
	s3 =	sadd.s32 s3, s5;
	[dreg:$0x0] =	wrdreg $0x0  }
0xa8: {  	s5 =	sshll.u32 s28, $0x1;
	[dreg:$0x2] =	wrdreg s3  }
0xa9: {  	[dreg:$0x3] =	wrdreg s5  }
0xaa: {  	[dreg:$0x4] =	wrdreg $0xC0  }
0xab: {  	_ =	task [dreg:s7], $0x5FFFF  }
0xac: {  	[dreg:$0x1] =	wrdreg $0xFFFFFFFF  }
0xad: {  	[dreg:$0x0] =	wrdreg $0x60  }
0xae: {  	[dreg:$0x2] =	wrdreg s24  }
0xaf: {  	[dreg:$0x3] =	wrdreg s2  }
0xb0: {  	[dreg:$0x4] =	wrdreg $0xFA100  }
0xb1: {  	[dreg:$0x5] =	wrdreg $0x14A100  }
0xb2: {  	[dreg:$0x6] =	wrdreg $0x9  }
0xb3: {  	_ =	task.clear_ibuf [dreg:s7], $0x7FFFF;
	_ =	strace $0x90000046  }
0xb4: {  	s29 =	simm.s32 $0x9;
	_ =	strace $0x80000048  }
0xb5: {  	_ =	swait.ge [sflag:s29], $0x1  }
0xb6: {  	[sflag:s29] =	ssyncadd.s32 $0xFFFFFFFF  }
0xb7: {  	_ =	strace $0x90000048  }
0xb8: {  	_ =	sfence  }
0xb9: {  	s30 =	sld [smem:$0x0];
	_ =	sdelay $0x2  }
0xba: {  	s31 =	sshll.u32 s1, $0xD;
	s1 =	sshrl.u32 s1, $0x2  }
0xbb: {  	s3 =	sand.u32 $0x4000, s31;
	s1 =	sadd.s32 s1, s30  }
0xbc: {  	s0 =	sor.u32 s3, s0;
	s1 =	sshll.u32 s1, $0x11  }
0xbd: {  	s0 =	sor.u32 s1, s0  }
0xbe: {  	s0 =	sadd.s32 $0x8F2B, s0  }
0xbf: {  	[sflag:s0] =	ssyncadd.remote.s32 $0x1  }
0xc0: {  	_ =	sfence.sel $0xFFFF  }
0xc1: {  	[dreg:$0x0] =	wrdreg $0xFFFFFFFF;
	(pc) =	sbr.abs _section_cstart, $3  }
0xc2: {  	[dreg:$0x1] =	wrdreg $0xFFFFFFFF  }
0xc3: {  	_ =	task.clear_ibuf [dreg:s7], $0x2FFFF;
	_ =	strace $0x9FFFFFFF  }
0xc4: {  	(tm) =	ssettm $0x7FFFFFFF  }
0xc5: {  	_ =	shalt  }
tec
execute0_lowered:
.L_overlay_start_1:
0x0: {  	(tag) =	ssettag $0x1  }
0x1: {  	s0 =	rddreg [dreg:$0x0]  }
0x2: {  	s2 =	rddreg [dreg:$0x1]  }
0x3: {  	s1 =	rddreg [dreg:$0x2]  }
0x4: {  	s3 =	rddreg [dreg:$0x3];
	s4 =	simm.s32 $0x0;
	s22 =	stileid.u32  }
0x5: {  	s6 =	srdreg.scid;
	s29 =	simm.s32 $0x3;
	s30 =	simm.s32 $0xD600  }
0x6: {  	s28 =	simm.s32 $0x80;
	s31 =	simm.s32 $0xA200;
	[smem:$0x7FF] =	sst s4  }
0x7: {  	s5 =	smul.u32 $0xA20, s22;
	s6 =	sand.u32 $0x1, s6;
	s7 =	sadd.s32 $0x16800, s0  }
0x8: {  	s8 =	sadd.s32 $0x1E00, s0;
	_ =	strace $0x80000047;
	[dreg:$0x5] =	wrdreg s7  }
0x9: {  	s18 =	sadd.s32 $0x16400, s0;
	s15 =	smul.u32 $0xA000, s22;
	[dreg:$0x6] =	wrdreg s8  }
0xa: {  	s9 =	sadd.s32 $0x16A00, s0;
	s14 =	smul.u32 $0xA000, s6;
	[dreg:$0x7] =	wrdreg s18  }
0xb: {  	s19 =	smul.u32 $0x2800, s6;
	[dreg:$0x8] =	wrdreg s9;
	s20 =	ssub.s32 $0x2, s6  }
0xc: {  	p0 =	seq.s32 s6, $0x1;
	p1 =	seq.s32 s6, $0x0;
	s6 =	simm.s32 $0xC200  }
0xd: {  	s5 =	sadd.s32 s5, s0;
	s21 =	sshrl.u32 s20, $0x1;
	s17 =	sadd.s32 $0x2000, s15  }
0xe: {  	s18 =	sadd.s32 $0x4000, s15;
	s23 =	sshrl.u32 s15, $0x1;
	s16 =	sadd.s32 s14, s0  }
0xf: {  	s0 =	sadd.s32 s19, s0;
	s8 =	ssub.s32 s20, s21;
	s10 =	sshrl.u32 s17, $0x1  }
0x10: {  	s11 =	sshrl.u32 s18, $0x1;
	s9 =	sadd.s32 s23, s1;
	s19 =	sadd.s32 $0x6000, s15  }
0x11: {  	s20 =	sadd.s32 $0x8000, s15;
	s21 =	smul.u32 $0x5000, s22;
	s12 =	sadd.s32 s2, s14  }
0x12: {  	s17 =	sshrl.u32 s17, $0x4;
	s18 =	sshrl.u32 s18, $0x4;
	s10 =	sadd.s32 s10, s1  }
0x13: {  	s11 =	sadd.s32 s11, s1;
	s13 =	sshrl.u32 s19, $0x1;
	s24 =	sshrl.u32 s20, $0x1  }
0x14: {  	s26 =	sadd.s32 $0x1BC00, s16;
	s16 =	sshrl.u32 s15, $0x4;
	s19 =	sshrl.u32 s19, $0x4  }
0x15: {  	s20 =	sshrl.u32 s20, $0x4;
	s25 =	sshrl.u32 s21, $0x2;
	s7 =	sadd.s32 s16, s26  }
0x16: {  	s21 =	smul.u32 $0x1400, s22;
	s22 =	sadd.s32 s17, s26;
	[dreg:$0xa] =	wrdreg s7  }
0x17: {  	s13 =	sadd.s32 s13, s1;
	s23 =	sadd.s32 s18, s26;
	[dreg:$0xb] =	wrdreg s22  }
0x18: {  	s14 =	sadd.s32 s24, s1;
	s24 =	sadd.s32 s19, s26;
	[dreg:$0xc] =	wrdreg s23  }
0x19: {  	s2 =	sadd.s32 s25, s3;
	[dreg:$0xd] =	wrdreg s24;
	s25 =	sadd.s32 $0xC200, s5  }
0x1a: {  	s23 =	sadd.s32 $0x16C00, s0;
	s0 =	simm.s32 $0x2;
	[dreg:$0x9] =	wrdreg s2  }
0x1b: {  	s7 =	simm.s32 $0x4;
	s2 =	sadd.s32 s20, s26;
	[dreg:$0xf] =	wrdreg s25  }
0x1c: {  	s26 =	sadd.s32 $0x2000, s5;
	s24 =	sadd.s32 s21, s3;
	[dreg:$0xe] =	wrdreg s2  }
0x1d: {  	s25 =	sshrl.u32 s21, $0x3;
	s5 =	simm.s32 $0xB200;
	[dreg:$0x10] =	wrdreg s26  }
0x1e: {  	s26 =	smax.u32 s8, $0x1;
	s2 =	simm.s32 $0x1;
	s8 =	simm.s32 $0x0  }
.LBB2_1:
0x1f: {  	s15 =	rddreg [dreg:$0x8];
	s16 =	simm.s32 $0xFA00  }
0x20: {  	[tilespmem:s16], [sflag:$0x3] =	stream.linear.gather [hbm4b:s15+s4], $0x10, $0x38;
	[tilespmem:$0x15E10] =	vst v63  }
0x21: {  	_ =	swait.ge [sflag:s29], $0x10  }
0x22: {  	[sflag:s29] =	ssyncset.done $0x0  }
0x23: {  	[sflag:s29] =	ssyncadd.s32 $0xFFFFFFF0  }
0x24: {  	v0 =	vld [tilespmem:$0xFA00];
	_ =	sdelay $0x4  }
0x25: {  	v0 =	vxor.u32 $0x80000000, v0  }
0x26: {  	(xrf0) =	vmax.scan.msk.u32 $0xffff, v0;
	_ =	sdelay $0x5  }
0x27: {  	v0, _, _ =	vpop (xrf0)  }
0x28: {  	(v2sf) =	vpush v0, $0xF;
	_ =	sdelay $0xc  }
0x29: {  	s22 =	rddreg [dreg:$0x6]  }
0x2a: {  	[tilespmem:s30], [sflag:$0x3] =	stream.linear.gather [hbm4b:s22+s4], $0x1000, $0x38;
	[tilespmem:$0x15E10] =	vst v63  }
0x2b: {  	s21 =	spop (v2sf)  }
0x2c: {  	_ =	swait.ge [sflag:s29], $0x1000  }
0x2d: {  	[sflag:s29] =	ssyncset.done $0x0  }
0x2e: {  	[sflag:s29] =	ssyncadd.s32 $0xFFFFF000  }
0x2f: {  	[spmem:s9] =	stream.linear.scatter [tilespmem:s30], [sflag:$0x2], $0x1000, $0x38;
	[tilespmem:$0x15E10] =	vst v63  }
0x30: {  	_ = 	snop  }
0x31: {  	[spmem:s10] =	stream.linear.scatter [tilespmem:s30], [sflag:$0x2], $0x1000, $0x38;
	[tilespmem:$0x15E10] =	vst v63  }
0x32: {  	_ = 	snop  }
0x33: {  	[spmem:s11] =	stream.linear.scatter [tilespmem:s30], [sflag:$0x2], $0x1000, $0x38;
	[tilespmem:$0x15E10] =	vst v63  }
0x34: {  	_ = 	snop  }
0x35: {  	[spmem:s13] =	stream.linear.scatter [tilespmem:s30], [sflag:$0x2], $0x1000, $0x38;
	[tilespmem:$0x15E10] =	vst v63  }
0x36: {  	p2 =	sne.s32 s21, $0x80000001  }
0x37: {  	[spmem:s14] =	stream.linear.scatter [tilespmem:s30], [sflag:$0x2], $0x1000, $0x38;
	[tilespmem:$0x15E10] =	vst v63  }
0x38: {  	s16 =	simm.s32 @!p2 $0x0;
	s17 =	simm.s32 @!p2 $0xD200;
	s18 =	rddreg [dreg:$0x5]  }
0x39: {  	[tilespmem:s17], [sflag:$0x3] =	stream.linear.gather @!p2 [hbm4b:s18+s16], $0x400, $0x38;
	[tilespmem:$0x15E10] =	vst v63  }
0x3a: {  	s17 =	simm.s32 @!p2 $0x3  }
0x3b: {  	_ =	swait.ge @!p2 [sflag:s17], $0x400  }
0x3c: {  	[sflag:s17] =	ssyncset.done @!p2 $0x0  }
0x3d: {  	s18 =	simm.s32 @!p2 $0xE600;
	s19 =	rddreg [dreg:$0x7];
	[sflag:s17] =	ssyncadd.s32 @!p2 $0xFFFFFC00  }
0x3e: {  	[tilespmem:s18], [sflag:$0x3] =	stream.linear.gather @!p2 [hbm4b:s19+s16], $0x1400, $0x38;
	[tilespmem:$0x15E10] =	vst v63  }
0x3f: {  	_ =	swait.ge @!p2 [sflag:s17], $0x1400  }
0x40: {  	[sflag:s17] =	ssyncset.done @!p2 $0x0  }
0x41: {  	s16 =	rddreg [dreg:$0x9];
	[sflag:s17] =	ssyncadd.s32 @!p2 $0xFFFFEC00  }
0x42: {  	[spmem:s16] =	stream.linear.scatter @!p2 [tilespmem:s18], [sflag:$0x3], $0x1400, $0x38;
	[tilespmem:$0x15E10] =	vst v63  }
0x43: {  	_ =	swait.ge @!p2 [sflag:s17], $0x1400  }
0x44: {  	[sflag:s17] =	ssyncset.done @!p2 $0x0  }
0x45: {  	[sflag:s17] =	ssyncadd.s32 @!p2 $0xFFFFEC00;
	s17 =	rddreg [dreg:$0xf]  }
0x46: {  	[tilespmem:s4], [sflag:$0x1] =	stream.linear.gather [hbm4b:s17+s4], $0x5100, $0x38;
	[tilespmem:$0x15E10] =	vst v63  }
0x47: {  	s19 =	simm.s32 $0x5100;
	s18 =	rddreg [dreg:$0x10]  }
0x48: {  	[tilespmem:s19], [sflag:$0x1] =	stream.linear.gather [hbm4b:s18+s4], $0x5100, $0x38;
	[tilespmem:$0x15E10] =	vst v63  }
0x49: {  	_ =	swait.ge [sflag:s0], $0x1000  }
0x4a: {  	[sflag:s0] =	ssyncset.done $0x0  }
0x4b: {  	[sflag:s0] =	ssyncadd.s32 $0xFFFFF000  }
0x4c: {  	_ =	swait.ge [sflag:s0], $0x1000  }
0x4d: {  	[sflag:s0] =	ssyncset.done $0x0  }
0x4e: {  	[sflag:s0] =	ssyncadd.s32 $0xFFFFF000  }
0x4f: {  	_ =	swait.ge [sflag:s0], $0x1000  }
0x50: {  	[sflag:s0] =	ssyncset.done $0x0  }
0x51: {  	[sflag:s0] =	ssyncadd.s32 $0xFFFFF000  }
0x52: {  	_ =	swait.ge [sflag:s0], $0x1000  }
0x53: {  	[sflag:s0] =	ssyncset.done $0x0  }
0x54: {  	[sflag:s0] =	ssyncadd.s32 $0xFFFFF000  }
0x55: {  	_ =	swait.ge [sflag:s0], $0x1000  }
0x56: {  	[sflag:s0] =	ssyncset.done $0x0  }
0x57: {  	[sflag:s0] =	ssyncadd.s32 $0xFFFFF000  }
0x58: {  	_ =	swait.ge [sflag:s2], $0x5100  }
0x59: {  	[sflag:s2] =	ssyncset.done $0x0  }
0x5a: {  	[sflag:s2] =	ssyncadd.s32 $0xFFFFAF00  }
0x5b: {  	_ =	swait.ge [sflag:s2], $0x5100  }
0x5c: {  	[sflag:s2] =	ssyncset.done $0x0  }
0x5d: {  	[sflag:s2] =	ssyncadd.s32 $0xFFFFAF00  }
0x5e: {  	[bflag:$0x0] =	sbarrier.arrive $0xFFFF  }
0x5f: {  	[tilespmem:s31], [sflag:$0x1] =	stream.indirect.gather [hbm4b:s12+s28], $0x20, s4, s28, $0xb8;
	[tilespmem:$0x15E10] =	vst v63  }
0x60: {  	_ = 	snop  }
0x61: {  	[tilespmem:s5], [sflag:$0x1] =	stream.indirect.gather [hbm4b:s12+s28], $0x20, s28, s28, $0xb8;
	[tilespmem:$0x15E10] =	vst v63  }
0x62: {  	p4 =	por $0x0, $0x0;
	_ =	swait.ge [sflag:s2], $0x1000  }
0x63: {  	s20 =	simm.s32 $0x100;
	p5 =	por !p4, !p4;
	[sflag:s2] =	ssyncset.done $0x0  }
0x64: {  	p5 =	por @!p1 p4, p4;
	p3 =	seq.s32 s21, $0x80000001;
	[sflag:s2] =	ssyncadd.s32 $0xFFFFF000  }
0x65: {  	[tilespmem:s6], [sflag:$0x1] =	stream.indirect.gather [hbm4b:s12+s28], $0x20, s20, s28, $0xb8;
	[tilespmem:$0x15E10] =	vst v63  }
0x66: {  	p4 =	por !p3, !p5;
	s16 =	simm.s32 $0x5100  }
0x67: {  	[spmem:s1] =	stream.indirect.scatter.add.bf16 [tilespmem:s31], [sflag:$0x4], $0x20, s16, s28, $0xb8;
	[tilespmem:$0x15E10] =	vst v63  }
0x68: {  	p4 =	por !p4, !p4;
	_ =	swait.ge [sflag:s7], $0x1000  }
0x69: {  	s15 =	simm.s32 @p4 $0x80;
	[sflag:s7] =	ssyncset.done $0x0  }
0x6a: {  	s17 =	simm.s32 @p4 $0xD200;
	s18 =	simm.s32 @p4 $0x4;
	[sflag:s7] =	ssyncadd.s32 $0xFFFFF000  }
0x6b: {  	[spmem:s3] =	stream.indirect.scatter.add.f32 @p4 [tilespmem:s17], [sflag:$0x4], $0x8, s16, s15, $0xb8;
	[tilespmem:$0x15E10] =	vst v63  }
0x6c: {  	_ =	swait.ge @p4 [sflag:s18], $0x400  }
0x6d: {  	[sflag:s18] =	ssyncset.done @p4 $0x0  }
0x6e: {  	[sflag:s18] =	ssyncadd.s32 @p4 $0xFFFFFC00  }
0x6f: {  	_ =	swait.ge [sflag:s2], $0x1000  }
0x70: {  	[sflag:s2] =	ssyncset.done $0x0  }
0x71: {  	s21 =	simm.s32 $0x180;
	[sflag:s2] =	ssyncadd.s32 $0xFFFFF000  }
0x72: {  	[tilespmem:s31], [sflag:$0x1] =	stream.indirect.gather [hbm4b:s12+s28], $0x20, s21, s28, $0xb8;
	[tilespmem:$0x15E10] =	vst v63  }
0x73: {  	s16 =	simm.s32 $0x5180  }
0x74: {  	[spmem:s1] =	stream.indirect.scatter.add.bf16 [tilespmem:s5], [sflag:$0x4], $0x20, s16, s28, $0xb8;
	[tilespmem:$0x15E10] =	vst v63  }
0x75: {  	_ =	swait.ge [sflag:s7], $0x1000  }
0x76: {  	[sflag:s7] =	ssyncset.done $0x0  }
0x77: {  	[sflag:s7] =	ssyncadd.s32 $0xFFFFF000  }
0x78: {  	[spmem:s3] =	stream.indirect.scatter.add.f32 @p4 [tilespmem:s17], [sflag:$0x4], $0x8, s16, s15, $0xb8;
	[tilespmem:$0x15E10] =	vst v63  }
0x79: {  	_ =	swait.ge @p4 [sflag:s18], $0x400  }
0x7a: {  	[sflag:s18] =	ssyncset.done @p4 $0x0  }
0x7b: {  	[sflag:s18] =	ssyncadd.s32 @p4 $0xFFFFFC00  }
0x7c: {  	_ =	swait.ge [sflag:s2], $0x1000  }
0x7d: {  	[sflag:s2] =	ssyncset.done $0x0  }
0x7e: {  	s22 =	simm.s32 $0x200;
	[sflag:s2] =	ssyncadd.s32 $0xFFFFF000  }
0x7f: {  	[tilespmem:s5], [sflag:$0x1] =	stream.indirect.gather [hbm4b:s12+s28], $0x20, s22, s28, $0xb8;
	[tilespmem:$0x15E10] =	vst v63  }
0x80: {  	s16 =	simm.s32 $0x5200  }
0x81: {  	[spmem:s1] =	stream.indirect.scatter.add.bf16 [tilespmem:s6], [sflag:$0x4], $0x20, s16, s28, $0xb8;
	[tilespmem:$0x15E10] =	vst v63  }
0x82: {  	_ =	swait.ge [sflag:s7], $0x1000  }
0x83: {  	[sflag:s7] =	ssyncset.done $0x0  }
0x84: {  	[sflag:s7] =	ssyncadd.s32 $0xFFFFF000  }
0x85: {  	[spmem:s3] =	stream.indirect.scatter.add.f32 @p4 [tilespmem:s17], [sflag:$0x3], $0x8, s16, s15, $0xb8;
	[tilespmem:$0x15E10] =	vst v63  }
0x86: {  	s17 =	simm.s32 @p4 $0x3  }
0x87: {  	s15 =	simm.s32 $0x600;
	s16 =	simm.s32 $0x0;
	_ =	swait.ge @p4 [sflag:s17], $0x400  }
.LBB2_2:
0x88: {  	[sflag:s17] =	ssyncset.done @p4 $0x0  }
0x89: {  	s16 =	sadd.s32 $0x1, s16;
	s18 =	smov.u32 s15;
	s15 =	sadd.s32 $0x600, s15  }
0x8a: {  	p5 =	sne.s32 s15, $0x13E00;
	[sflag:s17] =	ssyncadd.s32 @p4 $0xFFFFFC00  }
0x8b: {  	_ =	swait.ge [sflag:s2], $0x1000  }
0x8c: {  	s17 =	sshra.s32 s18, $0x2;
	[sflag:s2] =	ssyncset.done $0x0  }
0x8d: {  	p4 =	sgt.u32 s16, $0x1A;
	s18 =	sadd.s32 $0x100, s17;
	[sflag:s2] =	ssyncadd.s32 $0xFFFFF000  }
0x8e: {  	[tilespmem:s6], [sflag:$0x1] =	stream.indirect.gather [hbm4b:s12+s28], $0x20, s18, s28, $0xb8;
	[tilespmem:$0x15E10] =	vst v63  }
0x8f: {  	p6 =	por !p4, !p4;
	s18 =	sadd.s32 $0x5100, s17  }
0x90: {  	[spmem:s1] =	stream.indirect.scatter.add.bf16 [tilespmem:s31], [sflag:$0x4], $0x20, s18, s28, $0xb8;
	[tilespmem:$0x15E10] =	vst v63  }
0x91: {  	p6 =	por @!p1 p4, p4;
	_ =	swait.ge [sflag:s7], $0x1000  }
0x92: {  	p4 =	por !p3, !p6;
	[sflag:s7] =	ssyncset.done $0x0  }
0x93: {  	p4 =	por !p4, !p4;
	[sflag:s7] =	ssyncadd.s32 $0xFFFFF000  }
0x94: {  	s19 =	simm.s32 @p4 $0x80;
	s20 =	simm.s32 @p4 $0xD200;
	s21 =	simm.s32 @p4 $0x4  }
0x95: {  	[spmem:s3] =	stream.indirect.scatter.add.f32 @p4 [tilespmem:s20], [sflag:$0x4], $0x8, s18, s19, $0xb8;
	[tilespmem:$0x15E10] =	vst v63  }
0x96: {  	_ =	swait.ge @p4 [sflag:s21], $0x400  }
0x97: {  	[sflag:s21] =	ssyncset.done @p4 $0x0  }
0x98: {  	[sflag:s21] =	ssyncadd.s32 @p4 $0xFFFFFC00  }
0x99: {  	_ =	swait.ge [sflag:s2], $0x1000  }
0x9a: {  	s18 =	sadd.s32 $0x180, s17;
	[sflag:s2] =	ssyncset.done $0x0  }
0x9b: {  	s22 =	sadd.s32 $0x5180, s17;
	[sflag:s2] =	ssyncadd.s32 $0xFFFFF000  }
0x9c: {  	[tilespmem:s31], [sflag:$0x1] =	stream.indirect.gather [hbm4b:s12+s28], $0x20, s18, s28, $0xb8;
	[tilespmem:$0x15E10] =	vst v63  }
0x9d: {  	_ = 	snop  }
0x9e: {  	[spmem:s1] =	stream.indirect.scatter.add.bf16 [tilespmem:s5], [sflag:$0x4], $0x20, s22, s28, $0xb8;
	[tilespmem:$0x15E10] =	vst v63  }
0x9f: {  	_ =	swait.ge [sflag:s7], $0x1000  }
0xa0: {  	[sflag:s7] =	ssyncset.done $0x0  }
0xa1: {  	[sflag:s7] =	ssyncadd.s32 $0xFFFFF000  }
0xa2: {  	[spmem:s3] =	stream.indirect.scatter.add.f32 @p4 [tilespmem:s20], [sflag:$0x4], $0x8, s22, s19, $0xb8;
	[tilespmem:$0x15E10] =	vst v63  }
0xa3: {  	_ =	swait.ge @p4 [sflag:s21], $0x400  }
0xa4: {  	[sflag:s21] =	ssyncset.done @p4 $0x0  }
0xa5: {  	[sflag:s21] =	ssyncadd.s32 @p4 $0xFFFFFC00  }
0xa6: {  	_ =	swait.ge [sflag:s2], $0x1000  }
0xa7: {  	s18 =	sadd.s32 $0x200, s17;
	[sflag:s2] =	ssyncset.done $0x0  }
0xa8: {  	s21 =	sadd.s32 $0x5200, s17;
	[sflag:s2] =	ssyncadd.s32 $0xFFFFF000  }
0xa9: {  	[tilespmem:s5], [sflag:$0x1] =	stream.indirect.gather [hbm4b:s12+s28], $0x20, s18, s28, $0xb8;
	[tilespmem:$0x15E10] =	vst v63  }
0xaa: {  	_ = 	snop  }
0xab: {  	[spmem:s1] =	stream.indirect.scatter.add.bf16 [tilespmem:s6], [sflag:$0x4], $0x20, s21, s28, $0xb8;
	[tilespmem:$0x15E10] =	vst v63  }
.Ltmp0:
0xac: {  	_ =	swait.ge [sflag:s7], $0x1000;
	(pc) =	sbr.rel @p5 .LBB2_2-.Ltmp0, $4  }
0xad: {  	[sflag:s7] =	ssyncset.done $0x0  }
0xae: {  	s17 =	simm.s32 @p4 $0x3;
	[sflag:s7] =	ssyncadd.s32 $0xFFFFF000  }
0xaf: {  	[spmem:s3] =	stream.indirect.scatter.add.f32 @p4 [tilespmem:s20], [sflag:$0x3], $0x8, s21, s19, $0xb8;
	[tilespmem:$0x15E10] =	vst v63  }
0xb0: {  	_ =	swait.ge @p4 [sflag:s17], $0x400  }
0xb1: {  	[sflag:s17] =	ssyncset.done @p4 $0x0  }
0xb2: {  	[sflag:s17] =	ssyncadd.s32 @p4 $0xFFFFFC00  }
0xb3: {  	_ =	swait.ge [sflag:s2], $0x1000  }
0xb4: {  	[sflag:s2] =	ssyncset.done $0x0  }
0xb5: {  	s15 =	simm.s32 $0x5080;
	[sflag:s2] =	ssyncadd.s32 $0xFFFFF000  }
0xb6: {  	[tilespmem:s6], [sflag:$0x1] =	stream.indirect.gather [hbm4b:s12+s28], $0x20, s15, s28, $0xb8;
	[tilespmem:$0x15E10] =	vst v63  }
0xb7: {  	s21 =	simm.s32 $0xA080  }
0xb8: {  	[spmem:s1] =	stream.indirect.scatter.add.bf16 [tilespmem:s31], [sflag:$0x4], $0x20, s21, s28, $0xb8;
	[tilespmem:$0x15E10] =	vst v63  }
0xb9: {  	p3 =	por !p3, !p0;
	_ =	swait.ge [sflag:s7], $0x1000  }
0xba: {  	p3 =	por !p3, !p3;
	[sflag:s7] =	ssyncset.done $0x0  }
0xbb: {  	s15 =	simm.s32 @!p3 $0x1;
	[sflag:s7] =	ssyncadd.s32 $0xFFFFF000  }
0xbc: {  	_ =	swait.ge @!p3 [sflag:s15], $0x1000  }
0xbd: {  	s16 =	simm.s32 @!p3 $0xA100;
	[sflag:s15] =	ssyncset.done @!p3 $0x0  }
0xbe: {  	s17 =	simm.s32 @!p3 $0xB200;
	[sflag:s15] =	ssyncadd.s32 @!p3 $0xFFFFF000;
	s15 =	simm.s32 @!p3 $0x80  }
0xbf: {  	[spmem:s1] =	stream.indirect.scatter.add.bf16 @!p3 [tilespmem:s17], [sflag:$0x4], $0x20, s16, s15, $0xb8;
	[tilespmem:$0x15E10] =	vst v63  }
0xc0: {  	s15 =	simm.s32 @!p3 $0x4  }
0xc1: {  	_ =	swait.ge @!p3 [sflag:s15], $0x1000  }
0xc2: {  	s16 =	simm.s32 @p3 $0xA080;
	[sflag:s15] =	ssyncset.done @!p3 $0x0  }
0xc3: {  	s17 =	simm.s32 @p3 $0xD200;
	[sflag:s15] =	ssyncadd.s32 @!p3 $0xFFFFF000;
	s15 =	simm.s32 @p3 $0x80  }
0xc4: {  	[spmem:s3] =	stream.indirect.scatter.add.f32 @p3 [tilespmem:s17], [sflag:$0x4], $0x8, s16, s15, $0xb8;
	[tilespmem:$0x15E10] =	vst v63  }
0xc5: {  	s16 =	simm.s32 @p3 $0x4  }
0xc6: {  	_ =	swait.ge @p3 [sflag:s16], $0x400  }
0xc7: {  	[sflag:s16] =	ssyncset.done @p3 $0x0  }
0xc8: {  	s18 =	simm.s32 @p3 $0x1;
	[sflag:s16] =	ssyncadd.s32 @p3 $0xFFFFFC00  }
0xc9: {  	_ =	swait.ge @p3 [sflag:s18], $0x1000  }
0xca: {  	[sflag:s18] =	ssyncset.done @p3 $0x0  }
0xcb: {  	s19 =	simm.s32 @p3 $0xB200;
	[sflag:s18] =	ssyncadd.s32 @p3 $0xFFFFF000;
	s18 =	simm.s32 @p3 $0xA100  }
0xcc: {  	[spmem:s1] =	stream.indirect.scatter.add.bf16 @p3 [tilespmem:s19], [sflag:$0x4], $0x20, s18, s15, $0xb8;
	[tilespmem:$0x15E10] =	vst v63  }
0xcd: {  	_ =	swait.ge @p3 [sflag:s16], $0x1000  }
0xce: {  	[sflag:s16] =	ssyncset.done @p3 $0x0  }
0xcf: {  	[sflag:s16] =	ssyncadd.s32 @p3 $0xFFFFF000  }
0xd0: {  	[spmem:s3] =	stream.indirect.scatter.add.f32 @p3 [tilespmem:s17], [sflag:$0x4], $0x8, s18, s15, $0xb8;
	[tilespmem:$0x15E10] =	vst v63  }
0xd1: {  	_ =	swait.ge @p3 [sflag:s16], $0x400  }
0xd2: {  	[sflag:s16] =	ssyncset.done @p3 $0x0  }
0xd3: {  	[sflag:s16] =	ssyncadd.s32 @p3 $0xFFFFFC00  }
0xd4: {  	_ =	swait.ge [sflag:s2], $0x1000  }
0xd5: {  	[sflag:s2] =	ssyncset.done $0x0  }
0xd6: {  	s22 =	simm.s32 $0xA180;
	[sflag:s2] =	ssyncadd.s32 $0xFFFFF000  }
0xd7: {  	[spmem:s1] =	stream.indirect.scatter.add.bf16 [tilespmem:s6], [sflag:$0x4], $0x20, s22, s28, $0xb8;
	[tilespmem:$0x15E10] =	vst v63  }
0xd8: {  	_ =	swait.ge [sflag:s7], $0x1000  }
0xd9: {  	[sflag:s7] =	ssyncset.done $0x0  }
0xda: {  	s16 =	simm.s32 @p3 $0xA180;
	[sflag:s7] =	ssyncadd.s32 $0xFFFFF000  }
0xdb: {  	[spmem:s3] =	stream.indirect.scatter.add.f32 @p3 [tilespmem:s17], [sflag:$0x3], $0x8, s16, s15, $0xb8;
	[tilespmem:$0x15E10] =	vst v63  }
0xdc: {  	s15 =	simm.s32 @p3 $0x3  }
0xdd: {  	_ =	swait.ge @p3 [sflag:s15], $0x400  }
0xde: {  	[sflag:s15] =	ssyncset.done @p3 $0x0  }
0xdf: {  	[sflag:s15] =	ssyncadd.s32 @p3 $0xFFFFFC00  }
0xe0: {  	[bflag:$0x0] =	sbarrier.arrive $0xFFFF  }
0xe1: {  	[tilespmem:s31], [sflag:$0x3] =	stream.linear.gather [spmem:s9], $0x1000, $0x38;
	[tilespmem:$0x15E10] =	vst v63  }
0xe2: {  	_ =	swait.ge [sflag:s29], $0x1000  }
0xe3: {  	[sflag:s29] =	ssyncset.done $0x0  }
0xe4: {  	s18 =	rddreg [dreg:$0xa];
	[sflag:s29] =	ssyncadd.s32 $0xFFFFF000  }
0xe5: {  	[hbm4b:s18+s4] =	stream.linear.scatter [tilespmem:s31], [sflag:$0x2], $0x1000, $0x38;
	[tilespmem:$0x15E10] =	vst v63  }
0xe6: {  	_ = 	snop  }
0xe7: {  	[tilespmem:s5], [sflag:$0x3] =	stream.linear.gather [spmem:s10], $0x1000, $0x38;
	[tilespmem:$0x15E10] =	vst v63  }
0xe8: {  	_ =	swait.ge [sflag:s29], $0x1000  }
0xe9: {  	[sflag:s29] =	ssyncset.done $0x0  }
0xea: {  	s19 =	rddreg [dreg:$0xb];
	[sflag:s29] =	ssyncadd.s32 $0xFFFFF000  }
0xeb: {  	[hbm4b:s19+s4] =	stream.linear.scatter [tilespmem:s5], [sflag:$0x2], $0x1000, $0x38;
	[tilespmem:$0x15E10] =	vst v63  }
0xec: {  	_ = 	snop  }
0xed: {  	[tilespmem:s6], [sflag:$0x3] =	stream.linear.gather [spmem:s11], $0x1000, $0x38;
	[tilespmem:$0x15E10] =	vst v63  }
0xee: {  	_ =	swait.ge [sflag:s29], $0x1000  }
0xef: {  	[sflag:s29] =	ssyncset.done $0x0  }
0xf0: {  	s20 =	rddreg [dreg:$0xc];
	[sflag:s29] =	ssyncadd.s32 $0xFFFFF000  }
0xf1: {  	[hbm4b:s20+s4] =	stream.linear.scatter [tilespmem:s6], [sflag:$0x2], $0x1000, $0x38;
	[tilespmem:$0x15E10] =	vst v63  }
0xf2: {  	_ =	swait.ge [sflag:s0], $0x1000  }
0xf3: {  	[sflag:s0] =	ssyncset.done $0x0  }
0xf4: {  	[sflag:s0] =	ssyncadd.s32 $0xFFFFF000  }
0xf5: {  	[tilespmem:s31], [sflag:$0x3] =	stream.linear.gather [spmem:s13], $0x1000, $0x38;
	[tilespmem:$0x15E10] =	vst v63  }
0xf6: {  	_ =	swait.ge [sflag:s29], $0x1000  }
0xf7: {  	[sflag:s29] =	ssyncset.done $0x0  }
0xf8: {  	s21 =	rddreg [dreg:$0xd];
	[sflag:s29] =	ssyncadd.s32 $0xFFFFF000  }
0xf9: {  	[hbm4b:s21+s4] =	stream.linear.scatter [tilespmem:s31], [sflag:$0x2], $0x1000, $0x38;
	[tilespmem:$0x15E10] =	vst v63  }
0xfa: {  	_ =	swait.ge [sflag:s0], $0x1000  }
0xfb: {  	[sflag:s0] =	ssyncset.done $0x0  }
0xfc: {  	[sflag:s0] =	ssyncadd.s32 $0xFFFFF000  }
0xfd: {  	[tilespmem:s5], [sflag:$0x3] =	stream.linear.gather [spmem:s14], $0x1000, $0x38;
	[tilespmem:$0x15E10] =	vst v63  }
0xfe: {  	_ =	swait.ge [sflag:s29], $0x1000  }
0xff: {  	[sflag:s29] =	ssyncset.done $0x0  }
0x100: {  	s22 =	rddreg [dreg:$0xe];
	[sflag:s29] =	ssyncadd.s32 $0xFFFFF000  }
0x101: {  	[hbm4b:s22+s4] =	stream.linear.scatter [tilespmem:s5], [sflag:$0x2], $0x1000, $0x38;
	[tilespmem:$0x15E10] =	vst v63  }
0x102: {  	_ =	swait.ge [sflag:s0], $0x1000  }
0x103: {  	[sflag:s0] =	ssyncset.done $0x0  }
0x104: {  	[sflag:s0] =	ssyncadd.s32 $0xFFFFF000  }
0x105: {  	_ =	swait.ge [sflag:s0], $0x1000  }
0x106: {  	[sflag:s0] =	ssyncset.done $0x0  }
0x107: {  	[sflag:s0] =	ssyncadd.s32 $0xFFFFF000  }
0x108: {  	_ =	swait.ge [sflag:s0], $0x1000  }
0x109: {  	[sflag:s0] =	ssyncset.done $0x0  }
0x10a: {  	s16 =	simm.s32 @!p2 $0x3;
	s15 =	simm.s32 @!p2 $0xE600;
	[sflag:s0] =	ssyncadd.s32 $0xFFFFF000  }
0x10b: {  	[tilespmem:s15], [sflag:$0x3] =	stream.linear.gather @!p2 [spmem:s24], $0x1400, $0x38;
	[tilespmem:$0x15E10] =	vst v63  }
0x10c: {  	s8 =	sadd.s32 $0x1, s8;
	_ =	swait.ge @!p2 [sflag:s16], $0x1400  }
0x10d: {  	s17 =	sadd.s32 @!p2 s25, s23;
	p3 =	sne.s32 s8, s26;
	[sflag:s16] =	ssyncset.done @!p2 $0x0  }
.Ltmp1:
0x10e: {  	s18 =	simm.s32 @!p2 $0x0;
	[sflag:s16] =	ssyncadd.s32 @!p2 $0xFFFFEC00;
	(pc) =	sbr.rel @p3 .LBB2_1-.Ltmp1, $4  }
0x10f: {  	[hbm4b:s17+s18] =	stream.linear.scatter @!p2 [tilespmem:s15], [sflag:$0x3], $0x1400, $0x38;
	[tilespmem:$0x15E10] =	vst v63  }
0x110: {  	_ =	swait.ge @!p2 [sflag:s16], $0x1400  }
0x111: {  	[sflag:s16] =	ssyncset.done @!p2 $0x0  }
0x112: {  	[sflag:s16] =	ssyncadd.s32 @!p2 $0xFFFFEC00  }
0x113: {  	_ =	sfence.sel $0x180000  }
0x114: {  	[bflag:$0x0] =	sbarrier.arrive $0xFFFF  }
0x115: {  	_ =	strace $0x90000047  }
0x116: {  	s0 =	stileid.u32;
	[bflag:$0x2] =	sbarrier.arrive $0xFFFF  }
0x117: {  	p0 =	sne.s32 s0, $0x0;
	s0 =	rddreg [dreg:$0x4]  }
0x118: {  	s0 =	sadd.s32 @!p0 $0x100000, s0  }
0x119: {  	[sflag:s0] =	ssyncadd.tile.s32 @!p0 $0x1;
	_ =	shalt  }
.Lfunc_end2:
_tile_overlayer_lowered:
.L_overlay_start_2:
0x11a: {  	(tag) =	ssettag $0x2  }
0x11b: {  	s0 =	rddreg [dreg:$0x0];
	s2 =	stileid.u32  }
0x11c: {  	s1 =	rddreg [dreg:$0x1];
	p0 =	sne.s32 s2, $0x0  }
0x11d: {  	s3 =	rddreg [dreg:$0x2];
	[bflag:$0x3] =	sbarrier.arrive $0xFFFF;
	s2 =	simm.s32 @!p0 $0x1C03  }
0x11e: {  	[timem:s3], [sflag:s2] =	dma.local @!p0 [hbm:s0], s1  }
0x11f: {  	s0 =	simm.s32 @!p0 $0x3  }
0x120: {  	_ =	swait.ge @!p0 [sflag:s0], s1  }
0x121: {  	s1 =	ssub.s32 @!p0 $0x0, s1;
	[sflag:s0] =	ssyncset.done @!p0 $0x0  }
0x122: {  	[sflag:s0] =	ssyncadd.s32 @!p0 s1  }
0x123: {  	[bflag:$0x3] =	sbarrier.arrive $0xFFFF  }
0x124: {  	_ =	shalt  }

</sc_bundles>
